<compile_context>
chip_gen: v7x
topology: tpu7x:2x2x1
jax: 0.10.2.dev20260603
libtpu: 0.0.44.dev20260713+nightly
codegen_flags: <defaults>
</compile_context>

<pallas_src>
import jax
import jax.numpy as jnp
from jax import lax
from jax.experimental import pallas as pl
from jax.experimental.pallas import tpu as pltpu
from jax.experimental.pallas import tpu_sc as plsc

N0 = 10000
E0 = 160000
NP = 10240
NC, NS = 2, 16
NW = NC * NS
EPW = E0 // NW
CH0, CH1 = 2560, 2440
RPS = NP // NS
EQ = E0 // 4
PBS = 1600
NBS = 1024


def _mesh():
    return plsc.VectorSubcoreMesh(core_axis_name="c", subcore_axis_name="s",
                                  num_cores=NC, num_subcores=NS)


def _sc_params():
    return pltpu.CompilerParams(use_tc_tiling_on_sc=False)


def _sc_gather(table, idx, d, dt):
    def body(tab_ref, idx_ref, out_ref, idx_v0, idx_v1, rows_v, sem):
        wid = lax.axis_index("s") * NC + lax.axis_index("c")
        base = wid * EPW
        for off, ch, idx_v in ((base, CH0, idx_v0), (base + CH0, CH1, idx_v1)):
            pltpu.sync_copy(idx_ref.at[pl.ds(off, ch)], idx_v)
            pltpu.async_copy(tab_ref.at[idx_v], rows_v.at[pl.ds(0, ch)], sem).wait()
            pltpu.sync_copy(rows_v.at[pl.ds(0, ch)], out_ref.at[pl.ds(off, ch)])

    return pl.kernel(
        body,
        out_type=jax.ShapeDtypeStruct((E0, d), dt),
        mesh=_mesh(),
        scratch_types=[pltpu.VMEM((CH0,), jnp.int32),
                       pltpu.VMEM((CH1,), jnp.int32),
                       pltpu.VMEM((CH0, d), dt),
                       pltpu.SemaphoreType.DMA],
        compiler_params=_sc_params(),
    )(table, idx)


def _sc_scatter(msg, dstidx, zrows, d):
    def body(msg_ref, dst_ref, z_ref, out_ref, idx_v0, idx_v1, rows_v, acc):
        c = lax.axis_index("c")
        s = lax.axis_index("s")
        wid = s * NC + c
        r0 = s * RPS
        pltpu.sync_copy(z_ref.at[pl.ds(r0, RPS)], acc.at[pl.ds(r0, RPS)])
        plsc.subcore_barrier()
        base = wid * EPW
        for off, ch, idx_v in ((base, CH0, idx_v0), (base + CH0, CH1, idx_v1)):
            pltpu.sync_copy(dst_ref.at[pl.ds(off, ch)], idx_v)
            pltpu.sync_copy(msg_ref.at[pl.ds(off, ch)], rows_v.at[pl.ds(0, ch)])
            pltpu.sync_copy(rows_v.at[pl.ds(0, ch)], acc.at[idx_v], add=True)
        plsc.subcore_barrier()
        pltpu.sync_copy(acc.at[pl.ds(r0, RPS)], out_ref.at[c, pl.ds(r0, RPS)])

    return pl.kernel(
        body,
        out_type=jax.ShapeDtypeStruct((NC, NP, d), jnp.float32),
        mesh=_mesh(),
        scratch_types=[pltpu.VMEM((CH0,), jnp.int32),
                       pltpu.VMEM((CH1,), jnp.int32),
                       pltpu.VMEM((CH0, d), jnp.float32),
                       pltpu.VMEM_SHARED((NP, d), jnp.float32)],
        compiler_params=_sc_params(),
    )(msg, dstidx, zrows)


def _sc_gcn(g, srcidx, dstidx, zrows, d):
    def body(g_ref, src_ref, dst_ref, z_ref, out_ref,
             si_v0, si_v1, di_v0, di_v1, rows_v, acc, sem):
        c = lax.axis_index("c")
        s = lax.axis_index("s")
        wid = s * NC + c
        r0 = s * RPS
        pltpu.sync_copy(z_ref.at[pl.ds(r0, RPS)], acc.at[pl.ds(r0, RPS)])
        plsc.subcore_barrier()
        base = wid * EPW
        for off, ch, si_v, di_v in ((base, CH0, si_v0, di_v0),
                                    (base + CH0, CH1, si_v1, di_v1)):
            pltpu.sync_copy(src_ref.at[pl.ds(off, ch)], si_v)
            pltpu.sync_copy(dst_ref.at[pl.ds(off, ch)], di_v)
            pltpu.async_copy(g_ref.at[si_v], rows_v.at[pl.ds(0, ch)], sem).wait()
            pltpu.sync_copy(rows_v.at[pl.ds(0, ch)], acc.at[di_v], add=True)
        plsc.subcore_barrier()
        pltpu.sync_copy(acc.at[pl.ds(r0, RPS)], out_ref.at[c, pl.ds(r0, RPS)])

    return pl.kernel(
        body,
        out_type=jax.ShapeDtypeStruct((NC, NP, d), jnp.float32),
        mesh=_mesh(),
        scratch_types=[pltpu.VMEM((CH0,), jnp.int32),
                       pltpu.VMEM((CH1,), jnp.int32),
                       pltpu.VMEM((CH0,), jnp.int32),
                       pltpu.VMEM((CH1,), jnp.int32),
                       pltpu.VMEM((CH0, d), jnp.float32),
                       pltpu.VMEM_SHARED((NP, d), jnp.float32),
                       pltpu.SemaphoreType.DMA],
        compiler_params=_sc_params(),
    )(g, srcidx, dstidx, zrows)


def _tc_edge_msg(xjp, eap, ra, rb, w, bem, deg_col):
    def body(xjp_ref, eap_ref, ra_ref, rb_ref, w_ref, bem_ref, out_ref):
        xjb = xjp_ref[...].astype(jnp.bfloat16)
        eab = eap_ref[...].astype(jnp.bfloat16)
        a = jnp.dot(xjb, ra_ref[...],
                    preferred_element_type=jnp.float32).astype(jnp.bfloat16)
        b = jnp.dot(eab, rb_ref[...],
                    preferred_element_type=jnp.float32).astype(jnp.bfloat16)
        m = jnp.dot(a * b, w_ref[...], preferred_element_type=jnp.float32)
        m = m + jnp.dot(xjb, bem_ref[...], preferred_element_type=jnp.float32)
        if deg_col is not None:
            lanes = lax.broadcasted_iota(jnp.int32, (PBS, 128), 1)
            m = m + jnp.where(lanes % 32 == deg_col, 1.0, 0.0)
        out_ref[...] = m

    return pl.pallas_call(
        body,
        grid=(EQ // PBS,),
        in_specs=[pl.BlockSpec((PBS, 128), lambda i: (i, 0)),
                  pl.BlockSpec((PBS, 64), lambda i: (i, 0)),
                  pl.BlockSpec((128, 2048), lambda i: (0, 0)),
                  pl.BlockSpec((64, 2048), lambda i: (0, 0)),
                  pl.BlockSpec((2048, 128), lambda i: (0, 0)),
                  pl.BlockSpec((128, 128), lambda i: (0, 0))],
        out_specs=pl.BlockSpec((PBS, 128), lambda i: (i, 0)),
        out_shape=jax.ShapeDtypeStruct((EQ, 128), jnp.float32),
    )(xjp, eap, ra, rb, w, bem)


def _tc_h1(a0, a1, xp, r1p, bi1):
    def body(a0_ref, a1_ref, x_ref, r_ref, b_ref, h_ref, dinv_ref):
        ssum = a0_ref[0] + a1_ref[0]
        hf = ssum + jnp.dot(x_ref[...], r_ref[...],
                            preferred_element_type=jnp.float32) + b_ref[...]
        lanes = lax.broadcasted_iota(jnp.int32, (NBS, 32), 1)
        h_ref[...] = jnp.where(lanes < 24, jnp.maximum(hf, 0.0), 0.0)
        deg = ssum[:, 24:25] + 1.0
        dinv_ref[...] = jnp.broadcast_to(lax.rsqrt(deg), (NBS, 8))

    return pl.pallas_call(
        body,
        grid=(NP // NBS,),
        in_specs=[pl.BlockSpec((1, NBS, 32), lambda i: (0, i, 0)),
                  pl.BlockSpec((1, NBS, 32), lambda i: (1, i, 0)),
                  pl.BlockSpec((NBS, 32), lambda i: (i, 0)),
                  pl.BlockSpec((32, 32), lambda i: (0, 0)),
                  pl.BlockSpec((1, 32), lambda i: (0, 0))],
        out_specs=[pl.BlockSpec((NBS, 32), lambda i: (i, 0)),
                   pl.BlockSpec((NBS, 8), lambda i: (i, 0))],
        out_shape=[jax.ShapeDtypeStruct((NP, 32), jnp.float32),
                   jax.ShapeDtypeStruct((NP, 8), jnp.float32)],
    )(a0, a1, xp, r1p, bi1)


def _tc_g(a0, a1, h1, dinv, r2p, bi2, wc):
    def body(a0_ref, a1_ref, h1_ref, dv_ref, r_ref, b_ref, wc_ref, g_ref):
        h2 = a0_ref[0] + a1_ref[0] + jnp.dot(
            h1_ref[...], r_ref[...], preferred_element_type=jnp.float32) + b_ref[...]
        h2 = jnp.maximum(h2, 0.0)
        g_ref[...] = dv_ref[:, 0:1] * jnp.dot(
            h2, wc_ref[...], preferred_element_type=jnp.float32)

    return pl.pallas_call(
        body,
        grid=(NP // NBS,),
        in_specs=[pl.BlockSpec((1, NBS, 32), lambda i: (0, i, 0)),
                  pl.BlockSpec((1, NBS, 32), lambda i: (1, i, 0)),
                  pl.BlockSpec((NBS, 32), lambda i: (i, 0)),
                  pl.BlockSpec((NBS, 8), lambda i: (i, 0)),
                  pl.BlockSpec((32, 32), lambda i: (0, 0)),
                  pl.BlockSpec((1, 32), lambda i: (0, 0)),
                  pl.BlockSpec((32, 16), lambda i: (0, 0))],
        out_specs=pl.BlockSpec((NBS, 16), lambda i: (i, 0)),
        out_shape=jax.ShapeDtypeStruct((NP, 16), jnp.float32),
    )(a0, a1, h1, dinv, r2p, bi2, wc)


def _tc_final(s0, s1, g, dinv, bc):
    def body(s0_ref, s1_ref, g_ref, dv_ref, b_ref, o_ref):
        o_ref[...] = dv_ref[:, 0:1] * (s0_ref[0] + s1_ref[0] + g_ref[...]) + b_ref[...]

    return pl.pallas_call(
        body,
        grid=(NP // NBS,),
        in_specs=[pl.BlockSpec((1, NBS, 16), lambda i: (0, i, 0)),
                  pl.BlockSpec((1, NBS, 16), lambda i: (1, i, 0)),
                  pl.BlockSpec((NBS, 16), lambda i: (i, 0)),
                  pl.BlockSpec((NBS, 8), lambda i: (i, 0)),
                  pl.BlockSpec((1, 16), lambda i: (0, 0))],
        out_specs=pl.BlockSpec((NBS, 16), lambda i: (i, 0)),
        out_shape=jax.ShapeDtypeStruct((NP, 16), jnp.float32),
    )(s0, s1, g, dinv, bc)


def kernel(x, edge_index, edge_attr, We1, be1, root1, bias1,
           We2, be2, root2, bias2, Wmu, bmu, Wls, bls):
    f32 = jnp.float32
    src = edge_index[0]
    dst = edge_index[1]
    ea = edge_attr
    xp = jnp.zeros((NP, 32), f32).at[:N0].set(x)

    bf16 = jnp.bfloat16
    colr = jnp.arange(2048)
    s_c, rem = colr // 512, colr % 512
    i_c, f_c = rem // 16, rem % 16
    rowa = jnp.arange(128)
    ra = ((rowa[:, None] // 32 == s_c[None, :])
          & (rowa[:, None] % 32 == i_c[None, :])).astype(bf16)
    rowb = jnp.arange(64)
    rb = ((rowb[:, None] // 16 == s_c[None, :])
          & (rowb[:, None] % 16 == f_c[None, :])).astype(bf16)

    eye4 = jnp.eye(4, dtype=f32)
    w1 = jnp.kron(eye4, jnp.zeros((512, 32), f32).at[:, :24].set(
        We1.reshape(16, 32, 24).transpose(1, 0, 2).reshape(512, 24))).astype(bf16)
    b1m = jnp.kron(eye4, jnp.zeros((32, 32), f32).at[:, :24].set(
        be1.reshape(32, 24))).astype(bf16)
    w2 = jnp.kron(eye4, jnp.zeros((512, 32), f32).at[:384, :16].set(
        We2.reshape(16, 24, 16).transpose(1, 0, 2).reshape(384, 16))).astype(bf16)
    b2m = jnp.kron(eye4, jnp.zeros((32, 32), f32).at[:24, :16].set(
        be2.reshape(24, 16))).astype(bf16)
    r1p = jnp.zeros((32, 32), f32).at[:, :24].set(root1)
    bi1 = jnp.zeros((1, 32), f32).at[0, :24].set(bias1)
    r2p = jnp.zeros((32, 32), f32).at[:24, :16].set(root2)
    bi2 = jnp.zeros((1, 32), f32).at[0, :16].set(bias2)
    wc = jnp.zeros((32, 16), f32).at[:16].set(jnp.concatenate([Wmu, Wls], axis=1))
    bc = jnp.concatenate([bmu, bls]).reshape(1, 16)
    z32 = jnp.zeros((NP, 32), f32)
    z16 = jnp.zeros((NP, 16), f32)

    eap = ea.reshape(EQ, 64)

    xj = _sc_gather(xp, src, 32, f32)
    msg1p = _tc_edge_msg(xj.reshape(EQ, 128), eap, ra, rb, w1, b1m, deg_col=24)
    acc1 = _sc_scatter(msg1p.reshape(E0, 32), dst, z32, 32)
    h1, dinv = _tc_h1(acc1, acc1, xp, r1p, bi1)

    h1j = _sc_gather(h1, src, 32, f32)
    msg2p = _tc_edge_msg(h1j.reshape(EQ, 128), eap, ra, rb, w2, b2m, deg_col=None)
    acc2 = _sc_scatter(msg2p.reshape(E0, 32), dst, z32, 32)
    g = _tc_g(acc2, acc2, h1, dinv, r2p, bi2, wc)

    s = _sc_gcn(g, src, dst, z16, 16)
    o = _tc_final(s, s, g, dinv, bc)
    return (o[:N0, :8], o[:N0, 8:16])

# --- scband reference (transcript-rebuilt; emitter-appended) ---
"""Pipeline reference for scband-v-pfae-ec-68539088110354 (READ-ONLY COPY).

The authoritative reference and input builder live on the scoring server;
editing this copy changes nothing except your own understanding.
"""

import jax, jax.numpy as jnp
import numpy as np

N = 10000
E = 160000
IN_C = 32
OUT_C = 8
EF = 16
L1 = 24  # in - floor((in-out)/3) = 32 - 8
L2 = 16  # in - floor(2*(in-out)/3) = 32 - 16


def _nnconv(x, edge_index, edge_attr, We, be, root, bias, in_c, out_c):
    src = edge_index[0]
    dst = edge_index[1]
    # edge-conditioned per-edge weight matrices [E, in_c, out_c]
    w = (edge_attr @ We + be).reshape(-1, in_c, out_c)
    xj = jnp.take(x, src, axis=0)
    msg = jnp.einsum('ei,eio->eo', xj, w)
    aggr = jnp.zeros((x.shape[0], out_c), x.dtype).at[dst].add(msg)  # aggr='add'
    return aggr + x @ root + bias


def _gcnconv(x, edge_index, W, b):
    n = x.shape[0]
    h = x @ W
    loop = jnp.arange(n, dtype=edge_index.dtype)
    src = jnp.concatenate([edge_index[0], loop])
    dst = jnp.concatenate([edge_index[1], loop])
    deg = jnp.zeros((n,), h.dtype).at[dst].add(1.0)
    dinv = jnp.where(deg > 0, jax.lax.rsqrt(deg), 0.0)
    norm = dinv[src] * dinv[dst]
    msg = jnp.take(h, src, axis=0) * norm[:, None]
    out = jnp.zeros((n, h.shape[1]), h.dtype).at[dst].add(msg)
    return out + b


def setup_inputs(seed: int = 0):
    key = jax.random.key(seed)
    ks = jax.random.split(key, 12)
    x = jax.random.normal(ks[0], (N, IN_C), jnp.float32)
    edge_index = jax.random.randint(ks[1], (2, E), 0, N, dtype=jnp.int32)
    edge_attr = jax.random.normal(ks[2], (E, EF), jnp.float32)
    We1 = jax.random.normal(ks[3], (EF, IN_C * L1), jnp.float32) * 0.05
    be1 = jnp.zeros((IN_C * L1,), jnp.float32)
    root1 = jax.random.normal(ks[4], (IN_C, L1), jnp.float32) * 0.1
    bias1 = jnp.zeros((L1,), jnp.float32)
    We2 = jax.random.normal(ks[5], (EF, L1 * L2), jnp.float32) * 0.05
    be2 = jnp.zeros((L1 * L2,), jnp.float32)
    root2 = jax.random.normal(ks[6], (L1, L2), jnp.float32) * 0.1
    bias2 = jnp.zeros((L2,), jnp.float32)
    Wmu = jax.random.normal(ks[7], (L2, OUT_C), jnp.float32) * 0.1
    bmu = jnp.zeros((OUT_C,), jnp.float32)
    Wls = jax.random.normal(ks[8], (L2, OUT_C), jnp.float32) * 0.1
    bls = jnp.zeros((OUT_C,), jnp.float32)
    return {"x": x, "edge_index": edge_index, "edge_attr": edge_attr,
            "We1": We1, "be1": be1, "root1": root1, "bias1": bias1,
            "We2": We2, "be2": be2, "root2": root2, "bias2": bias2,
            "Wmu": Wmu, "bmu": bmu, "Wls": Wls, "bls": bls}


def reference(x, edge_index, edge_attr, We1, be1, root1, bias1, We2, be2, root2, bias2, Wmu, bmu, Wls, bls):
    h = jax.nn.relu(_nnconv(x, edge_index, edge_attr, We1, be1, root1, bias1, IN_C, L1))
    h = jax.nn.relu(_nnconv(h, edge_index, edge_attr, We2, be2, root2, bias2, L1, L2))
    mu = _gcnconv(h, edge_index, Wmu, bmu)
    logstd = _gcnconv(h, edge_index, Wls, bls)
    return (mu, logstd)

if __name__ == "__main__":
    import jax
    _d = setup_inputs()
    print(jax.jit(kernel)(*tuple(_d.values())))

</pallas_src>

<mosaic_0001>
#map = affine_map<(d0, d1) -> (0, 0)>
#map1 = affine_map<(d0, d1) -> (0)>
#map2 = affine_map<(d0, d1) -> (0, 0, 0)>
module attributes {stable_mosaic.version = 14 : i64} {
  func.func @body(%arg0: i32, %arg1: i32, %arg2: memref<160000x32xf32, #tpu.memory_space<hbm>>, %arg3: memref<160000xi32, #tpu.memory_space<hbm>>, %arg4: memref<10240x32xf32, #tpu.memory_space<hbm>>, %arg5: memref<2x10240x32xf32, #tpu.memory_space<hbm>>, %arg6: memref<2560xi32, #tpu.memory_space<vmem>>, %arg7: memref<2440xi32, #tpu.memory_space<vmem>>, %arg8: memref<2560x32xf32, #tpu.memory_space<vmem>>, %arg9: memref<10240x32xf32, #tpu.memory_space<vmem_shared>>) attributes {dimension_semantics = [#tpu.dimension_semantics<core_parallel>, #tpu.dimension_semantics<subcore_parallel>], iteration_bounds = array<i64: 2, 16>, scalar_prefetch = 0 : i64, scratch_operands = 4 : i64, tpu.core_type = #tpu.core_type<sc_vector_subcore>, window_params = [{transform_indices = #map}, {transform_indices = #map1}, {transform_indices = #map}, {transform_indices = #map2}]} {
    %mul3A = arith.constant 2 : i32
    %mul3A_0 = arith.muli %arg1, %mul3A : i32
    %add3A = arith.addi %mul3A_0, %arg0 : i32
    %mul3A_1 = arith.constant 640 : i32
    %mul3A_2 = arith.muli %arg1, %mul3A_1 : i32
    "tpu.region"() ({
      %run_scoped3A = tpu.sem_alloc : memref<!tpu.dma_semaphore, #tpu.memory_space<semaphore_mem>>
      %dma_start3A = arith.constant 0 : i32
      %dma_start3A_8 = tpu.memref_slice %arg9[%mul3A_2, %dma_start3A] : memref<10240x32xf32, #tpu.memory_space<vmem_shared>> -> memref<640x32xf32, #tpu.memory_space<vmem_shared>>
      %dma_start3A_9 = arith.constant 0 : i32
      %dma_start3A_10 = tpu.memref_slice %arg4[%mul3A_2, %dma_start3A_9] : memref<10240x32xf32, #tpu.memory_space<hbm>> -> memref<640x32xf32, #tpu.memory_space<hbm>>
      tpu.enqueue_dma source(%dma_start3A_10 : memref<640x32xf32, #tpu.memory_space<hbm>>) target(%dma_start3A_8 : memref<640x32xf32, #tpu.memory_space<vmem_shared>>) target_semaphore(%run_scoped3A : memref<!tpu.dma_semaphore, #tpu.memory_space<semaphore_mem>>)
      %dma_wait3A = arith.constant 0 : i32
      %dma_wait3A_11 = tpu.memref_slice %arg9[%mul3A_2, %dma_wait3A] : memref<10240x32xf32, #tpu.memory_space<vmem_shared>> -> memref<640x32xf32, #tpu.memory_space<vmem_shared>>
      %dma_wait3A_12 = arith.constant 0 : i32
      %dma_wait3A_13 = tpu.memref_slice %arg4[%mul3A_2, %dma_wait3A_12] : memref<10240x32xf32, #tpu.memory_space<hbm>> -> memref<640x32xf32, #tpu.memory_space<hbm>>
      tpu.wait_dma2 semaphore(%run_scoped3A : memref<!tpu.dma_semaphore, #tpu.memory_space<semaphore_mem>>) src(%dma_wait3A_13 : memref<640x32xf32, #tpu.memory_space<hbm>>) dst(%dma_wait3A_11 : memref<640x32xf32, #tpu.memory_space<vmem_shared>>)
      tpu.yield
    }) : () -> ()
    %barrier3A = arith.constant 0 : index
    tpu.barrier barrier_id(%barrier3A)
    %mul3A_3 = arith.constant 5000 : i32
    %mul3A_4 = arith.muli %add3A, %mul3A_3 : i32
    %add3A_5 = arith.constant 2560 : i32
    %add3A_6 = arith.addi %mul3A_4, %add3A_5 : i32
    "tpu.region"() ({
      %run_scoped3A = tpu.sem_alloc : memref<!tpu.dma_semaphore, #tpu.memory_space<semaphore_mem>>
      %dma_start3A = tpu.memref_slice %arg3[%mul3A_4] : memref<160000xi32, #tpu.memory_space<hbm>> -> memref<2560xi32, #tpu.memory_space<hbm>>
      %dma_start3A_8 = tpu.memref_slice %arg3[%mul3A_4] : memref<160000xi32, #tpu.memory_space<hbm>> -> memref<2560xi32, #tpu.memory_space<hbm>>
      tpu.enqueue_dma source(%dma_start3A_8 : memref<2560xi32, #tpu.memory_space<hbm>>) target(%arg6 : memref<2560xi32, #tpu.memory_space<vmem>>) target_semaphore(%run_scoped3A : memref<!tpu.dma_semaphore, #tpu.memory_space<semaphore_mem>>)
      %dma_wait3A = tpu.memref_slice %arg3[%mul3A_4] : memref<160000xi32, #tpu.memory_space<hbm>> -> memref<2560xi32, #tpu.memory_space<hbm>>
      %dma_wait3A_9 = tpu.memref_slice %arg3[%mul3A_4] : memref<160000xi32, #tpu.memory_space<hbm>> -> memref<2560xi32, #tpu.memory_space<hbm>>
      tpu.wait_dma2 semaphore(%run_scoped3A : memref<!tpu.dma_semaphore, #tpu.memory_space<semaphore_mem>>) src(%dma_wait3A_9 : memref<2560xi32, #tpu.memory_space<hbm>>) dst(%arg6 : memref<2560xi32, #tpu.memory_space<vmem>>)
      tpu.yield
    }) : () -> ()
    "tpu.region"() ({
      %run_scoped3A = tpu.sem_alloc : memref<!tpu.dma_semaphore, #tpu.memory_space<semaphore_mem>>
      %dma_start3A = arith.constant 0 : i32
      %dma_start3A_8 = arith.constant 0 : i32
      %dma_start3A_9 = tpu.memref_slice %arg8[%dma_start3A, %dma_start3A_8] : memref<2560x32xf32, #tpu.memory_space<vmem>> -> memref<2560x32xf32, #tpu.memory_space<vmem>>
      %dma_start3A_10 = arith.constant 0 : i32
      %dma_start3A_11 = tpu.memref_slice %arg2[%mul3A_4, %dma_start3A_10] : memref<160000x32xf32, #tpu.memory_space<hbm>> -> memref<2560x32xf32, #tpu.memory_space<hbm>>
      %dma_start3A_12 = arith.constant 0 : i32
      %dma_start3A_13 = arith.constant 0 : i32
      %dma_start3A_14 = tpu.memref_slice %arg8[%dma_start3A_12, %dma_start3A_13] : memref<2560x32xf32, #tpu.memory_space<vmem>> -> memref<2560x32xf32, #tpu.memory_space<vmem>>
      %dma_start3A_15 = arith.constant 0 : i32
      %dma_start3A_16 = tpu.memref_slice %arg2[%mul3A_4, %dma_start3A_15] : memref<160000x32xf32, #tpu.memory_space<hbm>> -> memref<2560x32xf32, #tpu.memory_space<hbm>>
      tpu.enqueue_dma source(%dma_start3A_16 : memref<2560x32xf32, #tpu.memory_space<hbm>>) target(%dma_start3A_14 : memref<2560x32xf32, #tpu.memory_space<vmem>>) target_semaphore(%run_scoped3A : memref<!tpu.dma_semaphore, #tpu.memory_space<semaphore_mem>>)
      %dma_wait3A = arith.constant 0 : i32
      %dma_wait3A_17 = arith.constant 0 : i32
      %dma_wait3A_18 = tpu.memref_slice %arg8[%dma_wait3A, %dma_wait3A_17] : memref<2560x32xf32, #tpu.memory_space<vmem>> -> memref<2560x32xf32, #tpu.memory_space<vmem>>
      %dma_wait3A_19 = arith.constant 0 : i32
      %dma_wait3A_20 = tpu.memref_slice %arg2[%mul3A_4, %dma_wait3A_19] : memref<160000x32xf32, #tpu.memory_space<hbm>> -> memref<2560x32xf32, #tpu.memory_space<hbm>>
      %dma_wait3A_21 = arith.constant 0 : i32
      %dma_wait3A_22 = arith.constant 0 : i32
      %dma_wait3A_23 = tpu.memref_slice %arg8[%dma_wait3A_21, %dma_wait3A_22] : memref<2560x32xf32, #tpu.memory_space<vmem>> -> memref<2560x32xf32, #tpu.memory_space<vmem>>
      %dma_wait3A_24 = arith.constant 0 : i32
      %dma_wait3A_25 = tpu.memref_slice %arg2[%mul3A_4, %dma_wait3A_24] : memref<160000x32xf32, #tpu.memory_space<hbm>> -> memref<2560x32xf32, #tpu.memory_space<hbm>>
      tpu.wait_dma2 semaphore(%run_scoped3A : memref<!tpu.dma_semaphore, #tpu.memory_space<semaphore_mem>>) src(%dma_wait3A_25 : memref<2560x32xf32, #tpu.memory_space<hbm>>) dst(%dma_wait3A_23 : memref<2560x32xf32, #tpu.memory_space<vmem>>)
      tpu.yield
    }) : () -> ()
    "tpu.region"() ({
      %run_scoped3A = tpu.sem_alloc : memref<!tpu.dma_semaphore, #tpu.memory_space<semaphore_mem>>
      %dma_start3A = arith.constant 0 : i32
      %dma_start3A_8 = arith.constant 0 : i32
      %dma_start3A_9 = tpu.memref_slice %arg8[%dma_start3A, %dma_start3A_8] : memref<2560x32xf32, #tpu.memory_space<vmem>> -> memref<2560x32xf32, #tpu.memory_space<vmem>>
      %dma_start3A_10 = arith.constant 0 : i32
      %dma_start3A_11 = arith.constant 0 : i32
      %dma_start3A_12 = tpu.memref_slice %arg9[%dma_start3A_10, %dma_start3A_11] : memref<10240x32xf32, #tpu.memory_space<vmem_shared>> -> memref<10240x32xf32, #tpu.memory_space<vmem_shared>>
      tpu.enqueue_indirect_dma source(%dma_start3A_9 : memref<2560x32xf32, #tpu.memory_space<vmem>>) target(%dma_start3A_12 : memref<10240x32xf32, #tpu.memory_space<vmem_shared>>) offsets(%arg6 : memref<2560xi32, #tpu.memory_space<vmem>>) semaphore(%run_scoped3A : memref<!tpu.dma_semaphore, #tpu.memory_space<semaphore_mem>>) {add = true}
      %dma_wait3A = arith.constant 0 : i32
      %dma_wait3A_13 = arith.constant 0 : i32
      %dma_wait3A_14 = tpu.memref_slice %arg8[%dma_wait3A, %dma_wait3A_13] : memref<2560x32xf32, #tpu.memory_space<vmem>> -> memref<2560x32xf32, #tpu.memory_space<vmem>>
      %dma_wait3A_15 = arith.constant 0 : i32
      %dma_wait3A_16 = arith.constant 0 : i32
      %dma_wait3A_17 = tpu.memref_slice %arg9[%dma_wait3A_15, %dma_wait3A_16] : memref<10240x32xf32, #tpu.memory_space<vmem_shared>> -> memref<10240x32xf32, #tpu.memory_space<vmem_shared>>
      tpu.wait_indirect_dma semaphore(%run_scoped3A : memref<!tpu.dma_semaphore, #tpu.memory_space<semaphore_mem>>) src(%dma_wait3A_14 : memref<2560x32xf32, #tpu.memory_space<vmem>>) dst(%dma_wait3A_17 : memref<10240x32xf32, #tpu.memory_space<vmem_shared>>)
      tpu.yield
    }) : () -> ()
    "tpu.region"() ({
      %run_scoped3A = tpu.sem_alloc : memref<!tpu.dma_semaphore, #tpu.memory_space<semaphore_mem>>
      %dma_start3A = tpu.memref_slice %arg3[%add3A_6] : memref<160000xi32, #tpu.memory_space<hbm>> -> memref<2440xi32, #tpu.memory_space<hbm>>
      %dma_start3A_8 = tpu.memref_slice %arg3[%add3A_6] : memref<160000xi32, #tpu.memory_space<hbm>> -> memref<2440xi32, #tpu.memory_space<hbm>>
      tpu.enqueue_dma source(%dma_start3A_8 : memref<2440xi32, #tpu.memory_space<hbm>>) target(%arg7 : memref<2440xi32, #tpu.memory_space<vmem>>) target_semaphore(%run_scoped3A : memref<!tpu.dma_semaphore, #tpu.memory_space<semaphore_mem>>)
      %dma_wait3A = tpu.memref_slice %arg3[%add3A_6] : memref<160000xi32, #tpu.memory_space<hbm>> -> memref<2440xi32, #tpu.memory_space<hbm>>
      %dma_wait3A_9 = tpu.memref_slice %arg3[%add3A_6] : memref<160000xi32, #tpu.memory_space<hbm>> -> memref<2440xi32, #tpu.memory_space<hbm>>
      tpu.wait_dma2 semaphore(%run_scoped3A : memref<!tpu.dma_semaphore, #tpu.memory_space<semaphore_mem>>) src(%dma_wait3A_9 : memref<2440xi32, #tpu.memory_space<hbm>>) dst(%arg7 : memref<2440xi32, #tpu.memory_space<vmem>>)
      tpu.yield
    }) : () -> ()
    "tpu.region"() ({
      %run_scoped3A = tpu.sem_alloc : memref<!tpu.dma_semaphore, #tpu.memory_space<semaphore_mem>>
      %dma_start3A = arith.constant 0 : i32
      %dma_start3A_8 = arith.constant 0 : i32
      %dma_start3A_9 = tpu.memref_slice %arg8[%dma_start3A, %dma_start3A_8] : memref<2560x32xf32, #tpu.memory_space<vmem>> -> memref<2440x32xf32, #tpu.memory_space<vmem>>
      %dma_start3A_10 = arith.constant 0 : i32
      %dma_start3A_11 = tpu.memref_slice %arg2[%add3A_6, %dma_start3A_10] : memref<160000x32xf32, #tpu.memory_space<hbm>> -> memref<2440x32xf32, #tpu.memory_space<hbm>>
      %dma_start3A_12 = arith.constant 0 : i32
      %dma_start3A_13 = arith.constant 0 : i32
      %dma_start3A_14 = tpu.memref_slice %arg8[%dma_start3A_12, %dma_start3A_13] : memref<2560x32xf32, #tpu.memory_space<vmem>> -> memref<2440x32xf32, #tpu.memory_space<vmem>>
      %dma_start3A_15 = arith.constant 0 : i32
      %dma_start3A_16 = tpu.memref_slice %arg2[%add3A_6, %dma_start3A_15] : memref<160000x32xf32, #tpu.memory_space<hbm>> -> memref<2440x32xf32, #tpu.memory_space<hbm>>
      tpu.enqueue_dma source(%dma_start3A_16 : memref<2440x32xf32, #tpu.memory_space<hbm>>) target(%dma_start3A_14 : memref<2440x32xf32, #tpu.memory_space<vmem>>) target_semaphore(%run_scoped3A : memref<!tpu.dma_semaphore, #tpu.memory_space<semaphore_mem>>)
      %dma_wait3A = arith.constant 0 : i32
      %dma_wait3A_17 = arith.constant 0 : i32
      %dma_wait3A_18 = tpu.memref_slice %arg8[%dma_wait3A, %dma_wait3A_17] : memref<2560x32xf32, #tpu.memory_space<vmem>> -> memref<2440x32xf32, #tpu.memory_space<vmem>>
      %dma_wait3A_19 = arith.constant 0 : i32
      %dma_wait3A_20 = tpu.memref_slice %arg2[%add3A_6, %dma_wait3A_19] : memref<160000x32xf32, #tpu.memory_space<hbm>> -> memref<2440x32xf32, #tpu.memory_space<hbm>>
      %dma_wait3A_21 = arith.constant 0 : i32
      %dma_wait3A_22 = arith.constant 0 : i32
      %dma_wait3A_23 = tpu.memref_slice %arg8[%dma_wait3A_21, %dma_wait3A_22] : memref<2560x32xf32, #tpu.memory_space<vmem>> -> memref<2440x32xf32, #tpu.memory_space<vmem>>
      %dma_wait3A_24 = arith.constant 0 : i32
      %dma_wait3A_25 = tpu.memref_slice %arg2[%add3A_6, %dma_wait3A_24] : memref<160000x32xf32, #tpu.memory_space<hbm>> -> memref<2440x32xf32, #tpu.memory_space<hbm>>
      tpu.wait_dma2 semaphore(%run_scoped3A : memref<!tpu.dma_semaphore, #tpu.memory_space<semaphore_mem>>) src(%dma_wait3A_25 : memref<2440x32xf32, #tpu.memory_space<hbm>>) dst(%dma_wait3A_23 : memref<2440x32xf32, #tpu.memory_space<vmem>>)
      tpu.yield
    }) : () -> ()
    "tpu.region"() ({
      %run_scoped3A = tpu.sem_alloc : memref<!tpu.dma_semaphore, #tpu.memory_space<semaphore_mem>>
      %dma_start3A = arith.constant 0 : i32
      %dma_start3A_8 = arith.constant 0 : i32
      %dma_start3A_9 = tpu.memref_slice %arg8[%dma_start3A, %dma_start3A_8] : memref<2560x32xf32, #tpu.memory_space<vmem>> -> memref<2440x32xf32, #tpu.memory_space<vmem>>
      %dma_start3A_10 = arith.constant 0 : i32
      %dma_start3A_11 = arith.constant 0 : i32
      %dma_start3A_12 = tpu.memref_slice %arg9[%dma_start3A_10, %dma_start3A_11] : memref<10240x32xf32, #tpu.memory_space<vmem_shared>> -> memref<10240x32xf32, #tpu.memory_space<vmem_shared>>
      tpu.enqueue_indirect_dma source(%dma_start3A_9 : memref<2440x32xf32, #tpu.memory_space<vmem>>) target(%dma_start3A_12 : memref<10240x32xf32, #tpu.memory_space<vmem_shared>>) offsets(%arg7 : memref<2440xi32, #tpu.memory_space<vmem>>) semaphore(%run_scoped3A : memref<!tpu.dma_semaphore, #tpu.memory_space<semaphore_mem>>) {add = true}
      %dma_wait3A = arith.constant 0 : i32
      %dma_wait3A_13 = arith.constant 0 : i32
      %dma_wait3A_14 = tpu.memref_slice %arg8[%dma_wait3A, %dma_wait3A_13] : memref<2560x32xf32, #tpu.memory_space<vmem>> -> memref<2440x32xf32, #tpu.memory_space<vmem>>
      %dma_wait3A_15 = arith.constant 0 : i32
      %dma_wait3A_16 = arith.constant 0 : i32
      %dma_wait3A_17 = tpu.memref_slice %arg9[%dma_wait3A_15, %dma_wait3A_16] : memref<10240x32xf32, #tpu.memory_space<vmem_shared>> -> memref<10240x32xf32, #tpu.memory_space<vmem_shared>>
      tpu.wait_indirect_dma semaphore(%run_scoped3A : memref<!tpu.dma_semaphore, #tpu.memory_space<semaphore_mem>>) src(%dma_wait3A_14 : memref<2440x32xf32, #tpu.memory_space<vmem>>) dst(%dma_wait3A_17 : memref<10240x32xf32, #tpu.memory_space<vmem_shared>>)
      tpu.yield
    }) : () -> ()
    %barrier3A_7 = arith.constant 0 : index
    tpu.barrier barrier_id(%barrier3A_7)
    "tpu.region"() ({
      %run_scoped3A = tpu.sem_alloc : memref<!tpu.dma_semaphore, #tpu.memory_space<semaphore_mem>>
      %dma_start3A = arith.constant 0 : i32
      %dma_start3A_8 = tpu.memref_slice %arg5[%arg0, %mul3A_2, %dma_start3A] : memref<2x10240x32xf32, #tpu.memory_space<hbm>> -> memref<1x640x32xf32, #tpu.memory_space<hbm>>
      %dma_start3A_9 = tpu.memref_squeeze %dma_start3A_8 : memref<1x640x32xf32, #tpu.memory_space<hbm>> -> memref<640x32xf32, #tpu.memory_space<hbm>>
      %dma_start3A_10 = arith.constant 0 : i32
      %dma_start3A_11 = tpu.memref_slice %arg9[%mul3A_2, %dma_start3A_10] : memref<10240x32xf32, #tpu.memory_space<vmem_shared>> -> memref<640x32xf32, #tpu.memory_space<vmem_shared>>
      tpu.enqueue_dma source(%dma_start3A_11 : memref<640x32xf32, #tpu.memory_space<vmem_shared>>) target(%dma_start3A_9 : memref<640x32xf32, #tpu.memory_space<hbm>>) target_semaphore(%run_scoped3A : memref<!tpu.dma_semaphore, #tpu.memory_space<semaphore_mem>>)
      %dma_wait3A = arith.constant 0 : i32
      %dma_wait3A_12 = tpu.memref_slice %arg5[%arg0, %mul3A_2, %dma_wait3A] : memref<2x10240x32xf32, #tpu.memory_space<hbm>> -> memref<1x640x32xf32, #tpu.memory_space<hbm>>
      %dma_wait3A_13 = tpu.memref_squeeze %dma_wait3A_12 : memref<1x640x32xf32, #tpu.memory_space<hbm>> -> memref<640x32xf32, #tpu.memory_space<hbm>>
      %dma_wait3A_14 = arith.constant 0 : i32
      %dma_wait3A_15 = tpu.memref_slice %arg9[%mul3A_2, %dma_wait3A_14] : memref<10240x32xf32, #tpu.memory_space<vmem_shared>> -> memref<640x32xf32, #tpu.memory_space<vmem_shared>>
      tpu.wait_dma2 semaphore(%run_scoped3A : memref<!tpu.dma_semaphore, #tpu.memory_space<semaphore_mem>>) src(%dma_wait3A_15 : memref<640x32xf32, #tpu.memory_space<vmem_shared>>) dst(%dma_wait3A_13 : memref<640x32xf32, #tpu.memory_space<hbm>>)
      tpu.yield
    }) : () -> ()
    return
  }
}

#map = affine_map<(d0, d1) -> (0, 0)>
#map1 = affine_map<(d0, d1) -> (0)>
module attributes {stable_mosaic.version = 14 : i64} {
  func.func @body(%arg0: i32, %arg1: i32, %arg2: memref<10240x32xf32, #tpu.memory_space<hbm>>, %arg3: memref<160000xi32, #tpu.memory_space<hbm>>, %arg4: memref<160000x32xf32, #tpu.memory_space<hbm>>, %arg5: memref<2560xi32, #tpu.memory_space<vmem>>, %arg6: memref<2440xi32, #tpu.memory_space<vmem>>, %arg7: memref<2560x32xf32, #tpu.memory_space<vmem>>, %arg8: memref<!tpu.dma_semaphore, #tpu.memory_space<semaphore_mem>>) attributes {dimension_semantics = [#tpu.dimension_semantics<core_parallel>, #tpu.dimension_semantics<subcore_parallel>], iteration_bounds = array<i64: 2, 16>, scalar_prefetch = 0 : i64, scratch_operands = 4 : i64, tpu.core_type = #tpu.core_type<sc_vector_subcore>, window_params = [{transform_indices = #map}, {transform_indices = #map1}, {transform_indices = #map}]} {
    %mul3A = arith.constant 2 : i32
    %mul3A_0 = arith.muli %arg1, %mul3A : i32
    %add3A = arith.addi %mul3A_0, %arg0 : i32
    %mul3A_1 = arith.constant 5000 : i32
    %mul3A_2 = arith.muli %add3A, %mul3A_1 : i32
    %add3A_3 = arith.constant 2560 : i32
    %add3A_4 = arith.addi %mul3A_2, %add3A_3 : i32
    "tpu.region"() ({
      %run_scoped3A = tpu.sem_alloc : memref<!tpu.dma_semaphore, #tpu.memory_space<semaphore_mem>>
      %dma_start3A_27 = tpu.memref_slice %arg3[%mul3A_2] : memref<160000xi32, #tpu.memory_space<hbm>> -> memref<2560xi32, #tpu.memory_space<hbm>>
      %dma_start3A_28 = tpu.memref_slice %arg3[%mul3A_2] : memref<160000xi32, #tpu.memory_space<hbm>> -> memref<2560xi32, #tpu.memory_space<hbm>>
      tpu.enqueue_dma source(%dma_start3A_28 : memref<2560xi32, #tpu.memory_space<hbm>>) target(%arg5 : memref<2560xi32, #tpu.memory_space<vmem>>) target_semaphore(%run_scoped3A : memref<!tpu.dma_semaphore, #tpu.memory_space<semaphore_mem>>)
      %dma_wait3A_29 = tpu.memref_slice %arg3[%mul3A_2] : memref<160000xi32, #tpu.memory_space<hbm>> -> memref<2560xi32, #tpu.memory_space<hbm>>
      %dma_wait3A_30 = tpu.memref_slice %arg3[%mul3A_2] : memref<160000xi32, #tpu.memory_space<hbm>> -> memref<2560xi32, #tpu.memory_space<hbm>>
      tpu.wait_dma2 semaphore(%run_scoped3A : memref<!tpu.dma_semaphore, #tpu.memory_space<semaphore_mem>>) src(%dma_wait3A_30 : memref<2560xi32, #tpu.memory_space<hbm>>) dst(%arg5 : memref<2560xi32, #tpu.memory_space<vmem>>)
      tpu.yield
    }) : () -> ()
    %dma_start3A = arith.constant 0 : i32
    %dma_start3A_5 = arith.constant 0 : i32
    %dma_start3A_6 = tpu.memref_slice %arg7[%dma_start3A, %dma_start3A_5] : memref<2560x32xf32, #tpu.memory_space<vmem>> -> memref<2560x32xf32, #tpu.memory_space<vmem>>
    %dma_start3A_7 = arith.constant 0 : i32
    %dma_start3A_8 = arith.constant 0 : i32
    %dma_start3A_9 = tpu.memref_slice %arg2[%dma_start3A_7, %dma_start3A_8] : memref<10240x32xf32, #tpu.memory_space<hbm>> -> memref<10240x32xf32, #tpu.memory_space<hbm>>
    tpu.enqueue_indirect_dma source(%dma_start3A_9 : memref<10240x32xf32, #tpu.memory_space<hbm>>) target(%dma_start3A_6 : memref<2560x32xf32, #tpu.memory_space<vmem>>) offsets(%arg5 : memref<2560xi32, #tpu.memory_space<vmem>>) semaphore(%arg8 : memref<!tpu.dma_semaphore, #tpu.memory_space<semaphore_mem>>)
    %dma_wait3A = arith.constant 0 : i32
    %dma_wait3A_10 = arith.constant 0 : i32
    %dma_wait3A_11 = tpu.memref_slice %arg7[%dma_wait3A, %dma_wait3A_10] : memref<2560x32xf32, #tpu.memory_space<vmem>> -> memref<2560x32xf32, #tpu.memory_space<vmem>>
    %dma_wait3A_12 = arith.constant 0 : i32
    %dma_wait3A_13 = arith.constant 0 : i32
    %dma_wait3A_14 = tpu.memref_slice %arg2[%dma_wait3A_12, %dma_wait3A_13] : memref<10240x32xf32, #tpu.memory_space<hbm>> -> memref<10240x32xf32, #tpu.memory_space<hbm>>
    tpu.wait_indirect_dma semaphore(%arg8 : memref<!tpu.dma_semaphore, #tpu.memory_space<semaphore_mem>>) src(%dma_wait3A_14 : memref<10240x32xf32, #tpu.memory_space<hbm>>) dst(%dma_wait3A_11 : memref<2560x32xf32, #tpu.memory_space<vmem>>)
    "tpu.region"() ({
      %run_scoped3A = tpu.sem_alloc : memref<!tpu.dma_semaphore, #tpu.memory_space<semaphore_mem>>
      %dma_start3A_27 = arith.constant 0 : i32
      %dma_start3A_28 = arith.constant 0 : i32
      %dma_start3A_29 = tpu.memref_slice %arg7[%dma_start3A_27, %dma_start3A_28] : memref<2560x32xf32, #tpu.memory_space<vmem>> -> memref<2560x32xf32, #tpu.memory_space<vmem>>
      %dma_start3A_30 = arith.constant 0 : i32
      %dma_start3A_31 = tpu.memref_slice %arg4[%mul3A_2, %dma_start3A_30] : memref<160000x32xf32, #tpu.memory_space<hbm>> -> memref<2560x32xf32, #tpu.memory_space<hbm>>
      %dma_start3A_32 = arith.constant 0 : i32
      %dma_start3A_33 = tpu.memref_slice %arg4[%mul3A_2, %dma_start3A_32] : memref<160000x32xf32, #tpu.memory_space<hbm>> -> memref<2560x32xf32, #tpu.memory_space<hbm>>
      %dma_start3A_34 = arith.constant 0 : i32
      %dma_start3A_35 = arith.constant 0 : i32
      %dma_start3A_36 = tpu.memref_slice %arg7[%dma_start3A_34, %dma_start3A_35] : memref<2560x32xf32, #tpu.memory_space<vmem>> -> memref<2560x32xf32, #tpu.memory_space<vmem>>
      tpu.enqueue_dma source(%dma_start3A_36 : memref<2560x32xf32, #tpu.memory_space<vmem>>) target(%dma_start3A_33 : memref<2560x32xf32, #tpu.memory_space<hbm>>) target_semaphore(%run_scoped3A : memref<!tpu.dma_semaphore, #tpu.memory_space<semaphore_mem>>)
      %dma_wait3A_37 = arith.constant 0 : i32
      %dma_wait3A_38 = arith.constant 0 : i32
      %dma_wait3A_39 = tpu.memref_slice %arg7[%dma_wait3A_37, %dma_wait3A_38] : memref<2560x32xf32, #tpu.memory_space<vmem>> -> memref<2560x32xf32, #tpu.memory_space<vmem>>
      %dma_wait3A_40 = arith.constant 0 : i32
      %dma_wait3A_41 = tpu.memref_slice %arg4[%mul3A_2, %dma_wait3A_40] : memref<160000x32xf32, #tpu.memory_space<hbm>> -> memref<2560x32xf32, #tpu.memory_space<hbm>>
      %dma_wait3A_42 = arith.constant 0 : i32
      %dma_wait3A_43 = tpu.memref_slice %arg4[%mul3A_2, %dma_wait3A_42] : memref<160000x32xf32, #tpu.memory_space<hbm>> -> memref<2560x32xf32, #tpu.memory_space<hbm>>
      %dma_wait3A_44 = arith.constant 0 : i32
      %dma_wait3A_45 = arith.constant 0 : i32
      %dma_wait3A_46 = tpu.memref_slice %arg7[%dma_wait3A_44, %dma_wait3A_45] : memref<2560x32xf32, #tpu.memory_space<vmem>> -> memref<2560x32xf32, #tpu.memory_space<vmem>>
      tpu.wait_dma2 semaphore(%run_scoped3A : memref<!tpu.dma_semaphore, #tpu.memory_space<semaphore_mem>>) src(%dma_wait3A_46 : memref<2560x32xf32, #tpu.memory_space<vmem>>) dst(%dma_wait3A_43 : memref<2560x32xf32, #tpu.memory_space<hbm>>)
      tpu.yield
    }) : () -> ()
    "tpu.region"() ({
      %run_scoped3A = tpu.sem_alloc : memref<!tpu.dma_semaphore, #tpu.memory_space<semaphore_mem>>
      %dma_start3A_27 = tpu.memref_slice %arg3[%add3A_4] : memref<160000xi32, #tpu.memory_space<hbm>> -> memref<2440xi32, #tpu.memory_space<hbm>>
      %dma_start3A_28 = tpu.memref_slice %arg3[%add3A_4] : memref<160000xi32, #tpu.memory_space<hbm>> -> memref<2440xi32, #tpu.memory_space<hbm>>
      tpu.enqueue_dma source(%dma_start3A_28 : memref<2440xi32, #tpu.memory_space<hbm>>) target(%arg6 : memref<2440xi32, #tpu.memory_space<vmem>>) target_semaphore(%run_scoped3A : memref<!tpu.dma_semaphore, #tpu.memory_space<semaphore_mem>>)
      %dma_wait3A_29 = tpu.memref_slice %arg3[%add3A_4] : memref<160000xi32, #tpu.memory_space<hbm>> -> memref<2440xi32, #tpu.memory_space<hbm>>
      %dma_wait3A_30 = tpu.memref_slice %arg3[%add3A_4] : memref<160000xi32, #tpu.memory_space<hbm>> -> memref<2440xi32, #tpu.memory_space<hbm>>
      tpu.wait_dma2 semaphore(%run_scoped3A : memref<!tpu.dma_semaphore, #tpu.memory_space<semaphore_mem>>) src(%dma_wait3A_30 : memref<2440xi32, #tpu.memory_space<hbm>>) dst(%arg6 : memref<2440xi32, #tpu.memory_space<vmem>>)
      tpu.yield
    }) : () -> ()
    %dma_start3A_15 = arith.constant 0 : i32
    %dma_start3A_16 = arith.constant 0 : i32
    %dma_start3A_17 = tpu.memref_slice %arg7[%dma_start3A_15, %dma_start3A_16] : memref<2560x32xf32, #tpu.memory_space<vmem>> -> memref<2440x32xf32, #tpu.memory_space<vmem>>
    %dma_start3A_18 = arith.constant 0 : i32
    %dma_start3A_19 = arith.constant 0 : i32
    %dma_start3A_20 = tpu.memref_slice %arg2[%dma_start3A_18, %dma_start3A_19] : memref<10240x32xf32, #tpu.memory_space<hbm>> -> memref<10240x32xf32, #tpu.memory_space<hbm>>
    tpu.enqueue_indirect_dma source(%dma_start3A_20 : memref<10240x32xf32, #tpu.memory_space<hbm>>) target(%dma_start3A_17 : memref<2440x32xf32, #tpu.memory_space<vmem>>) offsets(%arg6 : memref<2440xi32, #tpu.memory_space<vmem>>) semaphore(%arg8 : memref<!tpu.dma_semaphore, #tpu.memory_space<semaphore_mem>>)
    %dma_wait3A_21 = arith.constant 0 : i32
    %dma_wait3A_22 = arith.constant 0 : i32
    %dma_wait3A_23 = tpu.memref_slice %arg7[%dma_wait3A_21, %dma_wait3A_22] : memref<2560x32xf32, #tpu.memory_space<vmem>> -> memref<2440x32xf32, #tpu.memory_space<vmem>>
    %dma_wait3A_24 = arith.constant 0 : i32
    %dma_wait3A_25 = arith.constant 0 : i32
    %dma_wait3A_26 = tpu.memref_slice %arg2[%dma_wait3A_24, %dma_wait3A_25] : memref<10240x32xf32, #tpu.memory_space<hbm>> -> memref<10240x32xf32, #tpu.memory_space<hbm>>
    tpu.wait_indirect_dma semaphore(%arg8 : memref<!tpu.dma_semaphore, #tpu.memory_space<semaphore_mem>>) src(%dma_wait3A_26 : memref<10240x32xf32, #tpu.memory_space<hbm>>) dst(%dma_wait3A_23 : memref<2440x32xf32, #tpu.memory_space<vmem>>)
    "tpu.region"() ({
      %run_scoped3A = tpu.sem_alloc : memref<!tpu.dma_semaphore, #tpu.memory_space<semaphore_mem>>
      %dma_start3A_27 = arith.constant 0 : i32
      %dma_start3A_28 = arith.constant 0 : i32
      %dma_start3A_29 = tpu.memref_slice %arg7[%dma_start3A_27, %dma_start3A_28] : memref<2560x32xf32, #tpu.memory_space<vmem>> -> memref<2440x32xf32, #tpu.memory_space<vmem>>
      %dma_start3A_30 = arith.constant 0 : i32
      %dma_start3A_31 = tpu.memref_slice %arg4[%add3A_4, %dma_start3A_30] : memref<160000x32xf32, #tpu.memory_space<hbm>> -> memref<2440x32xf32, #tpu.memory_space<hbm>>
      %dma_start3A_32 = arith.constant 0 : i32
      %dma_start3A_33 = tpu.memref_slice %arg4[%add3A_4, %dma_start3A_32] : memref<160000x32xf32, #tpu.memory_space<hbm>> -> memref<2440x32xf32, #tpu.memory_space<hbm>>
      %dma_start3A_34 = arith.constant 0 : i32
      %dma_start3A_35 = arith.constant 0 : i32
      %dma_start3A_36 = tpu.memref_slice %arg7[%dma_start3A_34, %dma_start3A_35] : memref<2560x32xf32, #tpu.memory_space<vmem>> -> memref<2440x32xf32, #tpu.memory_space<vmem>>
      tpu.enqueue_dma source(%dma_start3A_36 : memref<2440x32xf32, #tpu.memory_space<vmem>>) target(%dma_start3A_33 : memref<2440x32xf32, #tpu.memory_space<hbm>>) target_semaphore(%run_scoped3A : memref<!tpu.dma_semaphore, #tpu.memory_space<semaphore_mem>>)
      %dma_wait3A_37 = arith.constant 0 : i32
      %dma_wait3A_38 = arith.constant 0 : i32
      %dma_wait3A_39 = tpu.memref_slice %arg7[%dma_wait3A_37, %dma_wait3A_38] : memref<2560x32xf32, #tpu.memory_space<vmem>> -> memref<2440x32xf32, #tpu.memory_space<vmem>>
      %dma_wait3A_40 = arith.constant 0 : i32
      %dma_wait3A_41 = tpu.memref_slice %arg4[%add3A_4, %dma_wait3A_40] : memref<160000x32xf32, #tpu.memory_space<hbm>> -> memref<2440x32xf32, #tpu.memory_space<hbm>>
      %dma_wait3A_42 = arith.constant 0 : i32
      %dma_wait3A_43 = tpu.memref_slice %arg4[%add3A_4, %dma_wait3A_42] : memref<160000x32xf32, #tpu.memory_space<hbm>> -> memref<2440x32xf32, #tpu.memory_space<hbm>>
      %dma_wait3A_44 = arith.constant 0 : i32
      %dma_wait3A_45 = arith.constant 0 : i32
      %dma_wait3A_46 = tpu.memref_slice %arg7[%dma_wait3A_44, %dma_wait3A_45] : memref<2560x32xf32, #tpu.memory_space<vmem>> -> memref<2440x32xf32, #tpu.memory_space<vmem>>
      tpu.wait_dma2 semaphore(%run_scoped3A : memref<!tpu.dma_semaphore, #tpu.memory_space<semaphore_mem>>) src(%dma_wait3A_46 : memref<2440x32xf32, #tpu.memory_space<vmem>>) dst(%dma_wait3A_43 : memref<2440x32xf32, #tpu.memory_space<hbm>>)
      tpu.yield
    }) : () -> ()
    return
  }
}

#map = affine_map<(d0, d1) -> (0, 0)>
#map1 = affine_map<(d0, d1) -> (0)>
module attributes {stable_mosaic.version = 14 : i64} {
  func.func @body(%arg0: i32, %arg1: i32, %arg2: memref<10240x32xf32, #tpu.memory_space<hbm>>, %arg3: memref<160000xi32, #tpu.memory_space<hbm>>, %arg4: memref<160000x32xf32, #tpu.memory_space<hbm>>, %arg5: memref<2560xi32, #tpu.memory_space<vmem>>, %arg6: memref<2440xi32, #tpu.memory_space<vmem>>, %arg7: memref<2560x32xf32, #tpu.memory_space<vmem>>, %arg8: memref<!tpu.dma_semaphore, #tpu.memory_space<semaphore_mem>>) attributes {dimension_semantics = [#tpu.dimension_semantics<core_parallel>, #tpu.dimension_semantics<subcore_parallel>], iteration_bounds = array<i64: 2, 16>, scalar_prefetch = 0 : i64, scratch_operands = 4 : i64, tpu.core_type = #tpu.core_type<sc_vector_subcore>, window_params = [{transform_indices = #map}, {transform_indices = #map1}, {transform_indices = #map}]} {
    %mul3A = arith.constant 2 : i32
    %mul3A_0 = arith.muli %arg1, %mul3A : i32
    %add3A = arith.addi %mul3A_0, %arg0 : i32
    %mul3A_1 = arith.constant 5000 : i32
    %mul3A_2 = arith.muli %add3A, %mul3A_1 : i32
    %add3A_3 = arith.constant 2560 : i32
    %add3A_4 = arith.addi %mul3A_2, %add3A_3 : i32
    "tpu.region"() ({
      %run_scoped3A = tpu.sem_alloc : memref<!tpu.dma_semaphore, #tpu.memory_space<semaphore_mem>>
      %dma_start3A_27 = tpu.memref_slice %arg3[%mul3A_2] : memref<160000xi32, #tpu.memory_space<hbm>> -> memref<2560xi32, #tpu.memory_space<hbm>>
      %dma_start3A_28 = tpu.memref_slice %arg3[%mul3A_2] : memref<160000xi32, #tpu.memory_space<hbm>> -> memref<2560xi32, #tpu.memory_space<hbm>>
      tpu.enqueue_dma source(%dma_start3A_28 : memref<2560xi32, #tpu.memory_space<hbm>>) target(%arg5 : memref<2560xi32, #tpu.memory_space<vmem>>) target_semaphore(%run_scoped3A : memref<!tpu.dma_semaphore, #tpu.memory_space<semaphore_mem>>)
      %dma_wait3A_29 = tpu.memref_slice %arg3[%mul3A_2] : memref<160000xi32, #tpu.memory_space<hbm>> -> memref<2560xi32, #tpu.memory_space<hbm>>
      %dma_wait3A_30 = tpu.memref_slice %arg3[%mul3A_2] : memref<160000xi32, #tpu.memory_space<hbm>> -> memref<2560xi32, #tpu.memory_space<hbm>>
      tpu.wait_dma2 semaphore(%run_scoped3A : memref<!tpu.dma_semaphore, #tpu.memory_space<semaphore_mem>>) src(%dma_wait3A_30 : memref<2560xi32, #tpu.memory_space<hbm>>) dst(%arg5 : memref<2560xi32, #tpu.memory_space<vmem>>)
      tpu.yield
    }) : () -> ()
    %dma_start3A = arith.constant 0 : i32
    %dma_start3A_5 = arith.constant 0 : i32
    %dma_start3A_6 = tpu.memref_slice %arg7[%dma_start3A, %dma_start3A_5] : memref<2560x32xf32, #tpu.memory_space<vmem>> -> memref<2560x32xf32, #tpu.memory_space<vmem>>
    %dma_start3A_7 = arith.constant 0 : i32
    %dma_start3A_8 = arith.constant 0 : i32
    %dma_start3A_9 = tpu.memref_slice %arg2[%dma_start3A_7, %dma_start3A_8] : memref<10240x32xf32, #tpu.memory_space<hbm>> -> memref<10240x32xf32, #tpu.memory_space<hbm>>
    tpu.enqueue_indirect_dma source(%dma_start3A_9 : memref<10240x32xf32, #tpu.memory_space<hbm>>) target(%dma_start3A_6 : memref<2560x32xf32, #tpu.memory_space<vmem>>) offsets(%arg5 : memref<2560xi32, #tpu.memory_space<vmem>>) semaphore(%arg8 : memref<!tpu.dma_semaphore, #tpu.memory_space<semaphore_mem>>)
    %dma_wait3A = arith.constant 0 : i32
    %dma_wait3A_10 = arith.constant 0 : i32
    %dma_wait3A_11 = tpu.memref_slice %arg7[%dma_wait3A, %dma_wait3A_10] : memref<2560x32xf32, #tpu.memory_space<vmem>> -> memref<2560x32xf32, #tpu.memory_space<vmem>>
    %dma_wait3A_12 = arith.constant 0 : i32
    %dma_wait3A_13 = arith.constant 0 : i32
    %dma_wait3A_14 = tpu.memref_slice %arg2[%dma_wait3A_12, %dma_wait3A_13] : memref<10240x32xf32, #tpu.memory_space<hbm>> -> memref<10240x32xf32, #tpu.memory_space<hbm>>
    tpu.wait_indirect_dma semaphore(%arg8 : memref<!tpu.dma_semaphore, #tpu.memory_space<semaphore_mem>>) src(%dma_wait3A_14 : memref<10240x32xf32, #tpu.memory_space<hbm>>) dst(%dma_wait3A_11 : memref<2560x32xf32, #tpu.memory_space<vmem>>)
    "tpu.region"() ({
      %run_scoped3A = tpu.sem_alloc : memref<!tpu.dma_semaphore, #tpu.memory_space<semaphore_mem>>
      %dma_start3A_27 = arith.constant 0 : i32
      %dma_start3A_28 = arith.constant 0 : i32
      %dma_start3A_29 = tpu.memref_slice %arg7[%dma_start3A_27, %dma_start3A_28] : memref<2560x32xf32, #tpu.memory_space<vmem>> -> memref<2560x32xf32, #tpu.memory_space<vmem>>
      %dma_start3A_30 = arith.constant 0 : i32
      %dma_start3A_31 = tpu.memref_slice %arg4[%mul3A_2, %dma_start3A_30] : memref<160000x32xf32, #tpu.memory_space<hbm>> -> memref<2560x32xf32, #tpu.memory_space<hbm>>
      %dma_start3A_32 = arith.constant 0 : i32
      %dma_start3A_33 = tpu.memref_slice %arg4[%mul3A_2, %dma_start3A_32] : memref<160000x32xf32, #tpu.memory_space<hbm>> -> memref<2560x32xf32, #tpu.memory_space<hbm>>
      %dma_start3A_34 = arith.constant 0 : i32
      %dma_start3A_35 = arith.constant 0 : i32
      %dma_start3A_36 = tpu.memref_slice %arg7[%dma_start3A_34, %dma_start3A_35] : memref<2560x32xf32, #tpu.memory_space<vmem>> -> memref<2560x32xf32, #tpu.memory_space<vmem>>
      tpu.enqueue_dma source(%dma_start3A_36 : memref<2560x32xf32, #tpu.memory_space<vmem>>) target(%dma_start3A_33 : memref<2560x32xf32, #tpu.memory_space<hbm>>) target_semaphore(%run_scoped3A : memref<!tpu.dma_semaphore, #tpu.memory_space<semaphore_mem>>)
      %dma_wait3A_37 = arith.constant 0 : i32
      %dma_wait3A_38 = arith.constant 0 : i32
      %dma_wait3A_39 = tpu.memref_slice %arg7[%dma_wait3A_37, %dma_wait3A_38] : memref<2560x32xf32, #tpu.memory_space<vmem>> -> memref<2560x32xf32, #tpu.memory_space<vmem>>
      %dma_wait3A_40 = arith.constant 0 : i32
      %dma_wait3A_41 = tpu.memref_slice %arg4[%mul3A_2, %dma_wait3A_40] : memref<160000x32xf32, #tpu.memory_space<hbm>> -> memref<2560x32xf32, #tpu.memory_space<hbm>>
      %dma_wait3A_42 = arith.constant 0 : i32
      %dma_wait3A_43 = tpu.memref_slice %arg4[%mul3A_2, %dma_wait3A_42] : memref<160000x32xf32, #tpu.memory_space<hbm>> -> memref<2560x32xf32, #tpu.memory_space<hbm>>
      %dma_wait3A_44 = arith.constant 0 : i32
      %dma_wait3A_45 = arith.constant 0 : i32
      %dma_wait3A_46 = tpu.memref_slice %arg7[%dma_wait3A_44, %dma_wait3A_45] : memref<2560x32xf32, #tpu.memory_space<vmem>> -> memref<2560x32xf32, #tpu.memory_space<vmem>>
      tpu.wait_dma2 semaphore(%run_scoped3A : memref<!tpu.dma_semaphore, #tpu.memory_space<semaphore_mem>>) src(%dma_wait3A_46 : memref<2560x32xf32, #tpu.memory_space<vmem>>) dst(%dma_wait3A_43 : memref<2560x32xf32, #tpu.memory_space<hbm>>)
      tpu.yield
    }) : () -> ()
    "tpu.region"() ({
      %run_scoped3A = tpu.sem_alloc : memref<!tpu.dma_semaphore, #tpu.memory_space<semaphore_mem>>
      %dma_start3A_27 = tpu.memref_slice %arg3[%add3A_4] : memref<160000xi32, #tpu.memory_space<hbm>> -> memref<2440xi32, #tpu.memory_space<hbm>>
      %dma_start3A_28 = tpu.memref_slice %arg3[%add3A_4] : memref<160000xi32, #tpu.memory_space<hbm>> -> memref<2440xi32, #tpu.memory_space<hbm>>
      tpu.enqueue_dma source(%dma_start3A_28 : memref<2440xi32, #tpu.memory_space<hbm>>) target(%arg6 : memref<2440xi32, #tpu.memory_space<vmem>>) target_semaphore(%run_scoped3A : memref<!tpu.dma_semaphore, #tpu.memory_space<semaphore_mem>>)
      %dma_wait3A_29 = tpu.memref_slice %arg3[%add3A_4] : memref<160000xi32, #tpu.memory_space<hbm>> -> memref<2440xi32, #tpu.memory_space<hbm>>
      %dma_wait3A_30 = tpu.memref_slice %arg3[%add3A_4] : memref<160000xi32, #tpu.memory_space<hbm>> -> memref<2440xi32, #tpu.memory_space<hbm>>
      tpu.wait_dma2 semaphore(%run_scoped3A : memref<!tpu.dma_semaphore, #tpu.memory_space<semaphore_mem>>) src(%dma_wait3A_30 : memref<2440xi32, #tpu.memory_space<hbm>>) dst(%arg6 : memref<2440xi32, #tpu.memory_space<vmem>>)
      tpu.yield
    }) : () -> ()
    %dma_start3A_15 = arith.constant 0 : i32
    %dma_start3A_16 = arith.constant 0 : i32
    %dma_start3A_17 = tpu.memref_slice %arg7[%dma_start3A_15, %dma_start3A_16] : memref<2560x32xf32, #tpu.memory_space<vmem>> -> memref<2440x32xf32, #tpu.memory_space<vmem>>
    %dma_start3A_18 = arith.constant 0 : i32
    %dma_start3A_19 = arith.constant 0 : i32
    %dma_start3A_20 = tpu.memref_slice %arg2[%dma_start3A_18, %dma_start3A_19] : memref<10240x32xf32, #tpu.memory_space<hbm>> -> memref<10240x32xf32, #tpu.memory_space<hbm>>
    tpu.enqueue_indirect_dma source(%dma_start3A_20 : memref<10240x32xf32, #tpu.memory_space<hbm>>) target(%dma_start3A_17 : memref<2440x32xf32, #tpu.memory_space<vmem>>) offsets(%arg6 : memref<2440xi32, #tpu.memory_space<vmem>>) semaphore(%arg8 : memref<!tpu.dma_semaphore, #tpu.memory_space<semaphore_mem>>)
    %dma_wait3A_21 = arith.constant 0 : i32
    %dma_wait3A_22 = arith.constant 0 : i32
    %dma_wait3A_23 = tpu.memref_slice %arg7[%dma_wait3A_21, %dma_wait3A_22] : memref<2560x32xf32, #tpu.memory_space<vmem>> -> memref<2440x32xf32, #tpu.memory_space<vmem>>
    %dma_wait3A_24 = arith.constant 0 : i32
    %dma_wait3A_25 = arith.constant 0 : i32
    %dma_wait3A_26 = tpu.memref_slice %arg2[%dma_wait3A_24, %dma_wait3A_25] : memref<10240x32xf32, #tpu.memory_space<hbm>> -> memref<10240x32xf32, #tpu.memory_space<hbm>>
    tpu.wait_indirect_dma semaphore(%arg8 : memref<!tpu.dma_semaphore, #tpu.memory_space<semaphore_mem>>) src(%dma_wait3A_26 : memref<10240x32xf32, #tpu.memory_space<hbm>>) dst(%dma_wait3A_23 : memref<2440x32xf32, #tpu.memory_space<vmem>>)
    "tpu.region"() ({
      %run_scoped3A = tpu.sem_alloc : memref<!tpu.dma_semaphore, #tpu.memory_space<semaphore_mem>>
      %dma_start3A_27 = arith.constant 0 : i32
      %dma_start3A_28 = arith.constant 0 : i32
      %dma_start3A_29 = tpu.memref_slice %arg7[%dma_start3A_27, %dma_start3A_28] : memref<2560x32xf32, #tpu.memory_space<vmem>> -> memref<2440x32xf32, #tpu.memory_space<vmem>>
      %dma_start3A_30 = arith.constant 0 : i32
      %dma_start3A_31 = tpu.memref_slice %arg4[%add3A_4, %dma_start3A_30] : memref<160000x32xf32, #tpu.memory_space<hbm>> -> memref<2440x32xf32, #tpu.memory_space<hbm>>
      %dma_start3A_32 = arith.constant 0 : i32
      %dma_start3A_33 = tpu.memref_slice %arg4[%add3A_4, %dma_start3A_32] : memref<160000x32xf32, #tpu.memory_space<hbm>> -> memref<2440x32xf32, #tpu.memory_space<hbm>>
      %dma_start3A_34 = arith.constant 0 : i32
      %dma_start3A_35 = arith.constant 0 : i32
      %dma_start3A_36 = tpu.memref_slice %arg7[%dma_start3A_34, %dma_start3A_35] : memref<2560x32xf32, #tpu.memory_space<vmem>> -> memref<2440x32xf32, #tpu.memory_space<vmem>>
      tpu.enqueue_dma source(%dma_start3A_36 : memref<2440x32xf32, #tpu.memory_space<vmem>>) target(%dma_start3A_33 : memref<2440x32xf32, #tpu.memory_space<hbm>>) target_semaphore(%run_scoped3A : memref<!tpu.dma_semaphore, #tpu.memory_space<semaphore_mem>>)
      %dma_wait3A_37 = arith.constant 0 : i32
      %dma_wait3A_38 = arith.constant 0 : i32
      %dma_wait3A_39 = tpu.memref_slice %arg7[%dma_wait3A_37, %dma_wait3A_38] : memref<2560x32xf32, #tpu.memory_space<vmem>> -> memref<2440x32xf32, #tpu.memory_space<vmem>>
      %dma_wait3A_40 = arith.constant 0 : i32
      %dma_wait3A_41 = tpu.memref_slice %arg4[%add3A_4, %dma_wait3A_40] : memref<160000x32xf32, #tpu.memory_space<hbm>> -> memref<2440x32xf32, #tpu.memory_space<hbm>>
      %dma_wait3A_42 = arith.constant 0 : i32
      %dma_wait3A_43 = tpu.memref_slice %arg4[%add3A_4, %dma_wait3A_42] : memref<160000x32xf32, #tpu.memory_space<hbm>> -> memref<2440x32xf32, #tpu.memory_space<hbm>>
      %dma_wait3A_44 = arith.constant 0 : i32
      %dma_wait3A_45 = arith.constant 0 : i32
      %dma_wait3A_46 = tpu.memref_slice %arg7[%dma_wait3A_44, %dma_wait3A_45] : memref<2560x32xf32, #tpu.memory_space<vmem>> -> memref<2440x32xf32, #tpu.memory_space<vmem>>
      tpu.wait_dma2 semaphore(%run_scoped3A : memref<!tpu.dma_semaphore, #tpu.memory_space<semaphore_mem>>) src(%dma_wait3A_46 : memref<2440x32xf32, #tpu.memory_space<vmem>>) dst(%dma_wait3A_43 : memref<2440x32xf32, #tpu.memory_space<hbm>>)
      tpu.yield
    }) : () -> ()
    return
  }
}

#map = affine_map<(d0, d1) -> (0, 0)>
#map1 = affine_map<(d0, d1) -> (0)>
#map2 = affine_map<(d0, d1) -> (0, 0, 0)>
module attributes {stable_mosaic.version = 14 : i64} {
  func.func @body(%arg0: i32, %arg1: i32, %arg2: memref<160000x32xf32, #tpu.memory_space<hbm>>, %arg3: memref<160000xi32, #tpu.memory_space<hbm>>, %arg4: memref<10240x32xf32, #tpu.memory_space<hbm>>, %arg5: memref<2x10240x32xf32, #tpu.memory_space<hbm>>, %arg6: memref<2560xi32, #tpu.memory_space<vmem>>, %arg7: memref<2440xi32, #tpu.memory_space<vmem>>, %arg8: memref<2560x32xf32, #tpu.memory_space<vmem>>, %arg9: memref<10240x32xf32, #tpu.memory_space<vmem_shared>>) attributes {dimension_semantics = [#tpu.dimension_semantics<core_parallel>, #tpu.dimension_semantics<subcore_parallel>], iteration_bounds = array<i64: 2, 16>, scalar_prefetch = 0 : i64, scratch_operands = 4 : i64, tpu.core_type = #tpu.core_type<sc_vector_subcore>, window_params = [{transform_indices = #map}, {transform_indices = #map1}, {transform_indices = #map}, {transform_indices = #map2}]} {
    %mul3A = arith.constant 2 : i32
    %mul3A_0 = arith.muli %arg1, %mul3A : i32
    %add3A = arith.addi %mul3A_0, %arg0 : i32
    %mul3A_1 = arith.constant 640 : i32
    %mul3A_2 = arith.muli %arg1, %mul3A_1 : i32
    "tpu.region"() ({
      %run_scoped3A = tpu.sem_alloc : memref<!tpu.dma_semaphore, #tpu.memory_space<semaphore_mem>>
      %dma_start3A = arith.constant 0 : i32
      %dma_start3A_8 = tpu.memref_slice %arg9[%mul3A_2, %dma_start3A] : memref<10240x32xf32, #tpu.memory_space<vmem_shared>> -> memref<640x32xf32, #tpu.memory_space<vmem_shared>>
      %dma_start3A_9 = arith.constant 0 : i32
      %dma_start3A_10 = tpu.memref_slice %arg4[%mul3A_2, %dma_start3A_9] : memref<10240x32xf32, #tpu.memory_space<hbm>> -> memref<640x32xf32, #tpu.memory_space<hbm>>
      tpu.enqueue_dma source(%dma_start3A_10 : memref<640x32xf32, #tpu.memory_space<hbm>>) target(%dma_start3A_8 : memref<640x32xf32, #tpu.memory_space<vmem_shared>>) target_semaphore(%run_scoped3A : memref<!tpu.dma_semaphore, #tpu.memory_space<semaphore_mem>>)
      %dma_wait3A = arith.constant 0 : i32
      %dma_wait3A_11 = tpu.memref_slice %arg9[%mul3A_2, %dma_wait3A] : memref<10240x32xf32, #tpu.memory_space<vmem_shared>> -> memref<640x32xf32, #tpu.memory_space<vmem_shared>>
      %dma_wait3A_12 = arith.constant 0 : i32
      %dma_wait3A_13 = tpu.memref_slice %arg4[%mul3A_2, %dma_wait3A_12] : memref<10240x32xf32, #tpu.memory_space<hbm>> -> memref<640x32xf32, #tpu.memory_space<hbm>>
      tpu.wait_dma2 semaphore(%run_scoped3A : memref<!tpu.dma_semaphore, #tpu.memory_space<semaphore_mem>>) src(%dma_wait3A_13 : memref<640x32xf32, #tpu.memory_space<hbm>>) dst(%dma_wait3A_11 : memref<640x32xf32, #tpu.memory_space<vmem_shared>>)
      tpu.yield
    }) : () -> ()
    %barrier3A = arith.constant 0 : index
    tpu.barrier barrier_id(%barrier3A)
    %mul3A_3 = arith.constant 5000 : i32
    %mul3A_4 = arith.muli %add3A, %mul3A_3 : i32
    %add3A_5 = arith.constant 2560 : i32
    %add3A_6 = arith.addi %mul3A_4, %add3A_5 : i32
    "tpu.region"() ({
      %run_scoped3A = tpu.sem_alloc : memref<!tpu.dma_semaphore, #tpu.memory_space<semaphore_mem>>
      %dma_start3A = tpu.memref_slice %arg3[%mul3A_4] : memref<160000xi32, #tpu.memory_space<hbm>> -> memref<2560xi32, #tpu.memory_space<hbm>>
      %dma_start3A_8 = tpu.memref_slice %arg3[%mul3A_4] : memref<160000xi32, #tpu.memory_space<hbm>> -> memref<2560xi32, #tpu.memory_space<hbm>>
      tpu.enqueue_dma source(%dma_start3A_8 : memref<2560xi32, #tpu.memory_space<hbm>>) target(%arg6 : memref<2560xi32, #tpu.memory_space<vmem>>) target_semaphore(%run_scoped3A : memref<!tpu.dma_semaphore, #tpu.memory_space<semaphore_mem>>)
      %dma_wait3A = tpu.memref_slice %arg3[%mul3A_4] : memref<160000xi32, #tpu.memory_space<hbm>> -> memref<2560xi32, #tpu.memory_space<hbm>>
      %dma_wait3A_9 = tpu.memref_slice %arg3[%mul3A_4] : memref<160000xi32, #tpu.memory_space<hbm>> -> memref<2560xi32, #tpu.memory_space<hbm>>
      tpu.wait_dma2 semaphore(%run_scoped3A : memref<!tpu.dma_semaphore, #tpu.memory_space<semaphore_mem>>) src(%dma_wait3A_9 : memref<2560xi32, #tpu.memory_space<hbm>>) dst(%arg6 : memref<2560xi32, #tpu.memory_space<vmem>>)
      tpu.yield
    }) : () -> ()
    "tpu.region"() ({
      %run_scoped3A = tpu.sem_alloc : memref<!tpu.dma_semaphore, #tpu.memory_space<semaphore_mem>>
      %dma_start3A = arith.constant 0 : i32
      %dma_start3A_8 = arith.constant 0 : i32
      %dma_start3A_9 = tpu.memref_slice %arg8[%dma_start3A, %dma_start3A_8] : memref<2560x32xf32, #tpu.memory_space<vmem>> -> memref<2560x32xf32, #tpu.memory_space<vmem>>
      %dma_start3A_10 = arith.constant 0 : i32
      %dma_start3A_11 = tpu.memref_slice %arg2[%mul3A_4, %dma_start3A_10] : memref<160000x32xf32, #tpu.memory_space<hbm>> -> memref<2560x32xf32, #tpu.memory_space<hbm>>
      %dma_start3A_12 = arith.constant 0 : i32
      %dma_start3A_13 = arith.constant 0 : i32
      %dma_start3A_14 = tpu.memref_slice %arg8[%dma_start3A_12, %dma_start3A_13] : memref<2560x32xf32, #tpu.memory_space<vmem>> -> memref<2560x32xf32, #tpu.memory_space<vmem>>
      %dma_start3A_15 = arith.constant 0 : i32
      %dma_start3A_16 = tpu.memref_slice %arg2[%mul3A_4, %dma_start3A_15] : memref<160000x32xf32, #tpu.memory_space<hbm>> -> memref<2560x32xf32, #tpu.memory_space<hbm>>
      tpu.enqueue_dma source(%dma_start3A_16 : memref<2560x32xf32, #tpu.memory_space<hbm>>) target(%dma_start3A_14 : memref<2560x32xf32, #tpu.memory_space<vmem>>) target_semaphore(%run_scoped3A : memref<!tpu.dma_semaphore, #tpu.memory_space<semaphore_mem>>)
      %dma_wait3A = arith.constant 0 : i32
      %dma_wait3A_17 = arith.constant 0 : i32
      %dma_wait3A_18 = tpu.memref_slice %arg8[%dma_wait3A, %dma_wait3A_17] : memref<2560x32xf32, #tpu.memory_space<vmem>> -> memref<2560x32xf32, #tpu.memory_space<vmem>>
      %dma_wait3A_19 = arith.constant 0 : i32
      %dma_wait3A_20 = tpu.memref_slice %arg2[%mul3A_4, %dma_wait3A_19] : memref<160000x32xf32, #tpu.memory_space<hbm>> -> memref<2560x32xf32, #tpu.memory_space<hbm>>
      %dma_wait3A_21 = arith.constant 0 : i32
      %dma_wait3A_22 = arith.constant 0 : i32
      %dma_wait3A_23 = tpu.memref_slice %arg8[%dma_wait3A_21, %dma_wait3A_22] : memref<2560x32xf32, #tpu.memory_space<vmem>> -> memref<2560x32xf32, #tpu.memory_space<vmem>>
      %dma_wait3A_24 = arith.constant 0 : i32
      %dma_wait3A_25 = tpu.memref_slice %arg2[%mul3A_4, %dma_wait3A_24] : memref<160000x32xf32, #tpu.memory_space<hbm>> -> memref<2560x32xf32, #tpu.memory_space<hbm>>
      tpu.wait_dma2 semaphore(%run_scoped3A : memref<!tpu.dma_semaphore, #tpu.memory_space<semaphore_mem>>) src(%dma_wait3A_25 : memref<2560x32xf32, #tpu.memory_space<hbm>>) dst(%dma_wait3A_23 : memref<2560x32xf32, #tpu.memory_space<vmem>>)
      tpu.yield
    }) : () -> ()
    "tpu.region"() ({
      %run_scoped3A = tpu.sem_alloc : memref<!tpu.dma_semaphore, #tpu.memory_space<semaphore_mem>>
      %dma_start3A = arith.constant 0 : i32
      %dma_start3A_8 = arith.constant 0 : i32
      %dma_start3A_9 = tpu.memref_slice %arg8[%dma_start3A, %dma_start3A_8] : memref<2560x32xf32, #tpu.memory_space<vmem>> -> memref<2560x32xf32, #tpu.memory_space<vmem>>
      %dma_start3A_10 = arith.constant 0 : i32
      %dma_start3A_11 = arith.constant 0 : i32
      %dma_start3A_12 = tpu.memref_slice %arg9[%dma_start3A_10, %dma_start3A_11] : memref<10240x32xf32, #tpu.memory_space<vmem_shared>> -> memref<10240x32xf32, #tpu.memory_space<vmem_shared>>
      tpu.enqueue_indirect_dma source(%dma_start3A_9 : memref<2560x32xf32, #tpu.memory_space<vmem>>) target(%dma_start3A_12 : memref<10240x32xf32, #tpu.memory_space<vmem_shared>>) offsets(%arg6 : memref<2560xi32, #tpu.memory_space<vmem>>) semaphore(%run_scoped3A : memref<!tpu.dma_semaphore, #tpu.memory_space<semaphore_mem>>) {add = true}
      %dma_wait3A = arith.constant 0 : i32
      %dma_wait3A_13 = arith.constant 0 : i32
      %dma_wait3A_14 = tpu.memref_slice %arg8[%dma_wait3A, %dma_wait3A_13] : memref<2560x32xf32, #tpu.memory_space<vmem>> -> memref<2560x32xf32, #tpu.memory_space<vmem>>
      %dma_wait3A_15 = arith.constant 0 : i32
      %dma_wait3A_16 = arith.constant 0 : i32
      %dma_wait3A_17 = tpu.memref_slice %arg9[%dma_wait3A_15, %dma_wait3A_16] : memref<10240x32xf32, #tpu.memory_space<vmem_shared>> -> memref<10240x32xf32, #tpu.memory_space<vmem_shared>>
      tpu.wait_indirect_dma semaphore(%run_scoped3A : memref<!tpu.dma_semaphore, #tpu.memory_space<semaphore_mem>>) src(%dma_wait3A_14 : memref<2560x32xf32, #tpu.memory_space<vmem>>) dst(%dma_wait3A_17 : memref<10240x32xf32, #tpu.memory_space<vmem_shared>>)
      tpu.yield
    }) : () -> ()
    "tpu.region"() ({
      %run_scoped3A = tpu.sem_alloc : memref<!tpu.dma_semaphore, #tpu.memory_space<semaphore_mem>>
      %dma_start3A = tpu.memref_slice %arg3[%add3A_6] : memref<160000xi32, #tpu.memory_space<hbm>> -> memref<2440xi32, #tpu.memory_space<hbm>>
      %dma_start3A_8 = tpu.memref_slice %arg3[%add3A_6] : memref<160000xi32, #tpu.memory_space<hbm>> -> memref<2440xi32, #tpu.memory_space<hbm>>
      tpu.enqueue_dma source(%dma_start3A_8 : memref<2440xi32, #tpu.memory_space<hbm>>) target(%arg7 : memref<2440xi32, #tpu.memory_space<vmem>>) target_semaphore(%run_scoped3A : memref<!tpu.dma_semaphore, #tpu.memory_space<semaphore_mem>>)
      %dma_wait3A = tpu.memref_slice %arg3[%add3A_6] : memref<160000xi32, #tpu.memory_space<hbm>> -> memref<2440xi32, #tpu.memory_space<hbm>>
      %dma_wait3A_9 = tpu.memref_slice %arg3[%add3A_6] : memref<160000xi32, #tpu.memory_space<hbm>> -> memref<2440xi32, #tpu.memory_space<hbm>>
      tpu.wait_dma2 semaphore(%run_scoped3A : memref<!tpu.dma_semaphore, #tpu.memory_space<semaphore_mem>>) src(%dma_wait3A_9 : memref<2440xi32, #tpu.memory_space<hbm>>) dst(%arg7 : memref<2440xi32, #tpu.memory_space<vmem>>)
      tpu.yield
    }) : () -> ()
    "tpu.region"() ({
      %run_scoped3A = tpu.sem_alloc : memref<!tpu.dma_semaphore, #tpu.memory_space<semaphore_mem>>
      %dma_start3A = arith.constant 0 : i32
      %dma_start3A_8 = arith.constant 0 : i32
      %dma_start3A_9 = tpu.memref_slice %arg8[%dma_start3A, %dma_start3A_8] : memref<2560x32xf32, #tpu.memory_space<vmem>> -> memref<2440x32xf32, #tpu.memory_space<vmem>>
      %dma_start3A_10 = arith.constant 0 : i32
      %dma_start3A_11 = tpu.memref_slice %arg2[%add3A_6, %dma_start3A_10] : memref<160000x32xf32, #tpu.memory_space<hbm>> -> memref<2440x32xf32, #tpu.memory_space<hbm>>
      %dma_start3A_12 = arith.constant 0 : i32
      %dma_start3A_13 = arith.constant 0 : i32
      %dma_start3A_14 = tpu.memref_slice %arg8[%dma_start3A_12, %dma_start3A_13] : memref<2560x32xf32, #tpu.memory_space<vmem>> -> memref<2440x32xf32, #tpu.memory_space<vmem>>
      %dma_start3A_15 = arith.constant 0 : i32
      %dma_start3A_16 = tpu.memref_slice %arg2[%add3A_6, %dma_start3A_15] : memref<160000x32xf32, #tpu.memory_space<hbm>> -> memref<2440x32xf32, #tpu.memory_space<hbm>>
      tpu.enqueue_dma source(%dma_start3A_16 : memref<2440x32xf32, #tpu.memory_space<hbm>>) target(%dma_start3A_14 : memref<2440x32xf32, #tpu.memory_space<vmem>>) target_semaphore(%run_scoped3A : memref<!tpu.dma_semaphore, #tpu.memory_space<semaphore_mem>>)
      %dma_wait3A = arith.constant 0 : i32
      %dma_wait3A_17 = arith.constant 0 : i32
      %dma_wait3A_18 = tpu.memref_slice %arg8[%dma_wait3A, %dma_wait3A_17] : memref<2560x32xf32, #tpu.memory_space<vmem>> -> memref<2440x32xf32, #tpu.memory_space<vmem>>
      %dma_wait3A_19 = arith.constant 0 : i32
      %dma_wait3A_20 = tpu.memref_slice %arg2[%add3A_6, %dma_wait3A_19] : memref<160000x32xf32, #tpu.memory_space<hbm>> -> memref<2440x32xf32, #tpu.memory_space<hbm>>
      %dma_wait3A_21 = arith.constant 0 : i32
      %dma_wait3A_22 = arith.constant 0 : i32
      %dma_wait3A_23 = tpu.memref_slice %arg8[%dma_wait3A_21, %dma_wait3A_22] : memref<2560x32xf32, #tpu.memory_space<vmem>> -> memref<2440x32xf32, #tpu.memory_space<vmem>>
      %dma_wait3A_24 = arith.constant 0 : i32
      %dma_wait3A_25 = tpu.memref_slice %arg2[%add3A_6, %dma_wait3A_24] : memref<160000x32xf32, #tpu.memory_space<hbm>> -> memref<2440x32xf32, #tpu.memory_space<hbm>>
      tpu.wait_dma2 semaphore(%run_scoped3A : memref<!tpu.dma_semaphore, #tpu.memory_space<semaphore_mem>>) src(%dma_wait3A_25 : memref<2440x32xf32, #tpu.memory_space<hbm>>) dst(%dma_wait3A_23 : memref<2440x32xf32, #tpu.memory_space<vmem>>)
      tpu.yield
    }) : () -> ()
    "tpu.region"() ({
      %run_scoped3A = tpu.sem_alloc : memref<!tpu.dma_semaphore, #tpu.memory_space<semaphore_mem>>
      %dma_start3A = arith.constant 0 : i32
      %dma_start3A_8 = arith.constant 0 : i32
      %dma_start3A_9 = tpu.memref_slice %arg8[%dma_start3A, %dma_start3A_8] : memref<2560x32xf32, #tpu.memory_space<vmem>> -> memref<2440x32xf32, #tpu.memory_space<vmem>>
      %dma_start3A_10 = arith.constant 0 : i32
      %dma_start3A_11 = arith.constant 0 : i32
      %dma_start3A_12 = tpu.memref_slice %arg9[%dma_start3A_10, %dma_start3A_11] : memref<10240x32xf32, #tpu.memory_space<vmem_shared>> -> memref<10240x32xf32, #tpu.memory_space<vmem_shared>>
      tpu.enqueue_indirect_dma source(%dma_start3A_9 : memref<2440x32xf32, #tpu.memory_space<vmem>>) target(%dma_start3A_12 : memref<10240x32xf32, #tpu.memory_space<vmem_shared>>) offsets(%arg7 : memref<2440xi32, #tpu.memory_space<vmem>>) semaphore(%run_scoped3A : memref<!tpu.dma_semaphore, #tpu.memory_space<semaphore_mem>>) {add = true}
      %dma_wait3A = arith.constant 0 : i32
      %dma_wait3A_13 = arith.constant 0 : i32
      %dma_wait3A_14 = tpu.memref_slice %arg8[%dma_wait3A, %dma_wait3A_13] : memref<2560x32xf32, #tpu.memory_space<vmem>> -> memref<2440x32xf32, #tpu.memory_space<vmem>>
      %dma_wait3A_15 = arith.constant 0 : i32
      %dma_wait3A_16 = arith.constant 0 : i32
      %dma_wait3A_17 = tpu.memref_slice %arg9[%dma_wait3A_15, %dma_wait3A_16] : memref<10240x32xf32, #tpu.memory_space<vmem_shared>> -> memref<10240x32xf32, #tpu.memory_space<vmem_shared>>
      tpu.wait_indirect_dma semaphore(%run_scoped3A : memref<!tpu.dma_semaphore, #tpu.memory_space<semaphore_mem>>) src(%dma_wait3A_14 : memref<2440x32xf32, #tpu.memory_space<vmem>>) dst(%dma_wait3A_17 : memref<10240x32xf32, #tpu.memory_space<vmem_shared>>)
      tpu.yield
    }) : () -> ()
    %barrier3A_7 = arith.constant 0 : index
    tpu.barrier barrier_id(%barrier3A_7)
    "tpu.region"() ({
      %run_scoped3A = tpu.sem_alloc : memref<!tpu.dma_semaphore, #tpu.memory_space<semaphore_mem>>
      %dma_start3A = arith.constant 0 : i32
      %dma_start3A_8 = tpu.memref_slice %arg5[%arg0, %mul3A_2, %dma_start3A] : memref<2x10240x32xf32, #tpu.memory_space<hbm>> -> memref<1x640x32xf32, #tpu.memory_space<hbm>>
      %dma_start3A_9 = tpu.memref_squeeze %dma_start3A_8 : memref<1x640x32xf32, #tpu.memory_space<hbm>> -> memref<640x32xf32, #tpu.memory_space<hbm>>
      %dma_start3A_10 = arith.constant 0 : i32
      %dma_start3A_11 = tpu.memref_slice %arg9[%mul3A_2, %dma_start3A_10] : memref<10240x32xf32, #tpu.memory_space<vmem_shared>> -> memref<640x32xf32, #tpu.memory_space<vmem_shared>>
      tpu.enqueue_dma source(%dma_start3A_11 : memref<640x32xf32, #tpu.memory_space<vmem_shared>>) target(%dma_start3A_9 : memref<640x32xf32, #tpu.memory_space<hbm>>) target_semaphore(%run_scoped3A : memref<!tpu.dma_semaphore, #tpu.memory_space<semaphore_mem>>)
      %dma_wait3A = arith.constant 0 : i32
      %dma_wait3A_12 = tpu.memref_slice %arg5[%arg0, %mul3A_2, %dma_wait3A] : memref<2x10240x32xf32, #tpu.memory_space<hbm>> -> memref<1x640x32xf32, #tpu.memory_space<hbm>>
      %dma_wait3A_13 = tpu.memref_squeeze %dma_wait3A_12 : memref<1x640x32xf32, #tpu.memory_space<hbm>> -> memref<640x32xf32, #tpu.memory_space<hbm>>
      %dma_wait3A_14 = arith.constant 0 : i32
      %dma_wait3A_15 = tpu.memref_slice %arg9[%mul3A_2, %dma_wait3A_14] : memref<10240x32xf32, #tpu.memory_space<vmem_shared>> -> memref<640x32xf32, #tpu.memory_space<vmem_shared>>
      tpu.wait_dma2 semaphore(%run_scoped3A : memref<!tpu.dma_semaphore, #tpu.memory_space<semaphore_mem>>) src(%dma_wait3A_15 : memref<640x32xf32, #tpu.memory_space<vmem_shared>>) dst(%dma_wait3A_13 : memref<640x32xf32, #tpu.memory_space<hbm>>)
      tpu.yield
    }) : () -> ()
    return
  }
}

#map = affine_map<(d0, d1) -> (0, 0)>
#map1 = affine_map<(d0, d1) -> (0)>
#map2 = affine_map<(d0, d1) -> (0, 0, 0)>
module attributes {stable_mosaic.version = 14 : i64} {
  func.func @body(%arg0: i32, %arg1: i32, %arg2: memref<10240x16xf32, #tpu.memory_space<hbm>>, %arg3: memref<160000xi32, #tpu.memory_space<hbm>>, %arg4: memref<160000xi32, #tpu.memory_space<hbm>>, %arg5: memref<10240x16xf32, #tpu.memory_space<hbm>>, %arg6: memref<2x10240x16xf32, #tpu.memory_space<hbm>>, %arg7: memref<2560xi32, #tpu.memory_space<vmem>>, %arg8: memref<2440xi32, #tpu.memory_space<vmem>>, %arg9: memref<2560xi32, #tpu.memory_space<vmem>>, %arg10: memref<2440xi32, #tpu.memory_space<vmem>>, %arg11: memref<2560x16xf32, #tpu.memory_space<vmem>>, %arg12: memref<10240x16xf32, #tpu.memory_space<vmem_shared>>, %arg13: memref<!tpu.dma_semaphore, #tpu.memory_space<semaphore_mem>>) attributes {dimension_semantics = [#tpu.dimension_semantics<core_parallel>, #tpu.dimension_semantics<subcore_parallel>], iteration_bounds = array<i64: 2, 16>, scalar_prefetch = 0 : i64, scratch_operands = 7 : i64, tpu.core_type = #tpu.core_type<sc_vector_subcore>, window_params = [{transform_indices = #map}, {transform_indices = #map1}, {transform_indices = #map1}, {transform_indices = #map}, {transform_indices = #map2}]} {
    %mul3A = arith.constant 2 : i32
    %mul3A_0 = arith.muli %arg1, %mul3A : i32
    %add3A = arith.addi %mul3A_0, %arg0 : i32
    %mul3A_1 = arith.constant 640 : i32
    %mul3A_2 = arith.muli %arg1, %mul3A_1 : i32
    "tpu.region"() ({
      %run_scoped3A = tpu.sem_alloc : memref<!tpu.dma_semaphore, #tpu.memory_space<semaphore_mem>>
      %dma_start3A_30 = arith.constant 0 : i32
      %dma_start3A_31 = tpu.memref_slice %arg12[%mul3A_2, %dma_start3A_30] : memref<10240x16xf32, #tpu.memory_space<vmem_shared>> -> memref<640x16xf32, #tpu.memory_space<vmem_shared>>
      %dma_start3A_32 = arith.constant 0 : i32
      %dma_start3A_33 = tpu.memref_slice %arg5[%mul3A_2, %dma_start3A_32] : memref<10240x16xf32, #tpu.memory_space<hbm>> -> memref<640x16xf32, #tpu.memory_space<hbm>>
      tpu.enqueue_dma source(%dma_start3A_33 : memref<640x16xf32, #tpu.memory_space<hbm>>) target(%dma_start3A_31 : memref<640x16xf32, #tpu.memory_space<vmem_shared>>) target_semaphore(%run_scoped3A : memref<!tpu.dma_semaphore, #tpu.memory_space<semaphore_mem>>)
      %dma_wait3A_34 = arith.constant 0 : i32
      %dma_wait3A_35 = tpu.memref_slice %arg12[%mul3A_2, %dma_wait3A_34] : memref<10240x16xf32, #tpu.memory_space<vmem_shared>> -> memref<640x16xf32, #tpu.memory_space<vmem_shared>>
      %dma_wait3A_36 = arith.constant 0 : i32
      %dma_wait3A_37 = tpu.memref_slice %arg5[%mul3A_2, %dma_wait3A_36] : memref<10240x16xf32, #tpu.memory_space<hbm>> -> memref<640x16xf32, #tpu.memory_space<hbm>>
      tpu.wait_dma2 semaphore(%run_scoped3A : memref<!tpu.dma_semaphore, #tpu.memory_space<semaphore_mem>>) src(%dma_wait3A_37 : memref<640x16xf32, #tpu.memory_space<hbm>>) dst(%dma_wait3A_35 : memref<640x16xf32, #tpu.memory_space<vmem_shared>>)
      tpu.yield
    }) : () -> ()
    %barrier3A = arith.constant 0 : index
    tpu.barrier barrier_id(%barrier3A)
    %mul3A_3 = arith.constant 5000 : i32
    %mul3A_4 = arith.muli %add3A, %mul3A_3 : i32
    %add3A_5 = arith.constant 2560 : i32
    %add3A_6 = arith.addi %mul3A_4, %add3A_5 : i32
    "tpu.region"() ({
      %run_scoped3A = tpu.sem_alloc : memref<!tpu.dma_semaphore, #tpu.memory_space<semaphore_mem>>
      %dma_start3A_30 = tpu.memref_slice %arg3[%mul3A_4] : memref<160000xi32, #tpu.memory_space<hbm>> -> memref<2560xi32, #tpu.memory_space<hbm>>
      %dma_start3A_31 = tpu.memref_slice %arg3[%mul3A_4] : memref<160000xi32, #tpu.memory_space<hbm>> -> memref<2560xi32, #tpu.memory_space<hbm>>
      tpu.enqueue_dma source(%dma_start3A_31 : memref<2560xi32, #tpu.memory_space<hbm>>) target(%arg7 : memref<2560xi32, #tpu.memory_space<vmem>>) target_semaphore(%run_scoped3A : memref<!tpu.dma_semaphore, #tpu.memory_space<semaphore_mem>>)
      %dma_wait3A_32 = tpu.memref_slice %arg3[%mul3A_4] : memref<160000xi32, #tpu.memory_space<hbm>> -> memref<2560xi32, #tpu.memory_space<hbm>>
      %dma_wait3A_33 = tpu.memref_slice %arg3[%mul3A_4] : memref<160000xi32, #tpu.memory_space<hbm>> -> memref<2560xi32, #tpu.memory_space<hbm>>
      tpu.wait_dma2 semaphore(%run_scoped3A : memref<!tpu.dma_semaphore, #tpu.memory_space<semaphore_mem>>) src(%dma_wait3A_33 : memref<2560xi32, #tpu.memory_space<hbm>>) dst(%arg7 : memref<2560xi32, #tpu.memory_space<vmem>>)
      tpu.yield
    }) : () -> ()
    "tpu.region"() ({
      %run_scoped3A = tpu.sem_alloc : memref<!tpu.dma_semaphore, #tpu.memory_space<semaphore_mem>>
      %dma_start3A_30 = tpu.memref_slice %arg4[%mul3A_4] : memref<160000xi32, #tpu.memory_space<hbm>> -> memref<2560xi32, #tpu.memory_space<hbm>>
      %dma_start3A_31 = tpu.memref_slice %arg4[%mul3A_4] : memref<160000xi32, #tpu.memory_space<hbm>> -> memref<2560xi32, #tpu.memory_space<hbm>>
      tpu.enqueue_dma source(%dma_start3A_31 : memref<2560xi32, #tpu.memory_space<hbm>>) target(%arg9 : memref<2560xi32, #tpu.memory_space<vmem>>) target_semaphore(%run_scoped3A : memref<!tpu.dma_semaphore, #tpu.memory_space<semaphore_mem>>)
      %dma_wait3A_32 = tpu.memref_slice %arg4[%mul3A_4] : memref<160000xi32, #tpu.memory_space<hbm>> -> memref<2560xi32, #tpu.memory_space<hbm>>
      %dma_wait3A_33 = tpu.memref_slice %arg4[%mul3A_4] : memref<160000xi32, #tpu.memory_space<hbm>> -> memref<2560xi32, #tpu.memory_space<hbm>>
      tpu.wait_dma2 semaphore(%run_scoped3A : memref<!tpu.dma_semaphore, #tpu.memory_space<semaphore_mem>>) src(%dma_wait3A_33 : memref<2560xi32, #tpu.memory_space<hbm>>) dst(%arg9 : memref<2560xi32, #tpu.memory_space<vmem>>)
      tpu.yield
    }) : () -> ()
    %dma_start3A = arith.constant 0 : i32
    %dma_start3A_7 = arith.constant 0 : i32
    %dma_start3A_8 = tpu.memref_slice %arg11[%dma_start3A, %dma_start3A_7] : memref<2560x16xf32, #tpu.memory_space<vmem>> -> memref<2560x16xf32, #tpu.memory_space<vmem>>
    %dma_start3A_9 = arith.constant 0 : i32
    %dma_start3A_10 = arith.constant 0 : i32
    %dma_start3A_11 = tpu.memref_slice %arg2[%dma_start3A_9, %dma_start3A_10] : memref<10240x16xf32, #tpu.memory_space<hbm>> -> memref<10240x16xf32, #tpu.memory_space<hbm>>
    tpu.enqueue_indirect_dma source(%dma_start3A_11 : memref<10240x16xf32, #tpu.memory_space<hbm>>) target(%dma_start3A_8 : memref<2560x16xf32, #tpu.memory_space<vmem>>) offsets(%arg7 : memref<2560xi32, #tpu.memory_space<vmem>>) semaphore(%arg13 : memref<!tpu.dma_semaphore, #tpu.memory_space<semaphore_mem>>)
    %dma_wait3A = arith.constant 0 : i32
    %dma_wait3A_12 = arith.constant 0 : i32
    %dma_wait3A_13 = tpu.memref_slice %arg11[%dma_wait3A, %dma_wait3A_12] : memref<2560x16xf32, #tpu.memory_space<vmem>> -> memref<2560x16xf32, #tpu.memory_space<vmem>>
    %dma_wait3A_14 = arith.constant 0 : i32
    %dma_wait3A_15 = arith.constant 0 : i32
    %dma_wait3A_16 = tpu.memref_slice %arg2[%dma_wait3A_14, %dma_wait3A_15] : memref<10240x16xf32, #tpu.memory_space<hbm>> -> memref<10240x16xf32, #tpu.memory_space<hbm>>
    tpu.wait_indirect_dma semaphore(%arg13 : memref<!tpu.dma_semaphore, #tpu.memory_space<semaphore_mem>>) src(%dma_wait3A_16 : memref<10240x16xf32, #tpu.memory_space<hbm>>) dst(%dma_wait3A_13 : memref<2560x16xf32, #tpu.memory_space<vmem>>)
    "tpu.region"() ({
      %run_scoped3A = tpu.sem_alloc : memref<!tpu.dma_semaphore, #tpu.memory_space<semaphore_mem>>
      %dma_start3A_30 = arith.constant 0 : i32
      %dma_start3A_31 = arith.constant 0 : i32
      %dma_start3A_32 = tpu.memref_slice %arg11[%dma_start3A_30, %dma_start3A_31] : memref<2560x16xf32, #tpu.memory_space<vmem>> -> memref<2560x16xf32, #tpu.memory_space<vmem>>
      %dma_start3A_33 = arith.constant 0 : i32
      %dma_start3A_34 = arith.constant 0 : i32
      %dma_start3A_35 = tpu.memref_slice %arg12[%dma_start3A_33, %dma_start3A_34] : memref<10240x16xf32, #tpu.memory_space<vmem_shared>> -> memref<10240x16xf32, #tpu.memory_space<vmem_shared>>
      tpu.enqueue_indirect_dma source(%dma_start3A_32 : memref<2560x16xf32, #tpu.memory_space<vmem>>) target(%dma_start3A_35 : memref<10240x16xf32, #tpu.memory_space<vmem_shared>>) offsets(%arg9 : memref<2560xi32, #tpu.memory_space<vmem>>) semaphore(%run_scoped3A : memref<!tpu.dma_semaphore, #tpu.memory_space<semaphore_mem>>) {add = true}
      %dma_wait3A_36 = arith.constant 0 : i32
      %dma_wait3A_37 = arith.constant 0 : i32
      %dma_wait3A_38 = tpu.memref_slice %arg11[%dma_wait3A_36, %dma_wait3A_37] : memref<2560x16xf32, #tpu.memory_space<vmem>> -> memref<2560x16xf32, #tpu.memory_space<vmem>>
      %dma_wait3A_39 = arith.constant 0 : i32
      %dma_wait3A_40 = arith.constant 0 : i32
      %dma_wait3A_41 = tpu.memref_slice %arg12[%dma_wait3A_39, %dma_wait3A_40] : memref<10240x16xf32, #tpu.memory_space<vmem_shared>> -> memref<10240x16xf32, #tpu.memory_space<vmem_shared>>
      tpu.wait_indirect_dma semaphore(%run_scoped3A : memref<!tpu.dma_semaphore, #tpu.memory_space<semaphore_mem>>) src(%dma_wait3A_38 : memref<2560x16xf32, #tpu.memory_space<vmem>>) dst(%dma_wait3A_41 : memref<10240x16xf32, #tpu.memory_space<vmem_shared>>)
      tpu.yield
    }) : () -> ()
    "tpu.region"() ({
      %run_scoped3A = tpu.sem_alloc : memref<!tpu.dma_semaphore, #tpu.memory_space<semaphore_mem>>
      %dma_start3A_30 = tpu.memref_slice %arg3[%add3A_6] : memref<160000xi32, #tpu.memory_space<hbm>> -> memref<2440xi32, #tpu.memory_space<hbm>>
      %dma_start3A_31 = tpu.memref_slice %arg3[%add3A_6] : memref<160000xi32, #tpu.memory_space<hbm>> -> memref<2440xi32, #tpu.memory_space<hbm>>
      tpu.enqueue_dma source(%dma_start3A_31 : memref<2440xi32, #tpu.memory_space<hbm>>) target(%arg8 : memref<2440xi32, #tpu.memory_space<vmem>>) target_semaphore(%run_scoped3A : memref<!tpu.dma_semaphore, #tpu.memory_space<semaphore_mem>>)
      %dma_wait3A_32 = tpu.memref_slice %arg3[%add3A_6] : memref<160000xi32, #tpu.memory_space<hbm>> -> memref<2440xi32, #tpu.memory_space<hbm>>
      %dma_wait3A_33 = tpu.memref_slice %arg3[%add3A_6] : memref<160000xi32, #tpu.memory_space<hbm>> -> memref<2440xi32, #tpu.memory_space<hbm>>
      tpu.wait_dma2 semaphore(%run_scoped3A : memref<!tpu.dma_semaphore, #tpu.memory_space<semaphore_mem>>) src(%dma_wait3A_33 : memref<2440xi32, #tpu.memory_space<hbm>>) dst(%arg8 : memref<2440xi32, #tpu.memory_space<vmem>>)
      tpu.yield
    }) : () -> ()
    "tpu.region"() ({
      %run_scoped3A = tpu.sem_alloc : memref<!tpu.dma_semaphore, #tpu.memory_space<semaphore_mem>>
      %dma_start3A_30 = tpu.memref_slice %arg4[%add3A_6] : memref<160000xi32, #tpu.memory_space<hbm>> -> memref<2440xi32, #tpu.memory_space<hbm>>
      %dma_start3A_31 = tpu.memref_slice %arg4[%add3A_6] : memref<160000xi32, #tpu.memory_space<hbm>> -> memref<2440xi32, #tpu.memory_space<hbm>>
      tpu.enqueue_dma source(%dma_start3A_31 : memref<2440xi32, #tpu.memory_space<hbm>>) target(%arg10 : memref<2440xi32, #tpu.memory_space<vmem>>) target_semaphore(%run_scoped3A : memref<!tpu.dma_semaphore, #tpu.memory_space<semaphore_mem>>)
      %dma_wait3A_32 = tpu.memref_slice %arg4[%add3A_6] : memref<160000xi32, #tpu.memory_space<hbm>> -> memref<2440xi32, #tpu.memory_space<hbm>>
      %dma_wait3A_33 = tpu.memref_slice %arg4[%add3A_6] : memref<160000xi32, #tpu.memory_space<hbm>> -> memref<2440xi32, #tpu.memory_space<hbm>>
      tpu.wait_dma2 semaphore(%run_scoped3A : memref<!tpu.dma_semaphore, #tpu.memory_space<semaphore_mem>>) src(%dma_wait3A_33 : memref<2440xi32, #tpu.memory_space<hbm>>) dst(%arg10 : memref<2440xi32, #tpu.memory_space<vmem>>)
      tpu.yield
    }) : () -> ()
    %dma_start3A_17 = arith.constant 0 : i32
    %dma_start3A_18 = arith.constant 0 : i32
    %dma_start3A_19 = tpu.memref_slice %arg11[%dma_start3A_17, %dma_start3A_18] : memref<2560x16xf32, #tpu.memory_space<vmem>> -> memref<2440x16xf32, #tpu.memory_space<vmem>>
    %dma_start3A_20 = arith.constant 0 : i32
    %dma_start3A_21 = arith.constant 0 : i32
    %dma_start3A_22 = tpu.memref_slice %arg2[%dma_start3A_20, %dma_start3A_21] : memref<10240x16xf32, #tpu.memory_space<hbm>> -> memref<10240x16xf32, #tpu.memory_space<hbm>>
    tpu.enqueue_indirect_dma source(%dma_start3A_22 : memref<10240x16xf32, #tpu.memory_space<hbm>>) target(%dma_start3A_19 : memref<2440x16xf32, #tpu.memory_space<vmem>>) offsets(%arg8 : memref<2440xi32, #tpu.memory_space<vmem>>) semaphore(%arg13 : memref<!tpu.dma_semaphore, #tpu.memory_space<semaphore_mem>>)
    %dma_wait3A_23 = arith.constant 0 : i32
    %dma_wait3A_24 = arith.constant 0 : i32
    %dma_wait3A_25 = tpu.memref_slice %arg11[%dma_wait3A_23, %dma_wait3A_24] : memref<2560x16xf32, #tpu.memory_space<vmem>> -> memref<2440x16xf32, #tpu.memory_space<vmem>>
    %dma_wait3A_26 = arith.constant 0 : i32
    %dma_wait3A_27 = arith.constant 0 : i32
    %dma_wait3A_28 = tpu.memref_slice %arg2[%dma_wait3A_26, %dma_wait3A_27] : memref<10240x16xf32, #tpu.memory_space<hbm>> -> memref<10240x16xf32, #tpu.memory_space<hbm>>
    tpu.wait_indirect_dma semaphore(%arg13 : memref<!tpu.dma_semaphore, #tpu.memory_space<semaphore_mem>>) src(%dma_wait3A_28 : memref<10240x16xf32, #tpu.memory_space<hbm>>) dst(%dma_wait3A_25 : memref<2440x16xf32, #tpu.memory_space<vmem>>)
    "tpu.region"() ({
      %run_scoped3A = tpu.sem_alloc : memref<!tpu.dma_semaphore, #tpu.memory_space<semaphore_mem>>
      %dma_start3A_30 = arith.constant 0 : i32
      %dma_start3A_31 = arith.constant 0 : i32
      %dma_start3A_32 = tpu.memref_slice %arg11[%dma_start3A_30, %dma_start3A_31] : memref<2560x16xf32, #tpu.memory_space<vmem>> -> memref<2440x16xf32, #tpu.memory_space<vmem>>
      %dma_start3A_33 = arith.constant 0 : i32
      %dma_start3A_34 = arith.constant 0 : i32
      %dma_start3A_35 = tpu.memref_slice %arg12[%dma_start3A_33, %dma_start3A_34] : memref<10240x16xf32, #tpu.memory_space<vmem_shared>> -> memref<10240x16xf32, #tpu.memory_space<vmem_shared>>
      tpu.enqueue_indirect_dma source(%dma_start3A_32 : memref<2440x16xf32, #tpu.memory_space<vmem>>) target(%dma_start3A_35 : memref<10240x16xf32, #tpu.memory_space<vmem_shared>>) offsets(%arg10 : memref<2440xi32, #tpu.memory_space<vmem>>) semaphore(%run_scoped3A : memref<!tpu.dma_semaphore, #tpu.memory_space<semaphore_mem>>) {add = true}
      %dma_wait3A_36 = arith.constant 0 : i32
      %dma_wait3A_37 = arith.constant 0 : i32
      %dma_wait3A_38 = tpu.memref_slice %arg11[%dma_wait3A_36, %dma_wait3A_37] : memref<2560x16xf32, #tpu.memory_space<vmem>> -> memref<2440x16xf32, #tpu.memory_space<vmem>>
      %dma_wait3A_39 = arith.constant 0 : i32
      %dma_wait3A_40 = arith.constant 0 : i32
      %dma_wait3A_41 = tpu.memref_slice %arg12[%dma_wait3A_39, %dma_wait3A_40] : memref<10240x16xf32, #tpu.memory_space<vmem_shared>> -> memref<10240x16xf32, #tpu.memory_space<vmem_shared>>
      tpu.wait_indirect_dma semaphore(%run_scoped3A : memref<!tpu.dma_semaphore, #tpu.memory_space<semaphore_mem>>) src(%dma_wait3A_38 : memref<2440x16xf32, #tpu.memory_space<vmem>>) dst(%dma_wait3A_41 : memref<10240x16xf32, #tpu.memory_space<vmem_shared>>)
      tpu.yield
    }) : () -> ()
    %barrier3A_29 = arith.constant 0 : index
    tpu.barrier barrier_id(%barrier3A_29)
    "tpu.region"() ({
      %run_scoped3A = tpu.sem_alloc : memref<!tpu.dma_semaphore, #tpu.memory_space<semaphore_mem>>
      %dma_start3A_30 = arith.constant 0 : i32
      %dma_start3A_31 = tpu.memref_slice %arg6[%arg0, %mul3A_2, %dma_start3A_30] : memref<2x10240x16xf32, #tpu.memory_space<hbm>> -> memref<1x640x16xf32, #tpu.memory_space<hbm>>
      %dma_start3A_32 = tpu.memref_squeeze %dma_start3A_31 : memref<1x640x16xf32, #tpu.memory_space<hbm>> -> memref<640x16xf32, #tpu.memory_space<hbm>>
      %dma_start3A_33 = arith.constant 0 : i32
      %dma_start3A_34 = tpu.memref_slice %arg12[%mul3A_2, %dma_start3A_33] : memref<10240x16xf32, #tpu.memory_space<vmem_shared>> -> memref<640x16xf32, #tpu.memory_space<vmem_shared>>
      tpu.enqueue_dma source(%dma_start3A_34 : memref<640x16xf32, #tpu.memory_space<vmem_shared>>) target(%dma_start3A_32 : memref<640x16xf32, #tpu.memory_space<hbm>>) target_semaphore(%run_scoped3A : memref<!tpu.dma_semaphore, #tpu.memory_space<semaphore_mem>>)
      %dma_wait3A_35 = arith.constant 0 : i32
      %dma_wait3A_36 = tpu.memref_slice %arg6[%arg0, %mul3A_2, %dma_wait3A_35] : memref<2x10240x16xf32, #tpu.memory_space<hbm>> -> memref<1x640x16xf32, #tpu.memory_space<hbm>>
      %dma_wait3A_37 = tpu.memref_squeeze %dma_wait3A_36 : memref<1x640x16xf32, #tpu.memory_space<hbm>> -> memref<640x16xf32, #tpu.memory_space<hbm>>
      %dma_wait3A_38 = arith.constant 0 : i32
      %dma_wait3A_39 = tpu.memref_slice %arg12[%mul3A_2, %dma_wait3A_38] : memref<10240x16xf32, #tpu.memory_space<vmem_shared>> -> memref<640x16xf32, #tpu.memory_space<vmem_shared>>
      tpu.wait_dma2 semaphore(%run_scoped3A : memref<!tpu.dma_semaphore, #tpu.memory_space<semaphore_mem>>) src(%dma_wait3A_39 : memref<640x16xf32, #tpu.memory_space<vmem_shared>>) dst(%dma_wait3A_37 : memref<640x16xf32, #tpu.memory_space<hbm>>)
      tpu.yield
    }) : () -> ()
    return
  }
}

module attributes {stable_mosaic.version = 14 : i64} {
  func.func @body(%arg0: i32, %arg1: memref<1600x128xf32, #tpu.memory_space<vmem>>, %arg2: memref<1600x64xf32, #tpu.memory_space<vmem>>, %arg3: memref<128x2048xbf16, #tpu.memory_space<vmem>>, %arg4: memref<64x2048xbf16, #tpu.memory_space<vmem>>, %arg5: memref<2048x128xbf16, #tpu.memory_space<vmem>>, %arg6: memref<128x128xbf16, #tpu.memory_space<vmem>>, %arg7: memref<1600x128xf32, #tpu.memory_space<vmem>>) attributes {dimension_semantics = [#tpu.dimension_semantics<arbitrary>], iteration_bounds = array<i64: 25>, scalar_prefetch = 0 : i64, scratch_operands = 0 : i64, tpu.core_type = #tpu.core_type<tc>, window_params = [{transform_indices = @transform_0, window_bounds = array<i64: 1600, 128>}, {transform_indices = @transform_1, window_bounds = array<i64: 1600, 64>}, {pipeline_mode = #tpu.pipeline_mode<synchronous>, transform_indices = @transform_2, window_bounds = array<i64: 128, 2048>}, {pipeline_mode = #tpu.pipeline_mode<synchronous>, transform_indices = @transform_3, window_bounds = array<i64: 64, 2048>}, {pipeline_mode = #tpu.pipeline_mode<synchronous>, transform_indices = @transform_4, window_bounds = array<i64: 2048, 128>}, {pipeline_mode = #tpu.pipeline_mode<synchronous>, transform_indices = @transform_5, window_bounds = array<i64: 128, 128>}, {transform_indices = @transform_6, window_bounds = array<i64: 1600, 128>}]} {
    %get3A = arith.constant 0 : index
    %get3A_0 = arith.constant 0 : index
    %get3A_1 = vector.load %arg1[%get3A, %get3A_0] : memref<1600x128xf32, #tpu.memory_space<vmem>>, vector<1600x128xf32>
    %convert_element_type3A = arith.truncf %get3A_1 : vector<1600x128xf32> to vector<1600x128xbf16>
    %get3A_2 = arith.constant 0 : index
    %get3A_3 = arith.constant 0 : index
    %get3A_4 = vector.load %arg2[%get3A_2, %get3A_3] : memref<1600x64xf32, #tpu.memory_space<vmem>>, vector<1600x64xf32>
    %convert_element_type3A_5 = arith.truncf %get3A_4 : vector<1600x64xf32> to vector<1600x64xbf16>
    %get3A_6 = arith.constant 0 : index
    %get3A_7 = arith.constant 0 : index
    %get3A_8 = vector.load %arg3[%get3A_6, %get3A_7] : memref<128x2048xbf16, #tpu.memory_space<vmem>>, vector<128x2048xbf16>
    %dot_general3A = arith.constant dense<0.000000e+00> : vector<1600x2048xf32>
    %dot_general3A_9 = tpu.matmul %convert_element_type3A, %get3A_8, %dot_general3A {dimension_numbers = #tpu.dot_dimension_numbers<[1], [0], [0], [1], [0, 0, 1, 1], [], []>, transpose_lhs_hint = false} : vector<1600x128xbf16>, vector<128x2048xbf16>, vector<1600x2048xf32> -> vector<1600x2048xf32>
    %convert_element_type3A_10 = arith.truncf %dot_general3A_9 : vector<1600x2048xf32> to vector<1600x2048xbf16>
    %get3A_11 = arith.constant 0 : index
    %get3A_12 = arith.constant 0 : index
    %get3A_13 = vector.load %arg4[%get3A_11, %get3A_12] : memref<64x2048xbf16, #tpu.memory_space<vmem>>, vector<64x2048xbf16>
    %dot_general3A_14 = arith.constant dense<0.000000e+00> : vector<1600x2048xf32>
    %dot_general3A_15 = tpu.matmul %convert_element_type3A_5, %get3A_13, %dot_general3A_14 {dimension_numbers = #tpu.dot_dimension_numbers<[1], [0], [0], [1], [0, 0, 1, 1], [], []>, transpose_lhs_hint = false} : vector<1600x64xbf16>, vector<64x2048xbf16>, vector<1600x2048xf32> -> vector<1600x2048xf32>
    %convert_element_type3A_16 = arith.truncf %dot_general3A_15 : vector<1600x2048xf32> to vector<1600x2048xbf16>
    %mul3A = arith.mulf %convert_element_type3A_10, %convert_element_type3A_16 : vector<1600x2048xbf16>
    %get3A_17 = arith.constant 0 : index
    %get3A_18 = arith.constant 0 : index
    %get3A_19 = vector.load %arg5[%get3A_17, %get3A_18] : memref<2048x128xbf16, #tpu.memory_space<vmem>>, vector<2048x128xbf16>
    %dot_general3A_20 = arith.constant dense<0.000000e+00> : vector<1600x128xf32>
    %dot_general3A_21 = tpu.matmul %mul3A, %get3A_19, %dot_general3A_20 {dimension_numbers = #tpu.dot_dimension_numbers<[1], [0], [0], [1], [0, 0, 1, 1], [], []>, transpose_lhs_hint = false} : vector<1600x2048xbf16>, vector<2048x128xbf16>, vector<1600x128xf32> -> vector<1600x128xf32>
    %get3A_22 = arith.constant 0 : index
    %get3A_23 = arith.constant 0 : index
    %get3A_24 = vector.load %arg6[%get3A_22, %get3A_23] : memref<128x128xbf16, #tpu.memory_space<vmem>>, vector<128x128xbf16>
    %dot_general3A_25 = arith.constant dense<0.000000e+00> : vector<1600x128xf32>
    %dot_general3A_26 = tpu.matmul %convert_element_type3A, %get3A_24, %dot_general3A_25 {dimension_numbers = #tpu.dot_dimension_numbers<[1], [0], [0], [1], [0, 0, 1, 1], [], []>, transpose_lhs_hint = false} : vector<1600x128xbf16>, vector<128x128xbf16>, vector<1600x128xf32> -> vector<1600x128xf32>
    %add3A = arith.addf %dot_general3A_21, %dot_general3A_26 : vector<1600x128xf32>
    %iota3A = tpu.iota {dimensions = array<i32: 1>} : vector<1600x128xi32>
    %jit3A = arith.constant 32 : i32
    %eq3A = arith.constant 0 : i32
    %eq3A_27 = arith.cmpi eq, %jit3A, %eq3A : i32
    %jit3A_28 = arith.constant 1 : i32
    %select_n3A = arith.select %eq3A_27, %jit3A_28, %jit3A : i32
    %rem3A = vector.broadcast %select_n3A : i32 to vector<1600x128xi32>
    %rem3A_29 = arith.remsi %iota3A, %rem3A : vector<1600x128xi32>
    %ne3A = arith.constant 0 : i32
    %ne3A_30 = vector.broadcast %ne3A : i32 to vector<1600x128xi32>
    %ne3A_31 = arith.cmpi ne, %rem3A_29, %ne3A_30 : vector<1600x128xi32>
    %lt3A = arith.constant 0 : i32
    %lt3A_32 = vector.broadcast %lt3A : i32 to vector<1600x128xi32>
    %lt3A_33 = arith.cmpi slt, %rem3A_29, %lt3A_32 : vector<1600x128xi32>
    %lt3A_34 = arith.constant 0 : i32
    %lt3A_35 = arith.cmpi slt, %select_n3A, %lt3A_34 : i32
    %ne3A_36 = vector.broadcast %lt3A_35 : i1 to vector<1600x128xi1>
    %ne3A_37 = vector.broadcast %ne3A_36 : vector<1600x128xi1> to vector<1600x128xi1>
    %ne3A_38 = arith.xori %lt3A_33, %ne3A_37 : vector<1600x128xi1>
    %and3A = arith.andi %ne3A_38, %ne3A_31 : vector<1600x128xi1>
    %add3A_39 = vector.broadcast %select_n3A : i32 to vector<1600x128xi32>
    %add3A_40 = arith.addi %rem3A_29, %add3A_39 : vector<1600x128xi32>
    %select_n3A_41 = arith.select %and3A, %add3A_40, %rem3A_29 : vector<1600x128xi1>, vector<1600x128xi32>
    %eq3A_42 = arith.constant 24 : i32
    %eq3A_43 = vector.broadcast %eq3A_42 : i32 to vector<1600x128xi32>
    %eq3A_44 = arith.cmpi eq, %select_n3A_41, %eq3A_43 : vector<1600x128xi32>
    %jit3A_45 = arith.constant 1.000000e+00 : f32
    %jit3A_46 = arith.constant 0.000000e+00 : f32
    %broadcast_in_dim3A = vector.broadcast %jit3A_45 : f32 to vector<1600x128xf32>
    %broadcast_in_dim3A_47 = vector.broadcast %jit3A_46 : f32 to vector<1600x128xf32>
    %select_n3A_48 = arith.select %eq3A_44, %broadcast_in_dim3A, %broadcast_in_dim3A_47 : vector<1600x128xi1>, vector<1600x128xf32>
    %add3A_49 = arith.addf %add3A, %select_n3A_48 : vector<1600x128xf32>
    %swap3A = arith.constant 0 : index
    %swap3A_50 = arith.constant 0 : index
    %swap3A_51 = vector.load %arg7[%swap3A, %swap3A_50] : memref<1600x128xf32, #tpu.memory_space<vmem>>, vector<1600x128xf32>
    tpu.vector_store %arg7[%swap3A, %swap3A_50], %add3A_49 {strides = array<i32>} : memref<1600x128xf32, #tpu.memory_space<vmem>>, vector<1600x128xf32>,
    return
  }
  func.func @transform_0(%arg0: i32) -> (i32, i32) {
    %c0_i32 = arith.constant 0 : i32
    %c0_i32_0 = arith.constant 0 : i32
    return %arg0, %c0_i32 : i32, i32
  }
  func.func @transform_1(%arg0: i32) -> (i32, i32) {
    %c0_i32 = arith.constant 0 : i32
    %c0_i32_0 = arith.constant 0 : i32
    return %arg0, %c0_i32 : i32, i32
  }
  func.func @transform_2(%arg0: i32) -> (i32, i32) {
    %c0_i32 = arith.constant 0 : i32
    %c0_i32_0 = arith.constant 0 : i32
    %c0_i32_1 = arith.constant 0 : i32
    return %c0_i32, %c0_i32_0 : i32, i32
  }
  func.func @transform_3(%arg0: i32) -> (i32, i32) {
    %c0_i32 = arith.constant 0 : i32
    %c0_i32_0 = arith.constant 0 : i32
    %c0_i32_1 = arith.constant 0 : i32
    return %c0_i32, %c0_i32_0 : i32, i32
  }
  func.func @transform_4(%arg0: i32) -> (i32, i32) {
    %c0_i32 = arith.constant 0 : i32
    %c0_i32_0 = arith.constant 0 : i32
    %c0_i32_1 = arith.constant 0 : i32
    return %c0_i32, %c0_i32_0 : i32, i32
  }
  func.func @transform_5(%arg0: i32) -> (i32, i32) {
    %c0_i32 = arith.constant 0 : i32
    %c0_i32_0 = arith.constant 0 : i32
    %c0_i32_1 = arith.constant 0 : i32
    return %c0_i32, %c0_i32_0 : i32, i32
  }
  func.func @transform_6(%arg0: i32) -> (i32, i32) {
    %c0_i32 = arith.constant 0 : i32
    %c0_i32_0 = arith.constant 0 : i32
    return %arg0, %c0_i32 : i32, i32
  }
}

module attributes {stable_mosaic.version = 14 : i64} {
  func.func @body(%arg0: i32, %arg1: memref<1x1024x32xf32, #tpu.memory_space<vmem>>, %arg2: memref<1x1024x32xf32, #tpu.memory_space<vmem>>, %arg3: memref<1024x32xf32, #tpu.memory_space<vmem>>, %arg4: memref<32x32xf32, #tpu.memory_space<vmem>>, %arg5: memref<1x32xf32, #tpu.memory_space<vmem>>, %arg6: memref<1024x32xf32, #tpu.memory_space<vmem>>, %arg7: memref<1024x8xf32, #tpu.memory_space<vmem>>) attributes {dimension_semantics = [#tpu.dimension_semantics<arbitrary>], iteration_bounds = array<i64: 10>, scalar_prefetch = 0 : i64, scratch_operands = 0 : i64, tpu.core_type = #tpu.core_type<tc>, window_params = [{transform_indices = @transform_0, window_bounds = array<i64: 1, 1024, 32>}, {transform_indices = @transform_1, window_bounds = array<i64: 1, 1024, 32>}, {transform_indices = @transform_2, window_bounds = array<i64: 1024, 32>}, {pipeline_mode = #tpu.pipeline_mode<synchronous>, transform_indices = @transform_3, window_bounds = array<i64: 32, 32>}, {pipeline_mode = #tpu.pipeline_mode<synchronous>, transform_indices = @transform_4, window_bounds = array<i64: 1, 32>}, {transform_indices = @transform_5, window_bounds = array<i64: 1024, 32>}, {transform_indices = @transform_6, window_bounds = array<i64: 1024, 8>}]} {
    %get3A = arith.constant 0 : index
    %get3A_0 = arith.constant 0 : index
    %get3A_1 = arith.constant 0 : index
    %get3A_2 = vector.load %arg1[%get3A, %get3A_0, %get3A_1] : memref<1x1024x32xf32, #tpu.memory_space<vmem>>, vector<1x1024x32xf32>
    %get3A_3 = vector.shape_cast %get3A_2 : vector<1x1024x32xf32> to vector<1024x32xf32>
    %get3A_4 = arith.constant 0 : index
    %get3A_5 = arith.constant 0 : index
    %get3A_6 = arith.constant 0 : index
    %get3A_7 = vector.load %arg2[%get3A_4, %get3A_5, %get3A_6] : memref<1x1024x32xf32, #tpu.memory_space<vmem>>, vector<1x1024x32xf32>
    %get3A_8 = vector.shape_cast %get3A_7 : vector<1x1024x32xf32> to vector<1024x32xf32>
    %add3A = arith.addf %get3A_3, %get3A_8 : vector<1024x32xf32>
    %get3A_9 = arith.constant 0 : index
    %get3A_10 = arith.constant 0 : index
    %get3A_11 = vector.load %arg3[%get3A_9, %get3A_10] : memref<1024x32xf32, #tpu.memory_space<vmem>>, vector<1024x32xf32>
    %get3A_12 = arith.constant 0 : index
    %get3A_13 = arith.constant 0 : index
    %get3A_14 = vector.load %arg4[%get3A_12, %get3A_13] : memref<32x32xf32, #tpu.memory_space<vmem>>, vector<32x32xf32>
    %dot_general3A = arith.constant dense<0.000000e+00> : vector<1024x32xf32>
    %dot_general3A_15 = tpu.matmul %get3A_11, %get3A_14, %dot_general3A {dimension_numbers = #tpu.dot_dimension_numbers<[1], [0], [0], [1], [0, 0, 1, 1], [], []>, transpose_lhs_hint = false} : vector<1024x32xf32>, vector<32x32xf32>, vector<1024x32xf32> -> vector<1024x32xf32>
    %add3A_16 = arith.addf %add3A, %dot_general3A_15 : vector<1024x32xf32>
    %get3A_17 = arith.constant 0 : index
    %get3A_18 = arith.constant 0 : index
    %get3A_19 = vector.load %arg5[%get3A_17, %get3A_18] : memref<1x32xf32, #tpu.memory_space<vmem>>, vector<1x32xf32>
    %add3A_20 = vector.broadcast %get3A_19 : vector<1x32xf32> to vector<1024x32xf32>
    %add3A_21 = arith.addf %add3A_16, %add3A_20 : vector<1024x32xf32>
    %iota3A = tpu.iota {dimensions = array<i32: 1>} : vector<1024x32xi32>
    %lt3A = arith.constant 24 : i32
    %lt3A_22 = vector.broadcast %lt3A : i32 to vector<1024x32xi32>
    %lt3A_23 = arith.cmpi slt, %iota3A, %lt3A_22 : vector<1024x32xi32>
    %max3A = arith.constant 0.000000e+00 : f32
    %max3A_24 = vector.broadcast %max3A : f32 to vector<1024x32xf32>
    %max3A_25 = arith.maximumf %add3A_21, %max3A_24 : vector<1024x32xf32>
    %jit3A = arith.constant 0.000000e+00 : f32
    %broadcast_in_dim3A = vector.broadcast %jit3A : f32 to vector<1024x32xf32>
    %select_n3A = arith.select %lt3A_23, %max3A_25, %broadcast_in_dim3A : vector<1024x32xi1>, vector<1024x32xf32>
    %swap3A = arith.constant 0 : index
    %swap3A_26 = arith.constant 0 : index
    %swap3A_27 = vector.load %arg6[%swap3A, %swap3A_26] : memref<1024x32xf32, #tpu.memory_space<vmem>>, vector<1024x32xf32>
    tpu.vector_store %arg6[%swap3A, %swap3A_26], %select_n3A {strides = array<i32>} : memref<1024x32xf32, #tpu.memory_space<vmem>>, vector<1024x32xf32>,
    %slice3A = vector.extract_strided_slice %add3A {offsets = [0, 24], sizes = [1024, 1], strides = [1, 1]} : vector<1024x32xf32> to vector<1024x1xf32>
    %add3A_28 = arith.constant 1.000000e+00 : f32
    %add3A_29 = vector.broadcast %add3A_28 : f32 to vector<1024x1xf32>
    %add3A_30 = arith.addf %slice3A, %add3A_29 : vector<1024x1xf32>
    %rsqrt3A = math.rsqrt %add3A_30 : vector<1024x1xf32>
    %broadcast_in_dim3A_31 = vector.shape_cast %rsqrt3A : vector<1024x1xf32> to vector<1024x1xf32>
    %broadcast_in_dim3A_32 = vector.broadcast %broadcast_in_dim3A_31 : vector<1024x1xf32> to vector<1024x8xf32>
    %swap3A_33 = arith.constant 0 : index
    %swap3A_34 = arith.constant 0 : index
    %swap3A_35 = vector.load %arg7[%swap3A_33, %swap3A_34] : memref<1024x8xf32, #tpu.memory_space<vmem>>, vector<1024x8xf32>
    tpu.vector_store %arg7[%swap3A_33, %swap3A_34], %broadcast_in_dim3A_32 {strides = array<i32>} : memref<1024x8xf32, #tpu.memory_space<vmem>>, vector<1024x8xf32>,
    return
  }
  func.func @transform_0(%arg0: i32) -> (i32, i32, i32) {
    %c0_i32 = arith.constant 0 : i32
    %c0_i32_0 = arith.constant 0 : i32
    %c0_i32_1 = arith.constant 0 : i32
    return %c0_i32, %arg0, %c0_i32_0 : i32, i32, i32
  }
  func.func @transform_1(%arg0: i32) -> (i32, i32, i32) {
    %c1_i32 = arith.constant 1 : i32
    %c0_i32 = arith.constant 0 : i32
    %c0_i32_0 = arith.constant 0 : i32
    return %c1_i32, %arg0, %c0_i32 : i32, i32, i32
  }
  func.func @transform_2(%arg0: i32) -> (i32, i32) {
    %c0_i32 = arith.constant 0 : i32
    %c0_i32_0 = arith.constant 0 : i32
    return %arg0, %c0_i32 : i32, i32
  }
  func.func @transform_3(%arg0: i32) -> (i32, i32) {
    %c0_i32 = arith.constant 0 : i32
    %c0_i32_0 = arith.constant 0 : i32
    %c0_i32_1 = arith.constant 0 : i32
    return %c0_i32, %c0_i32_0 : i32, i32
  }
  func.func @transform_4(%arg0: i32) -> (i32, i32) {
    %c0_i32 = arith.constant 0 : i32
    %c0_i32_0 = arith.constant 0 : i32
    %c0_i32_1 = arith.constant 0 : i32
    return %c0_i32, %c0_i32_0 : i32, i32
  }
  func.func @transform_5(%arg0: i32) -> (i32, i32) {
    %c0_i32 = arith.constant 0 : i32
    %c0_i32_0 = arith.constant 0 : i32
    return %arg0, %c0_i32 : i32, i32
  }
  func.func @transform_6(%arg0: i32) -> (i32, i32) {
    %c0_i32 = arith.constant 0 : i32
    %c0_i32_0 = arith.constant 0 : i32
    return %arg0, %c0_i32 : i32, i32
  }
}

module attributes {stable_mosaic.version = 14 : i64} {
  func.func @body(%arg0: i32, %arg1: memref<1600x128xf32, #tpu.memory_space<vmem>>, %arg2: memref<1600x64xf32, #tpu.memory_space<vmem>>, %arg3: memref<128x2048xbf16, #tpu.memory_space<vmem>>, %arg4: memref<64x2048xbf16, #tpu.memory_space<vmem>>, %arg5: memref<2048x128xbf16, #tpu.memory_space<vmem>>, %arg6: memref<128x128xbf16, #tpu.memory_space<vmem>>, %arg7: memref<1600x128xf32, #tpu.memory_space<vmem>>) attributes {dimension_semantics = [#tpu.dimension_semantics<arbitrary>], iteration_bounds = array<i64: 25>, scalar_prefetch = 0 : i64, scratch_operands = 0 : i64, tpu.core_type = #tpu.core_type<tc>, window_params = [{transform_indices = @transform_0, window_bounds = array<i64: 1600, 128>}, {transform_indices = @transform_1, window_bounds = array<i64: 1600, 64>}, {pipeline_mode = #tpu.pipeline_mode<synchronous>, transform_indices = @transform_2, window_bounds = array<i64: 128, 2048>}, {pipeline_mode = #tpu.pipeline_mode<synchronous>, transform_indices = @transform_3, window_bounds = array<i64: 64, 2048>}, {pipeline_mode = #tpu.pipeline_mode<synchronous>, transform_indices = @transform_4, window_bounds = array<i64: 2048, 128>}, {pipeline_mode = #tpu.pipeline_mode<synchronous>, transform_indices = @transform_5, window_bounds = array<i64: 128, 128>}, {transform_indices = @transform_6, window_bounds = array<i64: 1600, 128>}]} {
    %get3A = arith.constant 0 : index
    %get3A_0 = arith.constant 0 : index
    %get3A_1 = vector.load %arg1[%get3A, %get3A_0] : memref<1600x128xf32, #tpu.memory_space<vmem>>, vector<1600x128xf32>
    %convert_element_type3A = arith.truncf %get3A_1 : vector<1600x128xf32> to vector<1600x128xbf16>
    %get3A_2 = arith.constant 0 : index
    %get3A_3 = arith.constant 0 : index
    %get3A_4 = vector.load %arg2[%get3A_2, %get3A_3] : memref<1600x64xf32, #tpu.memory_space<vmem>>, vector<1600x64xf32>
    %convert_element_type3A_5 = arith.truncf %get3A_4 : vector<1600x64xf32> to vector<1600x64xbf16>
    %get3A_6 = arith.constant 0 : index
    %get3A_7 = arith.constant 0 : index
    %get3A_8 = vector.load %arg3[%get3A_6, %get3A_7] : memref<128x2048xbf16, #tpu.memory_space<vmem>>, vector<128x2048xbf16>
    %dot_general3A = arith.constant dense<0.000000e+00> : vector<1600x2048xf32>
    %dot_general3A_9 = tpu.matmul %convert_element_type3A, %get3A_8, %dot_general3A {dimension_numbers = #tpu.dot_dimension_numbers<[1], [0], [0], [1], [0, 0, 1, 1], [], []>, transpose_lhs_hint = false} : vector<1600x128xbf16>, vector<128x2048xbf16>, vector<1600x2048xf32> -> vector<1600x2048xf32>
    %convert_element_type3A_10 = arith.truncf %dot_general3A_9 : vector<1600x2048xf32> to vector<1600x2048xbf16>
    %get3A_11 = arith.constant 0 : index
    %get3A_12 = arith.constant 0 : index
    %get3A_13 = vector.load %arg4[%get3A_11, %get3A_12] : memref<64x2048xbf16, #tpu.memory_space<vmem>>, vector<64x2048xbf16>
    %dot_general3A_14 = arith.constant dense<0.000000e+00> : vector<1600x2048xf32>
    %dot_general3A_15 = tpu.matmul %convert_element_type3A_5, %get3A_13, %dot_general3A_14 {dimension_numbers = #tpu.dot_dimension_numbers<[1], [0], [0], [1], [0, 0, 1, 1], [], []>, transpose_lhs_hint = false} : vector<1600x64xbf16>, vector<64x2048xbf16>, vector<1600x2048xf32> -> vector<1600x2048xf32>
    %convert_element_type3A_16 = arith.truncf %dot_general3A_15 : vector<1600x2048xf32> to vector<1600x2048xbf16>
    %mul3A = arith.mulf %convert_element_type3A_10, %convert_element_type3A_16 : vector<1600x2048xbf16>
    %get3A_17 = arith.constant 0 : index
    %get3A_18 = arith.constant 0 : index
    %get3A_19 = vector.load %arg5[%get3A_17, %get3A_18] : memref<2048x128xbf16, #tpu.memory_space<vmem>>, vector<2048x128xbf16>
    %dot_general3A_20 = arith.constant dense<0.000000e+00> : vector<1600x128xf32>
    %dot_general3A_21 = tpu.matmul %mul3A, %get3A_19, %dot_general3A_20 {dimension_numbers = #tpu.dot_dimension_numbers<[1], [0], [0], [1], [0, 0, 1, 1], [], []>, transpose_lhs_hint = false} : vector<1600x2048xbf16>, vector<2048x128xbf16>, vector<1600x128xf32> -> vector<1600x128xf32>
    %get3A_22 = arith.constant 0 : index
    %get3A_23 = arith.constant 0 : index
    %get3A_24 = vector.load %arg6[%get3A_22, %get3A_23] : memref<128x128xbf16, #tpu.memory_space<vmem>>, vector<128x128xbf16>
    %dot_general3A_25 = arith.constant dense<0.000000e+00> : vector<1600x128xf32>
    %dot_general3A_26 = tpu.matmul %convert_element_type3A, %get3A_24, %dot_general3A_25 {dimension_numbers = #tpu.dot_dimension_numbers<[1], [0], [0], [1], [0, 0, 1, 1], [], []>, transpose_lhs_hint = false} : vector<1600x128xbf16>, vector<128x128xbf16>, vector<1600x128xf32> -> vector<1600x128xf32>
    %add3A = arith.addf %dot_general3A_21, %dot_general3A_26 : vector<1600x128xf32>
    %swap3A = arith.constant 0 : index
    %swap3A_27 = arith.constant 0 : index
    %swap3A_28 = vector.load %arg7[%swap3A, %swap3A_27] : memref<1600x128xf32, #tpu.memory_space<vmem>>, vector<1600x128xf32>
    tpu.vector_store %arg7[%swap3A, %swap3A_27], %add3A {strides = array<i32>} : memref<1600x128xf32, #tpu.memory_space<vmem>>, vector<1600x128xf32>,
    return
  }
  func.func @transform_0(%arg0: i32) -> (i32, i32) {
    %c0_i32 = arith.constant 0 : i32
    %c0_i32_0 = arith.constant 0 : i32
    return %arg0, %c0_i32 : i32, i32
  }
  func.func @transform_1(%arg0: i32) -> (i32, i32) {
    %c0_i32 = arith.constant 0 : i32
    %c0_i32_0 = arith.constant 0 : i32
    return %arg0, %c0_i32 : i32, i32
  }
  func.func @transform_2(%arg0: i32) -> (i32, i32) {
    %c0_i32 = arith.constant 0 : i32
    %c0_i32_0 = arith.constant 0 : i32
    %c0_i32_1 = arith.constant 0 : i32
    return %c0_i32, %c0_i32_0 : i32, i32
  }
  func.func @transform_3(%arg0: i32) -> (i32, i32) {
    %c0_i32 = arith.constant 0 : i32
    %c0_i32_0 = arith.constant 0 : i32
    %c0_i32_1 = arith.constant 0 : i32
    return %c0_i32, %c0_i32_0 : i32, i32
  }
  func.func @transform_4(%arg0: i32) -> (i32, i32) {
    %c0_i32 = arith.constant 0 : i32
    %c0_i32_0 = arith.constant 0 : i32
    %c0_i32_1 = arith.constant 0 : i32
    return %c0_i32, %c0_i32_0 : i32, i32
  }
  func.func @transform_5(%arg0: i32) -> (i32, i32) {
    %c0_i32 = arith.constant 0 : i32
    %c0_i32_0 = arith.constant 0 : i32
    %c0_i32_1 = arith.constant 0 : i32
    return %c0_i32, %c0_i32_0 : i32, i32
  }
  func.func @transform_6(%arg0: i32) -> (i32, i32) {
    %c0_i32 = arith.constant 0 : i32
    %c0_i32_0 = arith.constant 0 : i32
    return %arg0, %c0_i32 : i32, i32
  }
}

module attributes {stable_mosaic.version = 14 : i64} {
  func.func @body(%arg0: i32, %arg1: memref<1x1024x32xf32, #tpu.memory_space<vmem>>, %arg2: memref<1x1024x32xf32, #tpu.memory_space<vmem>>, %arg3: memref<1024x32xf32, #tpu.memory_space<vmem>>, %arg4: memref<1024x8xf32, #tpu.memory_space<vmem>>, %arg5: memref<32x32xf32, #tpu.memory_space<vmem>>, %arg6: memref<1x32xf32, #tpu.memory_space<vmem>>, %arg7: memref<32x16xf32, #tpu.memory_space<vmem>>, %arg8: memref<1024x16xf32, #tpu.memory_space<vmem>>) attributes {dimension_semantics = [#tpu.dimension_semantics<arbitrary>], iteration_bounds = array<i64: 10>, scalar_prefetch = 0 : i64, scratch_operands = 0 : i64, tpu.core_type = #tpu.core_type<tc>, window_params = [{transform_indices = @transform_0, window_bounds = array<i64: 1, 1024, 32>}, {transform_indices = @transform_1, window_bounds = array<i64: 1, 1024, 32>}, {transform_indices = @transform_2, window_bounds = array<i64: 1024, 32>}, {transform_indices = @transform_3, window_bounds = array<i64: 1024, 8>}, {pipeline_mode = #tpu.pipeline_mode<synchronous>, transform_indices = @transform_4, window_bounds = array<i64: 32, 32>}, {pipeline_mode = #tpu.pipeline_mode<synchronous>, transform_indices = @transform_5, window_bounds = array<i64: 1, 32>}, {pipeline_mode = #tpu.pipeline_mode<synchronous>, transform_indices = @transform_6, window_bounds = array<i64: 32, 16>}, {transform_indices = @transform_7, window_bounds = array<i64: 1024, 16>}]} {
    %get3A = arith.constant 0 : index
    %get3A_0 = arith.constant 0 : index
    %get3A_1 = arith.constant 0 : index
    %get3A_2 = vector.load %arg1[%get3A, %get3A_0, %get3A_1] : memref<1x1024x32xf32, #tpu.memory_space<vmem>>, vector<1x1024x32xf32>
    %get3A_3 = vector.shape_cast %get3A_2 : vector<1x1024x32xf32> to vector<1024x32xf32>
    %get3A_4 = arith.constant 0 : index
    %get3A_5 = arith.constant 0 : index
    %get3A_6 = arith.constant 0 : index
    %get3A_7 = vector.load %arg2[%get3A_4, %get3A_5, %get3A_6] : memref<1x1024x32xf32, #tpu.memory_space<vmem>>, vector<1x1024x32xf32>
    %get3A_8 = vector.shape_cast %get3A_7 : vector<1x1024x32xf32> to vector<1024x32xf32>
    %add3A = arith.addf %get3A_3, %get3A_8 : vector<1024x32xf32>
    %get3A_9 = arith.constant 0 : index
    %get3A_10 = arith.constant 0 : index
    %get3A_11 = vector.load %arg3[%get3A_9, %get3A_10] : memref<1024x32xf32, #tpu.memory_space<vmem>>, vector<1024x32xf32>
    %get3A_12 = arith.constant 0 : index
    %get3A_13 = arith.constant 0 : index
    %get3A_14 = vector.load %arg5[%get3A_12, %get3A_13] : memref<32x32xf32, #tpu.memory_space<vmem>>, vector<32x32xf32>
    %dot_general3A = arith.constant dense<0.000000e+00> : vector<1024x32xf32>
    %dot_general3A_15 = tpu.matmul %get3A_11, %get3A_14, %dot_general3A {dimension_numbers = #tpu.dot_dimension_numbers<[1], [0], [0], [1], [0, 0, 1, 1], [], []>, transpose_lhs_hint = false} : vector<1024x32xf32>, vector<32x32xf32>, vector<1024x32xf32> -> vector<1024x32xf32>
    %add3A_16 = arith.addf %add3A, %dot_general3A_15 : vector<1024x32xf32>
    %get3A_17 = arith.constant 0 : index
    %get3A_18 = arith.constant 0 : index
    %get3A_19 = vector.load %arg6[%get3A_17, %get3A_18] : memref<1x32xf32, #tpu.memory_space<vmem>>, vector<1x32xf32>
    %add3A_20 = vector.broadcast %get3A_19 : vector<1x32xf32> to vector<1024x32xf32>
    %add3A_21 = arith.addf %add3A_16, %add3A_20 : vector<1024x32xf32>
    %max3A = arith.constant 0.000000e+00 : f32
    %max3A_22 = vector.broadcast %max3A : f32 to vector<1024x32xf32>
    %max3A_23 = arith.maximumf %add3A_21, %max3A_22 : vector<1024x32xf32>
    %get3A_24 = arith.constant 0 : index
    %get3A_25 = arith.constant 0 : index
    %get3A_26 = vector.load %arg4[%get3A_24, %get3A_25] : memref<1024x8xf32, #tpu.memory_space<vmem>>, vector<1024x1xf32>
    %get3A_27 = arith.constant 0 : index
    %get3A_28 = arith.constant 0 : index
    %get3A_29 = vector.load %arg7[%get3A_27, %get3A_28] : memref<32x16xf32, #tpu.memory_space<vmem>>, vector<32x16xf32>
    %dot_general3A_30 = arith.constant dense<0.000000e+00> : vector<1024x16xf32>
    %dot_general3A_31 = tpu.matmul %max3A_23, %get3A_29, %dot_general3A_30 {dimension_numbers = #tpu.dot_dimension_numbers<[1], [0], [0], [1], [0, 0, 1, 1], [], []>, transpose_lhs_hint = false} : vector<1024x32xf32>, vector<32x16xf32>, vector<1024x16xf32> -> vector<1024x16xf32>
    %mul3A = vector.broadcast %get3A_26 : vector<1024x1xf32> to vector<1024x16xf32>
    %mul3A_32 = arith.mulf %mul3A, %dot_general3A_31 : vector<1024x16xf32>
    %swap3A = arith.constant 0 : index
    %swap3A_33 = arith.constant 0 : index
    %swap3A_34 = vector.load %arg8[%swap3A, %swap3A_33] : memref<1024x16xf32, #tpu.memory_space<vmem>>, vector<1024x16xf32>
    tpu.vector_store %arg8[%swap3A, %swap3A_33], %mul3A_32 {strides = array<i32>} : memref<1024x16xf32, #tpu.memory_space<vmem>>, vector<1024x16xf32>,
    return
  }
  func.func @transform_0(%arg0: i32) -> (i32, i32, i32) {
    %c0_i32 = arith.constant 0 : i32
    %c0_i32_0 = arith.constant 0 : i32
    %c0_i32_1 = arith.constant 0 : i32
    return %c0_i32, %arg0, %c0_i32_0 : i32, i32, i32
  }
  func.func @transform_1(%arg0: i32) -> (i32, i32, i32) {
    %c1_i32 = arith.constant 1 : i32
    %c0_i32 = arith.constant 0 : i32
    %c0_i32_0 = arith.constant 0 : i32
    return %c1_i32, %arg0, %c0_i32 : i32, i32, i32
  }
  func.func @transform_2(%arg0: i32) -> (i32, i32) {
    %c0_i32 = arith.constant 0 : i32
    %c0_i32_0 = arith.constant 0 : i32
    return %arg0, %c0_i32 : i32, i32
  }
  func.func @transform_3(%arg0: i32) -> (i32, i32) {
    %c0_i32 = arith.constant 0 : i32
    %c0_i32_0 = arith.constant 0 : i32
    return %arg0, %c0_i32 : i32, i32
  }
  func.func @transform_4(%arg0: i32) -> (i32, i32) {
    %c0_i32 = arith.constant 0 : i32
    %c0_i32_0 = arith.constant 0 : i32
    %c0_i32_1 = arith.constant 0 : i32
    return %c0_i32, %c0_i32_0 : i32, i32
  }
  func.func @transform_5(%arg0: i32) -> (i32, i32) {
    %c0_i32 = arith.constant 0 : i32
    %c0_i32_0 = arith.constant 0 : i32
    %c0_i32_1 = arith.constant 0 : i32
    return %c0_i32, %c0_i32_0 : i32, i32
  }
  func.func @transform_6(%arg0: i32) -> (i32, i32) {
    %c0_i32 = arith.constant 0 : i32
    %c0_i32_0 = arith.constant 0 : i32
    %c0_i32_1 = arith.constant 0 : i32
    return %c0_i32, %c0_i32_0 : i32, i32
  }
  func.func @transform_7(%arg0: i32) -> (i32, i32) {
    %c0_i32 = arith.constant 0 : i32
    %c0_i32_0 = arith.constant 0 : i32
    return %arg0, %c0_i32 : i32, i32
  }
}

module attributes {stable_mosaic.version = 14 : i64} {
  func.func @body(%arg0: i32, %arg1: memref<1x1024x16xf32, #tpu.memory_space<vmem>>, %arg2: memref<1x1024x16xf32, #tpu.memory_space<vmem>>, %arg3: memref<1024x16xf32, #tpu.memory_space<vmem>>, %arg4: memref<1024x8xf32, #tpu.memory_space<vmem>>, %arg5: memref<1x16xf32, #tpu.memory_space<vmem>>, %arg6: memref<1024x16xf32, #tpu.memory_space<vmem>>) attributes {dimension_semantics = [#tpu.dimension_semantics<arbitrary>], iteration_bounds = array<i64: 10>, scalar_prefetch = 0 : i64, scratch_operands = 0 : i64, tpu.core_type = #tpu.core_type<tc>, window_params = [{transform_indices = @transform_0, window_bounds = array<i64: 1, 1024, 16>}, {transform_indices = @transform_1, window_bounds = array<i64: 1, 1024, 16>}, {transform_indices = @transform_2, window_bounds = array<i64: 1024, 16>}, {transform_indices = @transform_3, window_bounds = array<i64: 1024, 8>}, {pipeline_mode = #tpu.pipeline_mode<synchronous>, transform_indices = @transform_4, window_bounds = array<i64: 1, 16>}, {transform_indices = @transform_5, window_bounds = array<i64: 1024, 16>}]} {
    %get3A = arith.constant 0 : index
    %get3A_0 = arith.constant 0 : index
    %get3A_1 = vector.load %arg4[%get3A, %get3A_0] : memref<1024x8xf32, #tpu.memory_space<vmem>>, vector<1024x1xf32>
    %get3A_2 = arith.constant 0 : index
    %get3A_3 = arith.constant 0 : index
    %get3A_4 = arith.constant 0 : index
    %get3A_5 = vector.load %arg1[%get3A_2, %get3A_3, %get3A_4] : memref<1x1024x16xf32, #tpu.memory_space<vmem>>, vector<1x1024x16xf32>
    %get3A_6 = vector.shape_cast %get3A_5 : vector<1x1024x16xf32> to vector<1024x16xf32>
    %get3A_7 = arith.constant 0 : index
    %get3A_8 = arith.constant 0 : index
    %get3A_9 = arith.constant 0 : index
    %get3A_10 = vector.load %arg2[%get3A_7, %get3A_8, %get3A_9] : memref<1x1024x16xf32, #tpu.memory_space<vmem>>, vector<1x1024x16xf32>
    %get3A_11 = vector.shape_cast %get3A_10 : vector<1x1024x16xf32> to vector<1024x16xf32>
    %add3A = arith.addf %get3A_6, %get3A_11 : vector<1024x16xf32>
    %get3A_12 = arith.constant 0 : index
    %get3A_13 = arith.constant 0 : index
    %get3A_14 = vector.load %arg3[%get3A_12, %get3A_13] : memref<1024x16xf32, #tpu.memory_space<vmem>>, vector<1024x16xf32>
    %add3A_15 = arith.addf %add3A, %get3A_14 : vector<1024x16xf32>
    %mul3A = vector.broadcast %get3A_1 : vector<1024x1xf32> to vector<1024x16xf32>
    %mul3A_16 = arith.mulf %mul3A, %add3A_15 : vector<1024x16xf32>
    %get3A_17 = arith.constant 0 : index
    %get3A_18 = arith.constant 0 : index
    %get3A_19 = vector.load %arg5[%get3A_17, %get3A_18] : memref<1x16xf32, #tpu.memory_space<vmem>>, vector<1x16xf32>
    %add3A_20 = vector.broadcast %get3A_19 : vector<1x16xf32> to vector<1024x16xf32>
    %add3A_21 = arith.addf %mul3A_16, %add3A_20 : vector<1024x16xf32>
    %swap3A = arith.constant 0 : index
    %swap3A_22 = arith.constant 0 : index
    %swap3A_23 = vector.load %arg6[%swap3A, %swap3A_22] : memref<1024x16xf32, #tpu.memory_space<vmem>>, vector<1024x16xf32>
    tpu.vector_store %arg6[%swap3A, %swap3A_22], %add3A_21 {strides = array<i32>} : memref<1024x16xf32, #tpu.memory_space<vmem>>, vector<1024x16xf32>,
    return
  }
  func.func @transform_0(%arg0: i32) -> (i32, i32, i32) {
    %c0_i32 = arith.constant 0 : i32
    %c0_i32_0 = arith.constant 0 : i32
    %c0_i32_1 = arith.constant 0 : i32
    return %c0_i32, %arg0, %c0_i32_0 : i32, i32, i32
  }
  func.func @transform_1(%arg0: i32) -> (i32, i32, i32) {
    %c1_i32 = arith.constant 1 : i32
    %c0_i32 = arith.constant 0 : i32
    %c0_i32_0 = arith.constant 0 : i32
    return %c1_i32, %arg0, %c0_i32 : i32, i32, i32
  }
  func.func @transform_2(%arg0: i32) -> (i32, i32) {
    %c0_i32 = arith.constant 0 : i32
    %c0_i32_0 = arith.constant 0 : i32
    return %arg0, %c0_i32 : i32, i32
  }
  func.func @transform_3(%arg0: i32) -> (i32, i32) {
    %c0_i32 = arith.constant 0 : i32
    %c0_i32_0 = arith.constant 0 : i32
    return %arg0, %c0_i32 : i32, i32
  }
  func.func @transform_4(%arg0: i32) -> (i32, i32) {
    %c0_i32 = arith.constant 0 : i32
    %c0_i32_0 = arith.constant 0 : i32
    %c0_i32_1 = arith.constant 0 : i32
    return %c0_i32, %c0_i32_0 : i32, i32
  }
  func.func @transform_5(%arg0: i32) -> (i32, i32) {
    %c0_i32 = arith.constant 0 : i32
    %c0_i32_0 = arith.constant 0 : i32
    return %arg0, %c0_i32 : i32, i32
  }
}

</mosaic_0001>

<sc_bundles>
// kernel: kernel.12.cloned.1.call-start
scs
__scs_entry_jumppad:
0x0: {  	(pc) =	sbr.rel $0x88, $3  }
0x1: {  	(tag) =	ssettag $0x0;
	lr =	simm.s32 $0x1  }
0x2: {  	[smem:$0x3F92] =	sst lr;
	_ =	strace $0xD0000000  }
0x3: {  	_ = 	snop  }
0x4: {  	_ = 	snop  }
0x5: {  	_ = 	snop  }
0x6: {  	_ = 	snop  }
0x7: {  	_ = 	snop  }
__scs_overlays_trampoline_lowered:
0x8: {  	[smem:$0x3FA1] =	sst s0  }
0x9: {  	[smem:$0x3FA2] =	sst s1  }
0xa: {  	[smem:$0x3FA3] =	sst s2  }
0xb: {  	[smem:$0x3FA4] =	sst s3  }
0xc: {  	[smem:$0x3FA5] =	sst s4  }
0xd: {  	[smem:$0x3FA6] =	sst s5  }
0xe: {  	[smem:$0x3FA7] =	sst s6  }
0xf: {  	[smem:$0x3FA8] =	sst s7  }
0x10: {  	[smem:$0x3FA9] =	sst s8  }
0x11: {  	[smem:$0x3FAA] =	sst s9;
	s0 =	simm.s32 @!p0 $0x0  }
0x12: {  	s1 =	sld [smem:$0x3F90];
	s0 =	simm.s32 @p0 $0x1  }
0x13: {  	[smem:$0x3FAB] =	sst s0;
	s0 =	simm.s32 @!p1 $0x0  }
0x14: {  	s2 =	sld [smem:$0x3F8F];
	s0 =	simm.s32 @p1 $0x1  }
0x15: {  	[smem:$0x3FAC] =	sst s0;
	s0 =	simm.s32 @!p2 $0x0  }
0x16: {  	s3 =	sld [smem:$0x3FDB];
	s0 =	simm.s32 @p2 $0x1  }
0x17: {  	s4 =	simm.s32 $0x1BF5;
	[smem:$0x3FAE] =	sst s0  }
0x18: {  	s0 =	sld [smem:$0x3F91];
	_ =	swait.ge [sflag:s4], $0x0  }
0x19: {  	s7 =	sld [smem:$0x3F92]  }
0x1a: {  	s8 =	sadd.s32 $0xFFFFE003, lr  }
0x1b: {  	s9 =	sadd.s32 $0xFFFFFEF7, lr;
	s5 =	simm.s32 $0xFFFFFFFF;
	p2 =	slt.u32 s8, $0xFFFFF086  }
0x1c: {  	p1 =	slt.u32 s9, $0xF7A;
	s5 =	simm.s32 @!p2 $0x0  }
0x1d: {  	s5 =	simm.s32 @p1 $0x1;
	p0 =	seq.s32 s7, s2  }
0x1e: {  	s7 =	smul.u32 @!p0 $0xF7A, s2;
	p2 =	seq.s32 @!p0 s5, $0x0  }
0x1f: {  	s9 =	smul.u32 $0xF7A, s1;
	s8 =	simm.s32 @!p0 $0x1BF5;
	p2 =	por !p2, p0  }
0x20: {  	[sflag:s8] =	ssyncset.s32 @!p0 $0xFFFFF086;
	s6 =	sadd.s32 @!p0 s3, s7;
	s7 =	simm.s32 @!p0 $0x108  }
0x21: {  	s3 =	sadd.s32 s3, s9;
	s6 =	sadd.s32 @!p0 $0x88, s6;
	s7 =	simm.s32 @p2 $0x1082  }
0x22: {  	[simem:s7], [sflag:s8] =	dma.local @!p0 [hbm:s6], $0xF7A  }
0x23: {  	s9 =	sor.u32 $0xD0000000, s2;
	s6 =	simm.s32 $0x108;
	_ =	swait.ge @!p0 [sflag:s8], $0x0  }
0x24: {  	s3 =	sadd.s32 $0x88, s3;
	s6 =	simm.s32 @!p1 $0x1082;
	[sflag:s4] =	ssyncset.s32 $0xFFFFF086  }
0x25: {  	[simem:s6], [sflag:s4] =	dma.local [hbm:s3], $0xF7A  }
0x26: {  	[smem:$0x3F92] =	sst s1;
	(tag) =	ssettag s2;
	_ =	strace s9  }
0x27: {  	s1 =	sld [smem:$0x3FA2]  }
0x28: {  	s2 =	sld [smem:$0x3FA3]  }
0x29: {  	s4 =	sld [smem:$0x3FA5]  }
0x2a: {  	p0 =	seq.s32 s5, $0x0;
	s5 =	sld [smem:$0x3FA6]  }
0x2b: {  	s6 =	sld [smem:$0x3FA7]  }
0x2c: {  	s7 =	sld [smem:$0x3FA8]  }
0x2d: {  	s3 =	simm.s32 $0x108;
	s8 =	sld [smem:$0x3FA9]  }
0x2e: {  	s3 =	simm.s32 @!p0 $0x1082;
	s9 =	sld [smem:$0x3FAA]  }
0x2f: {  	lr =	sadd.s32 s0, s3;
	s0 =	sld [smem:$0x3FA1]  }
0x30: {  	s3 =	sld [smem:$0x3FA4]  }
0x31: {  	[smem:$0x3FAD] =	sst s10  }
0x32: {  	s10 =	sld [smem:$0x3FAB];
	_ =	sdelay $0x3  }
0x33: {  	p0 =	seq.s32 s10, $0x1;
	s10 =	sld [smem:$0x3FAD];
	_ =	sdelay $0x3  }
0x34: {  	[smem:$0x3FAD] =	sst s10  }
0x35: {  	s10 =	sld [smem:$0x3FAC];
	_ =	sdelay $0x3  }
0x36: {  	p1 =	seq.s32 s10, $0x1;
	s10 =	sld [smem:$0x3FAD];
	_ =	sdelay $0x3  }
0x37: {  	[smem:$0x3FAD] =	sst s10  }
0x38: {  	s10 =	sld [smem:$0x3FAE]  }
0x39: {  	_ = 	snop;
	(pc) =	sbr.ind lr, $3  }
0x3a: {  	_ = 	snop  }
0x3b: {  	_ = 	snop  }
0x3c: {  	p2 =	seq.s32 s10, $0x1;
	s10 =	sld [smem:$0x3FAD]  }
0x3d: {  	_ =	shalt  }
0x3e: {  	_ =	shalt  }
0x3f: {  	_ =	shalt  }
0x40: {  	_ =	shalt  }
0x41: {  	_ =	shalt  }
0x42: {  	_ =	shalt  }
0x43: {  	_ =	shalt  }
0x44: {  	_ =	shalt  }
0x45: {  	_ =	shalt  }
0x46: {  	_ =	shalt  }
0x47: {  	_ =	shalt  }
0x48: {  	_ =	shalt  }
0x49: {  	_ =	shalt  }
0x4a: {  	_ =	shalt  }
0x4b: {  	_ =	shalt  }
0x4c: {  	_ =	shalt  }
0x4d: {  	_ =	shalt  }
0x4e: {  	_ =	shalt  }
0x4f: {  	_ =	shalt  }
0x50: {  	_ =	shalt  }
0x51: {  	_ =	shalt  }
0x52: {  	_ =	shalt  }
0x53: {  	_ =	shalt  }
0x54: {  	_ =	shalt  }
0x55: {  	_ =	shalt  }
0x56: {  	_ =	shalt  }
0x57: {  	_ =	shalt  }
0x58: {  	_ =	shalt  }
0x59: {  	_ =	shalt  }
0x5a: {  	_ =	shalt  }
0x5b: {  	_ =	shalt  }
0x5c: {  	_ =	shalt  }
0x5d: {  	_ =	shalt  }
0x5e: {  	_ =	shalt  }
0x5f: {  	_ =	shalt  }
0x60: {  	_ =	shalt  }
0x61: {  	_ =	shalt  }
0x62: {  	_ =	shalt  }
0x63: {  	_ =	shalt  }
0x64: {  	_ =	shalt  }
0x65: {  	_ =	shalt  }
0x66: {  	_ =	shalt  }
0x67: {  	_ =	shalt  }
0x68: {  	_ =	shalt  }
0x69: {  	_ =	shalt  }
0x6a: {  	_ =	shalt  }
0x6b: {  	_ =	shalt  }
0x6c: {  	_ =	shalt  }
0x6d: {  	_ =	shalt  }
0x6e: {  	_ =	shalt  }
0x6f: {  	_ =	shalt  }
0x70: {  	_ =	shalt  }
0x71: {  	_ =	shalt  }
0x72: {  	_ =	shalt  }
0x73: {  	_ =	shalt  }
0x74: {  	_ =	shalt  }
0x75: {  	_ =	shalt  }
0x76: {  	_ =	shalt  }
0x77: {  	_ =	shalt  }
0x78: {  	_ =	shalt  }
0x79: {  	_ =	shalt  }
0x7a: {  	_ =	shalt  }
0x7b: {  	_ =	shalt  }
0x7c: {  	_ =	shalt  }
0x7d: {  	_ =	shalt  }
0x7e: {  	_ =	shalt  }
0x7f: {  	_ =	shalt  }
0x80: {  	_ =	shalt  }
0x81: {  	_ =	shalt  }
0x82: {  	_ =	shalt  }
0x83: {  	_ =	shalt  }
0x84: {  	_ =	shalt  }
0x85: {  	_ =	shalt  }
0x86: {  	_ =	shalt  }
0x87: {  	_ =	shalt  }
.Lfunc_end0:
.L_simem_size_0:
called_computation_lowered:
.L_overlay_start_0:
0x88: {  	s2 =	sld [smem:$0x3FD9]  }
0x89: {  	s3 =	sld [smem:$0x3FFE];
	_ =	sdelay $0x1  }
0x8a: {  	s1 =	srdreg.scid  }
0x8b: {  	s0 =	sand.u32 $0x1, s1  }
0x8c: {  	s16 =	sshll.u32 s0, $0xA;
	s2 =	sadd.s32 s3, s2  }
0x8d: {  	s2 =	sadd.s32 s2, s16  }
0x8e: {  	[smem:$0x3FB9] =	sst s2  }
0x8f: {  	_ = 	snop  }
0x90: {  	(tm) =	ssettm $0x1  }
0x91: {  	s17 =	sld [smem:$0x3FFB];
	_ =	sdelay $0x3  }
0x92: {  	_ =	strace s17  }
0x93: {  	s2 =	sld [smem:$0x3FFC];
	_ =	sdelay $0x3  }
0x94: {  	_ =	strace s2  }
0x95: {  	s2 =	sld [smem:$0x3FFD];
	_ =	sdelay $0x3  }
0x96: {  	_ =	strace s2  }
0x97: {  	_ =	strace $0x8FFFFFFF  }
0x98: {  	s18 =	sld [smem:$0x3FDB];
	_ =	sdelay $0x1  }
0x99: {  	s19 =	simm.s32 $_scs_section_size  }
0x9a: {  	s4 =	simm.s32 $_size__tile_overlayer_lowered;
	s5 =	simm.s32 $_tile_overlayer_lowered  }
0x9b: {  	s22 =	simm.s32 $0x1BFF;
	s21 =	sshll.u32 s5, $0x1;
	s2 =	sadd.s32 s19, s18  }
0x9c: {  	s6 =	simm.s32 $0x0;
	s20 =	sshll.u32 s4, $0x1;
	s4 =	sadd.s32 s21, s2  }
0x9d: {  	[timem:s6], [sflag:s22] =	dma.local [hbm:s4], s20  }
0x9e: {  	_ =	swait.ge [sflag:s22], s20  }
0x9f: {  	s3 =	ssub.s32 $0x0, s20;
	[sflag:s22] =	ssyncset.done $0x0  }
0xa0: {  	[sflag:s22] =	ssyncadd.s32 s3;
	_ =	sdelay $0x1  }
0xa1: {  	s23 =	simm.s32 $0x1B8B  }
0xa2: {  	_ =	swait.ge [sflag:s23], $0x1  }
0xa3: {  	[sflag:s23] =	ssyncset.done $0x0  }
0xa4: {  	s25 =	simm.s32 $0x1B8E;
	s24 =	sld [smem:$0x3FFE];
	[sflag:s23] =	ssyncadd.s32 $0xFFFFFFFF  }
0xa5: {  	s26 =	simm.s32 $execute0_lowered;
	[smem:$0x3FD2] =	sst s25  }
0xa6: {  	s4 =	sshll.u32 s26, $0x1;
	_ =	strace $0x80000046;
	[dreg:$0x1] =	wrdreg $0xFFFFFFFF  }
0xa7: {  	s28 =	simm.s32 $_size_execute0_lowered;
	s2 =	sadd.s32 s2, s4;
	[dreg:$0x0] =	wrdreg $0x0  }
0xa8: {  	s4 =	sshll.u32 s28, $0x1;
	[dreg:$0x2] =	wrdreg s2  }
0xa9: {  	[dreg:$0x3] =	wrdreg s4  }
0xaa: {  	[dreg:$0x4] =	wrdreg $0xC0  }
0xab: {  	_ =	task [dreg:s6], $0x5FFFF  }
0xac: {  	[dreg:$0x1] =	wrdreg $0xFFFFFFFF  }
0xad: {  	[dreg:$0x0] =	wrdreg $0x60  }
0xae: {  	[dreg:$0x2] =	wrdreg s24  }
0xaf: {  	[dreg:$0x3] =	wrdreg $0x9  }
0xb0: {  	_ =	task.clear_ibuf [dreg:s6], $0x4FFFF;
	_ =	strace $0x90000046  }
0xb1: {  	s29 =	simm.s32 $0x9;
	_ =	strace $0x80000048  }
0xb2: {  	_ =	swait.ge [sflag:s29], $0x1  }
0xb3: {  	[sflag:s29] =	ssyncadd.s32 $0xFFFFFFFF  }
0xb4: {  	_ =	strace $0x90000048  }
0xb5: {  	_ =	sfence  }
0xb6: {  	s30 =	sld [smem:$0x0];
	_ =	sdelay $0x2  }
0xb7: {  	s31 =	sshll.u32 s1, $0xD;
	s1 =	sshrl.u32 s1, $0x2  }
0xb8: {  	s3 =	sand.u32 $0x4000, s31;
	s1 =	sadd.s32 s1, s30  }
0xb9: {  	s0 =	sor.u32 s3, s0;
	s1 =	sshll.u32 s1, $0x11  }
0xba: {  	s0 =	sor.u32 s1, s0  }
0xbb: {  	s0 =	sadd.s32 $0x8F2B, s0  }
0xbc: {  	[sflag:s0] =	ssyncadd.remote.s32 $0x1  }
0xbd: {  	_ =	sfence.sel $0xFFFF  }
0xbe: {  	[dreg:$0x0] =	wrdreg $0xFFFFFFFF;
	(pc) =	sbr.abs _section_cstart, $3  }
0xbf: {  	[dreg:$0x1] =	wrdreg $0xFFFFFFFF  }
0xc0: {  	_ =	task.clear_ibuf [dreg:s6], $0x2FFFF;
	_ =	strace $0x9FFFFFFF  }
0xc1: {  	(tm) =	ssettm $0x7FFFFFFF  }
tec
execute0_lowered:
.L_overlay_start_1:
0x0: {  	(tag) =	ssettag $0x1  }
0x1: {  	s1 =	srdreg.scid;
	s0 =	stileid.u32  }
0x2: {  	s11 =	sand.u32 $0x1, s1;
	s29 =	sshll.u32 s0, $0x1  }
0x3: {  	s9 =	sor.u32 s11, s29  }
0x4: {  	s10 =	rddreg [dreg:$0x0];
	s12 =	smul.u32 $0x1388, s9  }
0x5: {  	s2 =	simm.s32 $0x0;
	s1 =	rddreg [dreg:$0x1]  }
0x6: {  	[smem:$0x7FF] =	sst s2;
	s13 =	sadd.s32 $0x13200, s10;
	s3 =	sshrl.u32 s12, $0x3  }
0x7: {  	_ =	strace $0x80000047;
	s4 =	sadd.s32 s13, s3;
	s3 =	simm.s32 $0x2  }
0x8: {  	[tilespmem:s2], [sflag:$0x2] =	stream.linear.gather [hbm4b:s4+s2], $0xA00, $0x38;
	[tilespmem:$0x15388] =	vst v63  }
0x9: {  	_ =	swait.ge [sflag:s3], $0xA00  }
0xa: {  	s6 =	simm.s32 $0xA00;
	s7 =	simm.s32 $0x1388;
	[sflag:s3] =	ssyncset.done $0x0  }
0xb: {  	s8 =	simm.s32 $0x1;
	s5 =	sadd.s32 $0x4200, s10;
	[sflag:s3] =	ssyncadd.s32 $0xFFFFF600  }
0xc: {  	[tilespmem:s7], [sflag:$0x1] =	stream.indirect.gather [hbm4b:s5+s6], $0x20, s2, s6, $0xb8;
	[tilespmem:$0x15388] =	vst v63  }
0xd: {  	s9 =	smul.u32 $0x4E20, s9;
	_ =	swait.ge [sflag:s8], $0x14000  }
0xe: {  	s14 =	sadd.s32 $0x18200, s10;
	[sflag:s8] =	ssyncset.done $0x0  }
0xf: {  	s9 =	sadd.s32 s14, s9;
	[sflag:s8] =	ssyncadd.s32 $0xFFFEC000  }
0x10: {  	[hbm4b:s9+s2] =	stream.linear.scatter [tilespmem:s7], [sflag:$0x2], $0x14000, $0x38;
	[tilespmem:$0x15388] =	vst v63  }
0x11: {  	s12 =	sadd.s32 $0xA00, s12;
	_ =	swait.ge [sflag:s3], $0x14000  }
0x12: {  	s30 =	sshrl.u32 s12, $0x3;
	[sflag:s3] =	ssyncset.done $0x0  }
0x13: {  	s31 =	ssub.s32 $0x2, s11;
	s10 =	sadd.s32 s13, s30;
	[sflag:s3] =	ssyncadd.s32 $0xFFFEC000  }
0x14: {  	[tilespmem:s6], [sflag:$0x2] =	stream.linear.gather [hbm4b:s10+s2], $0x988, $0x38;
	[tilespmem:$0x15388] =	vst v63  }
0x15: {  	s15 =	sshrl.u32 s31, $0x1;
	_ =	swait.ge [sflag:s3], $0x988  }
0x16: {  	s13 =	ssub.s32 s31, s15;
	[sflag:s3] =	ssyncset.done $0x0  }
0x17: {  	s11 =	simm.s32 $0x988;
	s13 =	smax.u32 s13, $0x1;
	[sflag:s3] =	ssyncadd.s32 $0xFFFFF678  }
0x18: {  	[tilespmem:s7], [sflag:$0x1] =	stream.indirect.gather [hbm4b:s5+s11], $0x20, s6, s11, $0xb8;
	[tilespmem:$0x15388] =	vst v63  }
0x19: {  	p0 =	sne.s32 s13, $0x1;
	_ =	swait.ge [sflag:s8], $0x13100  }
.Ltmp0:
0x1a: {  	s12 =	sshll.u32 s12, $0x2;
	[sflag:s8] =	ssyncset.done $0x0;
	(pc) =	sbr.rel @!p0 .LBB2_2-.Ltmp0, $4  }
0x1b: {  	s12 =	sadd.s32 s14, s12;
	[sflag:s8] =	ssyncadd.s32 $0xFFFECF00  }
0x1c: {  	[hbm4b:s12+s2] =	stream.linear.scatter [tilespmem:s7], [sflag:$0x2], $0x13100, $0x38;
	[tilespmem:$0x15388] =	vst v63  }
0x1d: {  	_ =	swait.ge [sflag:s3], $0x13100  }
0x1e: {  	s13 =	sadd.s32 $0xFFFFFFFF, s13;
	[sflag:s3] =	ssyncset.done $0x0  }
.LBB2_1:
0x1f: {  	p0 =	sne.s32 s13, $0x1;
	s13 =	sadd.s32 $0xFFFFFFFF, s13;
	[sflag:s3] =	ssyncadd.s32 $0xFFFECF00  }
0x20: {  	[tilespmem:s2], [sflag:$0x2] =	stream.linear.gather [hbm4b:s4+s2], $0xA00, $0x38;
	[tilespmem:$0x15388] =	vst v63  }
0x21: {  	_ =	swait.ge [sflag:s3], $0xA00  }
0x22: {  	[sflag:s3] =	ssyncset.done $0x0  }
0x23: {  	[sflag:s3] =	ssyncadd.s32 $0xFFFFF600  }
0x24: {  	[tilespmem:s7], [sflag:$0x1] =	stream.indirect.gather [hbm4b:s5+s6], $0x20, s2, s6, $0xb8;
	[tilespmem:$0x15388] =	vst v63  }
0x25: {  	_ =	swait.ge [sflag:s8], $0x14000  }
0x26: {  	[sflag:s8] =	ssyncset.done $0x0  }
0x27: {  	[sflag:s8] =	ssyncadd.s32 $0xFFFEC000  }
0x28: {  	[hbm4b:s9+s2] =	stream.linear.scatter [tilespmem:s7], [sflag:$0x2], $0x14000, $0x38;
	[tilespmem:$0x15388] =	vst v63  }
0x29: {  	_ =	swait.ge [sflag:s3], $0x14000  }
0x2a: {  	[sflag:s3] =	ssyncset.done $0x0  }
0x2b: {  	[sflag:s3] =	ssyncadd.s32 $0xFFFEC000  }
0x2c: {  	[tilespmem:s6], [sflag:$0x2] =	stream.linear.gather [hbm4b:s10+s2], $0x988, $0x38;
	[tilespmem:$0x15388] =	vst v63  }
0x2d: {  	_ =	swait.ge [sflag:s3], $0x988  }
0x2e: {  	[sflag:s3] =	ssyncset.done $0x0  }
0x2f: {  	[sflag:s3] =	ssyncadd.s32 $0xFFFFF678  }
0x30: {  	[tilespmem:s7], [sflag:$0x1] =	stream.indirect.gather [hbm4b:s5+s11], $0x20, s6, s11, $0xb8;
	[tilespmem:$0x15388] =	vst v63  }
0x31: {  	_ =	swait.ge [sflag:s8], $0x13100  }
.Ltmp1:
0x32: {  	[sflag:s8] =	ssyncset.done $0x0;
	(pc) =	sbr.rel @p0 .LBB2_1-.Ltmp1, $4  }
0x33: {  	[sflag:s8] =	ssyncadd.s32 $0xFFFECF00  }
0x34: {  	[hbm4b:s12+s2] =	stream.linear.scatter [tilespmem:s7], [sflag:$0x2], $0x13100, $0x38;
	[tilespmem:$0x15388] =	vst v63  }
0x35: {  	_ =	swait.ge [sflag:s3], $0x13100  }
0x36: {  	[sflag:s3] =	ssyncset.done $0x0  }
.LBB2_2:
0x37: {  	[sflag:s3] =	ssyncadd.s32 $0xFFFECF00  }
0x38: {  	_ =	sfence.sel $0x180000  }
0x39: {  	[bflag:$0x0] =	sbarrier.arrive $0xFFFF  }
0x3a: {  	p0 =	sne.s32 s0, $0x0;
	_ =	strace $0x90000047  }
0x3b: {  	s0 =	sadd.s32 @!p0 $0x100000, s1;
	[bflag:$0x2] =	sbarrier.arrive $0xFFFF  }
0x3c: {  	[sflag:s0] =	ssyncadd.tile.s32 @!p0 $0x1;
	_ =	shalt  }
.Lfunc_end2:
_tile_overlayer_lowered:
.L_overlay_start_2:
0x3d: {  	(tag) =	ssettag $0x2  }
0x3e: {  	s0 =	rddreg [dreg:$0x0];
	s2 =	stileid.u32  }
0x3f: {  	s1 =	rddreg [dreg:$0x1];
	p0 =	sne.s32 s2, $0x0  }
0x40: {  	s3 =	rddreg [dreg:$0x2];
	[bflag:$0x3] =	sbarrier.arrive $0xFFFF;
	s2 =	simm.s32 @!p0 $0x1C02  }
0x41: {  	[timem:s3], [sflag:s2] =	dma.local @!p0 [hbm:s0], s1  }
0x42: {  	s0 =	simm.s32 @!p0 $0x2  }
0x43: {  	_ =	swait.ge @!p0 [sflag:s0], s1  }
0x44: {  	s1 =	ssub.s32 @!p0 $0x0, s1;
	[sflag:s0] =	ssyncset.done @!p0 $0x0  }
0x45: {  	[sflag:s0] =	ssyncadd.s32 @!p0 s1  }
0x46: {  	[bflag:$0x3] =	sbarrier.arrive $0xFFFF  }
0x47: {  	_ =	shalt  }

// kernel: kernel.15.cloned.1.call-start
scs
__scs_entry_jumppad:
0x0: {  	(pc) =	sbr.rel $0x88, $3  }
0x1: {  	(tag) =	ssettag $0x0;
	lr =	simm.s32 $0x1  }
0x2: {  	[smem:$0x3F92] =	sst lr;
	_ =	strace $0xD0000000  }
0x3: {  	_ = 	snop  }
0x4: {  	_ = 	snop  }
0x5: {  	_ = 	snop  }
0x6: {  	_ = 	snop  }
0x7: {  	_ = 	snop  }
__scs_overlays_trampoline_lowered:
0x8: {  	[smem:$0x3FA1] =	sst s0  }
0x9: {  	[smem:$0x3FA2] =	sst s1  }
0xa: {  	[smem:$0x3FA3] =	sst s2  }
0xb: {  	[smem:$0x3FA4] =	sst s3  }
0xc: {  	[smem:$0x3FA5] =	sst s4  }
0xd: {  	[smem:$0x3FA6] =	sst s5  }
0xe: {  	[smem:$0x3FA7] =	sst s6  }
0xf: {  	[smem:$0x3FA8] =	sst s7  }
0x10: {  	[smem:$0x3FA9] =	sst s8  }
0x11: {  	[smem:$0x3FAA] =	sst s9;
	s0 =	simm.s32 @!p0 $0x0  }
0x12: {  	s1 =	sld [smem:$0x3F90];
	s0 =	simm.s32 @p0 $0x1  }
0x13: {  	[smem:$0x3FAB] =	sst s0;
	s0 =	simm.s32 @!p1 $0x0  }
0x14: {  	s2 =	sld [smem:$0x3F8F];
	s0 =	simm.s32 @p1 $0x1  }
0x15: {  	[smem:$0x3FAC] =	sst s0;
	s0 =	simm.s32 @!p2 $0x0  }
0x16: {  	s3 =	sld [smem:$0x3FDB];
	s0 =	simm.s32 @p2 $0x1  }
0x17: {  	s4 =	simm.s32 $0x1BF5;
	[smem:$0x3FAE] =	sst s0  }
0x18: {  	s0 =	sld [smem:$0x3F91];
	_ =	swait.ge [sflag:s4], $0x0  }
0x19: {  	s7 =	sld [smem:$0x3F92]  }
0x1a: {  	s8 =	sadd.s32 $0xFFFFE003, lr  }
0x1b: {  	s9 =	sadd.s32 $0xFFFFFEF7, lr;
	s5 =	simm.s32 $0xFFFFFFFF;
	p2 =	slt.u32 s8, $0xFFFFF086  }
0x1c: {  	p1 =	slt.u32 s9, $0xF7A;
	s5 =	simm.s32 @!p2 $0x0  }
0x1d: {  	s5 =	simm.s32 @p1 $0x1;
	p0 =	seq.s32 s7, s2  }
0x1e: {  	s7 =	smul.u32 @!p0 $0xF7A, s2;
	p2 =	seq.s32 @!p0 s5, $0x0  }
0x1f: {  	s9 =	smul.u32 $0xF7A, s1;
	s8 =	simm.s32 @!p0 $0x1BF5;
	p2 =	por !p2, p0  }
0x20: {  	[sflag:s8] =	ssyncset.s32 @!p0 $0xFFFFF086;
	s6 =	sadd.s32 @!p0 s3, s7;
	s7 =	simm.s32 @!p0 $0x108  }
0x21: {  	s3 =	sadd.s32 s3, s9;
	s6 =	sadd.s32 @!p0 $0x88, s6;
	s7 =	simm.s32 @p2 $0x1082  }
0x22: {  	[simem:s7], [sflag:s8] =	dma.local @!p0 [hbm:s6], $0xF7A  }
0x23: {  	s9 =	sor.u32 $0xD0000000, s2;
	s6 =	simm.s32 $0x108;
	_ =	swait.ge @!p0 [sflag:s8], $0x0  }
0x24: {  	s3 =	sadd.s32 $0x88, s3;
	s6 =	simm.s32 @!p1 $0x1082;
	[sflag:s4] =	ssyncset.s32 $0xFFFFF086  }
0x25: {  	[simem:s6], [sflag:s4] =	dma.local [hbm:s3], $0xF7A  }
0x26: {  	[smem:$0x3F92] =	sst s1;
	(tag) =	ssettag s2;
	_ =	strace s9  }
0x27: {  	s1 =	sld [smem:$0x3FA2]  }
0x28: {  	s2 =	sld [smem:$0x3FA3]  }
0x29: {  	s4 =	sld [smem:$0x3FA5]  }
0x2a: {  	p0 =	seq.s32 s5, $0x0;
	s5 =	sld [smem:$0x3FA6]  }
0x2b: {  	s6 =	sld [smem:$0x3FA7]  }
0x2c: {  	s7 =	sld [smem:$0x3FA8]  }
0x2d: {  	s3 =	simm.s32 $0x108;
	s8 =	sld [smem:$0x3FA9]  }
0x2e: {  	s3 =	simm.s32 @!p0 $0x1082;
	s9 =	sld [smem:$0x3FAA]  }
0x2f: {  	lr =	sadd.s32 s0, s3;
	s0 =	sld [smem:$0x3FA1]  }
0x30: {  	s3 =	sld [smem:$0x3FA4]  }
0x31: {  	[smem:$0x3FAD] =	sst s10  }
0x32: {  	s10 =	sld [smem:$0x3FAB];
	_ =	sdelay $0x3  }
0x33: {  	p0 =	seq.s32 s10, $0x1;
	s10 =	sld [smem:$0x3FAD];
	_ =	sdelay $0x3  }
0x34: {  	[smem:$0x3FAD] =	sst s10  }
0x35: {  	s10 =	sld [smem:$0x3FAC];
	_ =	sdelay $0x3  }
0x36: {  	p1 =	seq.s32 s10, $0x1;
	s10 =	sld [smem:$0x3FAD];
	_ =	sdelay $0x3  }
0x37: {  	[smem:$0x3FAD] =	sst s10  }
0x38: {  	s10 =	sld [smem:$0x3FAE]  }
0x39: {  	_ = 	snop;
	(pc) =	sbr.ind lr, $3  }
0x3a: {  	_ = 	snop  }
0x3b: {  	_ = 	snop  }
0x3c: {  	p2 =	seq.s32 s10, $0x1;
	s10 =	sld [smem:$0x3FAD]  }
0x3d: {  	_ =	shalt  }
0x3e: {  	_ =	shalt  }
0x3f: {  	_ =	shalt  }
0x40: {  	_ =	shalt  }
0x41: {  	_ =	shalt  }
0x42: {  	_ =	shalt  }
0x43: {  	_ =	shalt  }
0x44: {  	_ =	shalt  }
0x45: {  	_ =	shalt  }
0x46: {  	_ =	shalt  }
0x47: {  	_ =	shalt  }
0x48: {  	_ =	shalt  }
0x49: {  	_ =	shalt  }
0x4a: {  	_ =	shalt  }
0x4b: {  	_ =	shalt  }
0x4c: {  	_ =	shalt  }
0x4d: {  	_ =	shalt  }
0x4e: {  	_ =	shalt  }
0x4f: {  	_ =	shalt  }
0x50: {  	_ =	shalt  }
0x51: {  	_ =	shalt  }
0x52: {  	_ =	shalt  }
0x53: {  	_ =	shalt  }
0x54: {  	_ =	shalt  }
0x55: {  	_ =	shalt  }
0x56: {  	_ =	shalt  }
0x57: {  	_ =	shalt  }
0x58: {  	_ =	shalt  }
0x59: {  	_ =	shalt  }
0x5a: {  	_ =	shalt  }
0x5b: {  	_ =	shalt  }
0x5c: {  	_ =	shalt  }
0x5d: {  	_ =	shalt  }
0x5e: {  	_ =	shalt  }
0x5f: {  	_ =	shalt  }
0x60: {  	_ =	shalt  }
0x61: {  	_ =	shalt  }
0x62: {  	_ =	shalt  }
0x63: {  	_ =	shalt  }
0x64: {  	_ =	shalt  }
0x65: {  	_ =	shalt  }
0x66: {  	_ =	shalt  }
0x67: {  	_ =	shalt  }
0x68: {  	_ =	shalt  }
0x69: {  	_ =	shalt  }
0x6a: {  	_ =	shalt  }
0x6b: {  	_ =	shalt  }
0x6c: {  	_ =	shalt  }
0x6d: {  	_ =	shalt  }
0x6e: {  	_ =	shalt  }
0x6f: {  	_ =	shalt  }
0x70: {  	_ =	shalt  }
0x71: {  	_ =	shalt  }
0x72: {  	_ =	shalt  }
0x73: {  	_ =	shalt  }
0x74: {  	_ =	shalt  }
0x75: {  	_ =	shalt  }
0x76: {  	_ =	shalt  }
0x77: {  	_ =	shalt  }
0x78: {  	_ =	shalt  }
0x79: {  	_ =	shalt  }
0x7a: {  	_ =	shalt  }
0x7b: {  	_ =	shalt  }
0x7c: {  	_ =	shalt  }
0x7d: {  	_ =	shalt  }
0x7e: {  	_ =	shalt  }
0x7f: {  	_ =	shalt  }
0x80: {  	_ =	shalt  }
0x81: {  	_ =	shalt  }
0x82: {  	_ =	shalt  }
0x83: {  	_ =	shalt  }
0x84: {  	_ =	shalt  }
0x85: {  	_ =	shalt  }
0x86: {  	_ =	shalt  }
0x87: {  	_ =	shalt  }
.Lfunc_end0:
.L_simem_size_0:
called_computation.1_lowered:
.L_overlay_start_0:
0x88: {  	s2 =	sld [smem:$0x3FD9]  }
0x89: {  	s3 =	sld [smem:$0x3FFE];
	_ =	sdelay $0x1  }
0x8a: {  	s1 =	srdreg.scid  }
0x8b: {  	s0 =	sand.u32 $0x1, s1  }
0x8c: {  	s16 =	sshll.u32 s0, $0xA;
	s2 =	sadd.s32 s3, s2  }
0x8d: {  	s2 =	sadd.s32 s2, s16  }
0x8e: {  	[smem:$0x3FB9] =	sst s2  }
0x8f: {  	_ = 	snop  }
0x90: {  	(tm) =	ssettm $0x1  }
0x91: {  	s17 =	sld [smem:$0x3FFB];
	_ =	sdelay $0x3  }
0x92: {  	_ =	strace s17  }
0x93: {  	s2 =	sld [smem:$0x3FFC];
	_ =	sdelay $0x3  }
0x94: {  	_ =	strace s2  }
0x95: {  	s2 =	sld [smem:$0x3FFD];
	_ =	sdelay $0x3  }
0x96: {  	_ =	strace s2  }
0x97: {  	_ =	strace $0x8FFFFFFF  }
0x98: {  	s18 =	sld [smem:$0x3FDB];
	_ =	sdelay $0x1  }
0x99: {  	s19 =	simm.s32 $_scs_section_size  }
0x9a: {  	s4 =	simm.s32 $_size__tile_overlayer_lowered;
	s5 =	simm.s32 $_tile_overlayer_lowered  }
0x9b: {  	s22 =	simm.s32 $0x1BFF;
	s21 =	sshll.u32 s5, $0x1;
	s2 =	sadd.s32 s19, s18  }
0x9c: {  	s6 =	simm.s32 $0x0;
	s20 =	sshll.u32 s4, $0x1;
	s4 =	sadd.s32 s21, s2  }
0x9d: {  	[timem:s6], [sflag:s22] =	dma.local [hbm:s4], s20  }
0x9e: {  	_ =	swait.ge [sflag:s22], s20  }
0x9f: {  	s3 =	ssub.s32 $0x0, s20;
	[sflag:s22] =	ssyncset.done $0x0  }
0xa0: {  	[sflag:s22] =	ssyncadd.s32 s3;
	_ =	sdelay $0x1  }
0xa1: {  	s23 =	simm.s32 $0x1B8B  }
0xa2: {  	_ =	swait.ge [sflag:s23], $0x1  }
0xa3: {  	[sflag:s23] =	ssyncset.done $0x0  }
0xa4: {  	s25 =	simm.s32 $0x1B8E;
	s24 =	sld [smem:$0x3FFE];
	[sflag:s23] =	ssyncadd.s32 $0xFFFFFFFF  }
0xa5: {  	s26 =	simm.s32 $execute0_lowered;
	[smem:$0x3FD2] =	sst s25  }
0xa6: {  	s4 =	sshll.u32 s26, $0x1;
	_ =	strace $0x80000049;
	[dreg:$0x1] =	wrdreg $0xFFFFFFFF  }
0xa7: {  	s28 =	simm.s32 $_size_execute0_lowered;
	s2 =	sadd.s32 s2, s4;
	[dreg:$0x0] =	wrdreg $0x0  }
0xa8: {  	s4 =	sshll.u32 s28, $0x1;
	[dreg:$0x2] =	wrdreg s2  }
0xa9: {  	[dreg:$0x3] =	wrdreg s4  }
0xaa: {  	[dreg:$0x4] =	wrdreg $0xC0  }
0xab: {  	_ =	task [dreg:s6], $0x5FFFF  }
0xac: {  	[dreg:$0x1] =	wrdreg $0xFFFFFFFF  }
0xad: {  	[dreg:$0x0] =	wrdreg $0x60  }
0xae: {  	[dreg:$0x2] =	wrdreg s24  }
0xaf: {  	[dreg:$0x3] =	wrdreg $0x153880  }
0xb0: {  	[dreg:$0x4] =	wrdreg $0x9  }
0xb1: {  	_ =	task.clear_ibuf [dreg:s6], $0x5FFFF;
	_ =	strace $0x90000049  }
0xb2: {  	s29 =	simm.s32 $0x9;
	_ =	strace $0x8000004B  }
0xb3: {  	_ =	swait.ge [sflag:s29], $0x1  }
0xb4: {  	[sflag:s29] =	ssyncadd.s32 $0xFFFFFFFF  }
0xb5: {  	_ =	strace $0x9000004B  }
0xb6: {  	_ =	sfence  }
0xb7: {  	s30 =	sld [smem:$0x0];
	_ =	sdelay $0x2  }
0xb8: {  	s31 =	sshll.u32 s1, $0xD;
	s1 =	sshrl.u32 s1, $0x2  }
0xb9: {  	s3 =	sand.u32 $0x4000, s31;
	s1 =	sadd.s32 s1, s30  }
0xba: {  	s0 =	sor.u32 s3, s0;
	s1 =	sshll.u32 s1, $0x11  }
0xbb: {  	s0 =	sor.u32 s1, s0  }
0xbc: {  	s0 =	sadd.s32 $0x8F2B, s0  }
0xbd: {  	[sflag:s0] =	ssyncadd.remote.s32 $0x1  }
0xbe: {  	_ =	sfence.sel $0xFFFF  }
0xbf: {  	[dreg:$0x0] =	wrdreg $0xFFFFFFFF;
	(pc) =	sbr.abs _section_cstart, $3  }
0xc0: {  	[dreg:$0x1] =	wrdreg $0xFFFFFFFF  }
0xc1: {  	_ =	task.clear_ibuf [dreg:s6], $0x2FFFF;
	_ =	strace $0x9FFFFFFF  }
0xc2: {  	(tm) =	ssettm $0x7FFFFFFF  }
0xc3: {  	_ =	shalt  }
tec
execute0_lowered:
.L_overlay_start_1:
0x0: {  	(tag) =	ssettag $0x1  }
0x1: {  	s15 =	rddreg [dreg:$0x0]  }
0x2: {  	s2 =	rddreg [dreg:$0x1];
	s1 =	stileid.u32  }
0x3: {  	s0 =	rddreg [dreg:$0x2];
	s3 =	simm.s32 $0x0;
	s4 =	srdreg.scid  }
0x4: {  	s16 =	smul.u32 $0x5000, s1;
	[smem:$0x7FF] =	sst s3  }
0x5: {  	s17 =	sand.u32 $0x1, s4;
	s25 =	sshll.u32 s1, $0x1;
	s26 =	sshll.u32 s1, $0x6  }
0x6: {  	_ =	strace $0x8000004A;
	s5 =	sshrl.u32 s16, $0x3;
	s6 =	sadd.s32 s16, s2  }
0x7: {  	s9 =	sor.u32 s17, s25;
	s5 =	sadd.s32 s5, s15;
	s7 =	sshrl.u32 s6, $0x3  }
0x8: {  	s6 =	simm.s32 $0x1;
	s4 =	sadd.s32 $0x4200, s5;
	s5 =	sor.u32 $0x1C01, s26  }
0x9: {  	[spmem:s7], [sflag:s5] =	dma.local [hbm:s4], $0xA00  }
0xa: {  	s12 =	smul.u32 $0x1388, s9;
	_ =	swait.ge [sflag:s6], $0xA00  }
0xb: {  	[sflag:s6] =	ssyncset.done $0x0  }
0xc: {  	s13 =	sadd.s32 $0xE200, s15;
	s8 =	sshrl.u32 s12, $0x3;
	[sflag:s6] =	ssyncadd.s32 $0xFFFFF600  }
0xd: {  	s8 =	sadd.s32 s13, s8;
	[bflag:$0x0] =	sbarrier.arrive $0xFFFF  }
0xe: {  	[tilespmem:s3], [sflag:$0x1] =	stream.linear.gather [hbm4b:s8+s3], $0xA00, $0x38;
	[tilespmem:$0x1A388] =	vst v63  }
0xf: {  	s9 =	smul.u32 $0x4E20, s9;
	_ =	swait.ge [sflag:s6], $0xA00  }
0x10: {  	s14 =	sadd.s32 $0x18200, s15;
	[sflag:s6] =	ssyncset.done $0x0  }
0x11: {  	s10 =	simm.s32 $0x1388;
	s9 =	sadd.s32 s14, s9;
	[sflag:s6] =	ssyncadd.s32 $0xFFFFF600  }
0x12: {  	[tilespmem:s10], [sflag:$0x1] =	stream.linear.gather [hbm4b:s9+s3], $0x14000, $0x38;
	[tilespmem:$0x1A388] =	vst v63  }
0x13: {  	_ =	swait.ge [sflag:s6], $0x14000  }
0x14: {  	[sflag:s6] =	ssyncset.done $0x0  }
0x15: {  	s11 =	simm.s32 $0xA00;
	[sflag:s6] =	ssyncadd.s32 $0xFFFEC000  }
0x16: {  	[spmem:s2] =	stream.indirect.scatter.add.f32 [tilespmem:s10], [sflag:$0x1], $0x20, s3, s11, $0xb8;
	[tilespmem:$0x1A388] =	vst v63  }
0x17: {  	s18 =	sadd.s32 $0xA00, s12;
	_ =	swait.ge [sflag:s6], $0x14000  }
0x18: {  	s12 =	sshrl.u32 s18, $0x3;
	[sflag:s6] =	ssyncset.done $0x0  }
0x19: {  	s12 =	sadd.s32 s13, s12;
	[sflag:s6] =	ssyncadd.s32 $0xFFFEC000  }
0x1a: {  	[tilespmem:s11], [sflag:$0x1] =	stream.linear.gather [hbm4b:s12+s3], $0x988, $0x38;
	[tilespmem:$0x1A388] =	vst v63  }
0x1b: {  	_ =	swait.ge [sflag:s6], $0x988  }
0x1c: {  	s29 =	smul.u32 $0x50000, s17;
	s28 =	sshll.u32 s18, $0x2;
	[sflag:s6] =	ssyncset.done $0x0  }
0x1d: {  	s17 =	ssub.s32 $0x2, s17;
	s13 =	sadd.s32 s14, s28;
	[sflag:s6] =	ssyncadd.s32 $0xFFFFF678  }
0x1e: {  	[tilespmem:s10], [sflag:$0x1] =	stream.linear.gather [hbm4b:s13+s3], $0x13100, $0x38;
	[tilespmem:$0x1A388] =	vst v63  }
0x1f: {  	s30 =	sshrl.u32 s17, $0x1;
	_ =	swait.ge [sflag:s6], $0x13100  }
0x20: {  	s16 =	sadd.s32 s16, s29;
	s31 =	ssub.s32 s17, s30;
	[sflag:s6] =	ssyncset.done $0x0  }
0x21: {  	s16 =	sshrl.u32 s16, $0x3;
	s14 =	simm.s32 $0x988;
	[sflag:s6] =	ssyncadd.s32 $0xFFFECF00  }
0x22: {  	[spmem:s2] =	stream.indirect.scatter.add.f32 [tilespmem:s10], [sflag:$0x1], $0x20, s11, s14, $0xb8;
	[tilespmem:$0x1A388] =	vst v63  }
0x23: {  	s15 =	sadd.s32 s16, s15;
	s16 =	smax.u32 s31, $0x1;
	_ =	swait.ge [sflag:s6], $0x13100  }
0x24: {  	p0 =	sne.s32 s16, $0x1;
	[sflag:s6] =	ssyncset.done $0x0  }
.Ltmp0:
0x25: {  	[sflag:s6] =	ssyncadd.s32 $0xFFFECF00;
	(pc) =	sbr.rel @!p0 .LBB2_2-.Ltmp0, $4  }
0x26: {  	s15 =	sadd.s32 $0xB4600, s15;
	[bflag:$0x0] =	sbarrier.arrive $0xFFFF  }
0x27: {  	[hbm:s15], [sflag:s5] =	dma.local [spmem:s7], $0xA00  }
0x28: {  	_ =	swait.ge [sflag:s6], $0xA00  }
0x29: {  	s16 =	sadd.s32 $0xFFFFFFFF, s16;
	[sflag:s6] =	ssyncset.done $0x0  }
.LBB2_1:
0x2a: {  	p0 =	sne.s32 s16, $0x1;
	s16 =	sadd.s32 $0xFFFFFFFF, s16;
	[sflag:s6] =	ssyncadd.s32 $0xFFFFF600  }
0x2b: {  	[spmem:s7], [sflag:s5] =	dma.local [hbm:s4], $0xA00  }
0x2c: {  	_ =	swait.ge [sflag:s6], $0xA00  }
0x2d: {  	[sflag:s6] =	ssyncset.done $0x0  }
0x2e: {  	[sflag:s6] =	ssyncadd.s32 $0xFFFFF600  }
0x2f: {  	[bflag:$0x0] =	sbarrier.arrive $0xFFFF  }
0x30: {  	[tilespmem:s3], [sflag:$0x1] =	stream.linear.gather [hbm4b:s8+s3], $0xA00, $0x38;
	[tilespmem:$0x1A388] =	vst v63  }
0x31: {  	_ =	swait.ge [sflag:s6], $0xA00  }
0x32: {  	[sflag:s6] =	ssyncset.done $0x0  }
0x33: {  	[sflag:s6] =	ssyncadd.s32 $0xFFFFF600  }
0x34: {  	[tilespmem:s10], [sflag:$0x1] =	stream.linear.gather [hbm4b:s9+s3], $0x14000, $0x38;
	[tilespmem:$0x1A388] =	vst v63  }
0x35: {  	_ =	swait.ge [sflag:s6], $0x14000  }
0x36: {  	[sflag:s6] =	ssyncset.done $0x0  }
0x37: {  	[sflag:s6] =	ssyncadd.s32 $0xFFFEC000  }
0x38: {  	[spmem:s2] =	stream.indirect.scatter.add.f32 [tilespmem:s10], [sflag:$0x1], $0x20, s3, s11, $0xb8;
	[tilespmem:$0x1A388] =	vst v63  }
0x39: {  	_ =	swait.ge [sflag:s6], $0x14000  }
0x3a: {  	[sflag:s6] =	ssyncset.done $0x0  }
0x3b: {  	[sflag:s6] =	ssyncadd.s32 $0xFFFEC000  }
0x3c: {  	[tilespmem:s11], [sflag:$0x1] =	stream.linear.gather [hbm4b:s12+s3], $0x988, $0x38;
	[tilespmem:$0x1A388] =	vst v63  }
0x3d: {  	_ =	swait.ge [sflag:s6], $0x988  }
0x3e: {  	[sflag:s6] =	ssyncset.done $0x0  }
0x3f: {  	[sflag:s6] =	ssyncadd.s32 $0xFFFFF678  }
0x40: {  	[tilespmem:s10], [sflag:$0x1] =	stream.linear.gather [hbm4b:s13+s3], $0x13100, $0x38;
	[tilespmem:$0x1A388] =	vst v63  }
0x41: {  	_ =	swait.ge [sflag:s6], $0x13100  }
0x42: {  	[sflag:s6] =	ssyncset.done $0x0  }
0x43: {  	[sflag:s6] =	ssyncadd.s32 $0xFFFECF00  }
0x44: {  	[spmem:s2] =	stream.indirect.scatter.add.f32 [tilespmem:s10], [sflag:$0x1], $0x20, s11, s14, $0xb8;
	[tilespmem:$0x1A388] =	vst v63  }
0x45: {  	_ =	swait.ge [sflag:s6], $0x13100  }
0x46: {  	[sflag:s6] =	ssyncset.done $0x0  }
.Ltmp1:
0x47: {  	[sflag:s6] =	ssyncadd.s32 $0xFFFECF00;
	(pc) =	sbr.rel @p0 .LBB2_1-.Ltmp1, $4  }
0x48: {  	[bflag:$0x0] =	sbarrier.arrive $0xFFFF  }
0x49: {  	[hbm:s15], [sflag:s5] =	dma.local [spmem:s7], $0xA00  }
0x4a: {  	_ =	swait.ge [sflag:s6], $0xA00  }
0x4b: {  	[sflag:s6] =	ssyncset.done $0x0  }
.LBB2_2:
0x4c: {  	[sflag:s6] =	ssyncadd.s32 $0xFFFFF600  }
0x4d: {  	_ =	sfence.sel $0x180000  }
0x4e: {  	[bflag:$0x0] =	sbarrier.arrive $0xFFFF  }
0x4f: {  	p0 =	sne.s32 s1, $0x0;
	_ =	strace $0x9000004A  }
0x50: {  	s0 =	sadd.s32 @!p0 $0x100000, s0;
	[bflag:$0x2] =	sbarrier.arrive $0xFFFF  }
0x51: {  	[sflag:s0] =	ssyncadd.tile.s32 @!p0 $0x1;
	_ =	shalt  }
.Lfunc_end2:
_tile_overlayer_lowered:
.L_overlay_start_2:
0x52: {  	(tag) =	ssettag $0x2  }
0x53: {  	s0 =	rddreg [dreg:$0x0];
	s2 =	stileid.u32  }
0x54: {  	s1 =	rddreg [dreg:$0x1];
	p0 =	sne.s32 s2, $0x0  }
0x55: {  	s3 =	rddreg [dreg:$0x2];
	[bflag:$0x3] =	sbarrier.arrive $0xFFFF;
	s2 =	simm.s32 @!p0 $0x1C01  }
0x56: {  	[timem:s3], [sflag:s2] =	dma.local @!p0 [hbm:s0], s1  }
0x57: {  	s0 =	simm.s32 @!p0 $0x1  }
0x58: {  	_ =	swait.ge @!p0 [sflag:s0], s1  }
0x59: {  	s1 =	ssub.s32 @!p0 $0x0, s1;
	[sflag:s0] =	ssyncset.done @!p0 $0x0  }
0x5a: {  	[sflag:s0] =	ssyncadd.s32 @!p0 s1  }
0x5b: {  	[bflag:$0x3] =	sbarrier.arrive $0xFFFF  }
0x5c: {  	_ =	shalt  }

// kernel: kernel.18.cloned.1.call-start
scs
__scs_entry_jumppad:
0x0: {  	(pc) =	sbr.rel $0x88, $3  }
0x1: {  	(tag) =	ssettag $0x0;
	lr =	simm.s32 $0x1  }
0x2: {  	[smem:$0x3F92] =	sst lr;
	_ =	strace $0xD0000000  }
0x3: {  	_ = 	snop  }
0x4: {  	_ = 	snop  }
0x5: {  	_ = 	snop  }
0x6: {  	_ = 	snop  }
0x7: {  	_ = 	snop  }
__scs_overlays_trampoline_lowered:
0x8: {  	[smem:$0x3FA1] =	sst s0  }
0x9: {  	[smem:$0x3FA2] =	sst s1  }
0xa: {  	[smem:$0x3FA3] =	sst s2  }
0xb: {  	[smem:$0x3FA4] =	sst s3  }
0xc: {  	[smem:$0x3FA5] =	sst s4  }
0xd: {  	[smem:$0x3FA6] =	sst s5  }
0xe: {  	[smem:$0x3FA7] =	sst s6  }
0xf: {  	[smem:$0x3FA8] =	sst s7  }
0x10: {  	[smem:$0x3FA9] =	sst s8  }
0x11: {  	[smem:$0x3FAA] =	sst s9;
	s0 =	simm.s32 @!p0 $0x0  }
0x12: {  	s1 =	sld [smem:$0x3F90];
	s0 =	simm.s32 @p0 $0x1  }
0x13: {  	[smem:$0x3FAB] =	sst s0;
	s0 =	simm.s32 @!p1 $0x0  }
0x14: {  	s2 =	sld [smem:$0x3F8F];
	s0 =	simm.s32 @p1 $0x1  }
0x15: {  	[smem:$0x3FAC] =	sst s0;
	s0 =	simm.s32 @!p2 $0x0  }
0x16: {  	s3 =	sld [smem:$0x3FDB];
	s0 =	simm.s32 @p2 $0x1  }
0x17: {  	s4 =	simm.s32 $0x1BF5;
	[smem:$0x3FAE] =	sst s0  }
0x18: {  	s0 =	sld [smem:$0x3F91];
	_ =	swait.ge [sflag:s4], $0x0  }
0x19: {  	s7 =	sld [smem:$0x3F92]  }
0x1a: {  	s8 =	sadd.s32 $0xFFFFE003, lr  }
0x1b: {  	s9 =	sadd.s32 $0xFFFFFEF7, lr;
	s5 =	simm.s32 $0xFFFFFFFF;
	p2 =	slt.u32 s8, $0xFFFFF086  }
0x1c: {  	p1 =	slt.u32 s9, $0xF7A;
	s5 =	simm.s32 @!p2 $0x0  }
0x1d: {  	s5 =	simm.s32 @p1 $0x1;
	p0 =	seq.s32 s7, s2  }
0x1e: {  	s7 =	smul.u32 @!p0 $0xF7A, s2;
	p2 =	seq.s32 @!p0 s5, $0x0  }
0x1f: {  	s9 =	smul.u32 $0xF7A, s1;
	s8 =	simm.s32 @!p0 $0x1BF5;
	p2 =	por !p2, p0  }
0x20: {  	[sflag:s8] =	ssyncset.s32 @!p0 $0xFFFFF086;
	s6 =	sadd.s32 @!p0 s3, s7;
	s7 =	simm.s32 @!p0 $0x108  }
0x21: {  	s3 =	sadd.s32 s3, s9;
	s6 =	sadd.s32 @!p0 $0x88, s6;
	s7 =	simm.s32 @p2 $0x1082  }
0x22: {  	[simem:s7], [sflag:s8] =	dma.local @!p0 [hbm:s6], $0xF7A  }
0x23: {  	s9 =	sor.u32 $0xD0000000, s2;
	s6 =	simm.s32 $0x108;
	_ =	swait.ge @!p0 [sflag:s8], $0x0  }
0x24: {  	s3 =	sadd.s32 $0x88, s3;
	s6 =	simm.s32 @!p1 $0x1082;
	[sflag:s4] =	ssyncset.s32 $0xFFFFF086  }
0x25: {  	[simem:s6], [sflag:s4] =	dma.local [hbm:s3], $0xF7A  }
0x26: {  	[smem:$0x3F92] =	sst s1;
	(tag) =	ssettag s2;
	_ =	strace s9  }
0x27: {  	s1 =	sld [smem:$0x3FA2]  }
0x28: {  	s2 =	sld [smem:$0x3FA3]  }
0x29: {  	s4 =	sld [smem:$0x3FA5]  }
0x2a: {  	p0 =	seq.s32 s5, $0x0;
	s5 =	sld [smem:$0x3FA6]  }
0x2b: {  	s6 =	sld [smem:$0x3FA7]  }
0x2c: {  	s7 =	sld [smem:$0x3FA8]  }
0x2d: {  	s3 =	simm.s32 $0x108;
	s8 =	sld [smem:$0x3FA9]  }
0x2e: {  	s3 =	simm.s32 @!p0 $0x1082;
	s9 =	sld [smem:$0x3FAA]  }
0x2f: {  	lr =	sadd.s32 s0, s3;
	s0 =	sld [smem:$0x3FA1]  }
0x30: {  	s3 =	sld [smem:$0x3FA4]  }
0x31: {  	[smem:$0x3FAD] =	sst s10  }
0x32: {  	s10 =	sld [smem:$0x3FAB];
	_ =	sdelay $0x3  }
0x33: {  	p0 =	seq.s32 s10, $0x1;
	s10 =	sld [smem:$0x3FAD];
	_ =	sdelay $0x3  }
0x34: {  	[smem:$0x3FAD] =	sst s10  }
0x35: {  	s10 =	sld [smem:$0x3FAC];
	_ =	sdelay $0x3  }
0x36: {  	p1 =	seq.s32 s10, $0x1;
	s10 =	sld [smem:$0x3FAD];
	_ =	sdelay $0x3  }
0x37: {  	[smem:$0x3FAD] =	sst s10  }
0x38: {  	s10 =	sld [smem:$0x3FAE]  }
0x39: {  	_ = 	snop;
	(pc) =	sbr.ind lr, $3  }
0x3a: {  	_ = 	snop  }
0x3b: {  	_ = 	snop  }
0x3c: {  	p2 =	seq.s32 s10, $0x1;
	s10 =	sld [smem:$0x3FAD]  }
0x3d: {  	_ =	shalt  }
0x3e: {  	_ =	shalt  }
0x3f: {  	_ =	shalt  }
0x40: {  	_ =	shalt  }
0x41: {  	_ =	shalt  }
0x42: {  	_ =	shalt  }
0x43: {  	_ =	shalt  }
0x44: {  	_ =	shalt  }
0x45: {  	_ =	shalt  }
0x46: {  	_ =	shalt  }
0x47: {  	_ =	shalt  }
0x48: {  	_ =	shalt  }
0x49: {  	_ =	shalt  }
0x4a: {  	_ =	shalt  }
0x4b: {  	_ =	shalt  }
0x4c: {  	_ =	shalt  }
0x4d: {  	_ =	shalt  }
0x4e: {  	_ =	shalt  }
0x4f: {  	_ =	shalt  }
0x50: {  	_ =	shalt  }
0x51: {  	_ =	shalt  }
0x52: {  	_ =	shalt  }
0x53: {  	_ =	shalt  }
0x54: {  	_ =	shalt  }
0x55: {  	_ =	shalt  }
0x56: {  	_ =	shalt  }
0x57: {  	_ =	shalt  }
0x58: {  	_ =	shalt  }
0x59: {  	_ =	shalt  }
0x5a: {  	_ =	shalt  }
0x5b: {  	_ =	shalt  }
0x5c: {  	_ =	shalt  }
0x5d: {  	_ =	shalt  }
0x5e: {  	_ =	shalt  }
0x5f: {  	_ =	shalt  }
0x60: {  	_ =	shalt  }
0x61: {  	_ =	shalt  }
0x62: {  	_ =	shalt  }
0x63: {  	_ =	shalt  }
0x64: {  	_ =	shalt  }
0x65: {  	_ =	shalt  }
0x66: {  	_ =	shalt  }
0x67: {  	_ =	shalt  }
0x68: {  	_ =	shalt  }
0x69: {  	_ =	shalt  }
0x6a: {  	_ =	shalt  }
0x6b: {  	_ =	shalt  }
0x6c: {  	_ =	shalt  }
0x6d: {  	_ =	shalt  }
0x6e: {  	_ =	shalt  }
0x6f: {  	_ =	shalt  }
0x70: {  	_ =	shalt  }
0x71: {  	_ =	shalt  }
0x72: {  	_ =	shalt  }
0x73: {  	_ =	shalt  }
0x74: {  	_ =	shalt  }
0x75: {  	_ =	shalt  }
0x76: {  	_ =	shalt  }
0x77: {  	_ =	shalt  }
0x78: {  	_ =	shalt  }
0x79: {  	_ =	shalt  }
0x7a: {  	_ =	shalt  }
0x7b: {  	_ =	shalt  }
0x7c: {  	_ =	shalt  }
0x7d: {  	_ =	shalt  }
0x7e: {  	_ =	shalt  }
0x7f: {  	_ =	shalt  }
0x80: {  	_ =	shalt  }
0x81: {  	_ =	shalt  }
0x82: {  	_ =	shalt  }
0x83: {  	_ =	shalt  }
0x84: {  	_ =	shalt  }
0x85: {  	_ =	shalt  }
0x86: {  	_ =	shalt  }
0x87: {  	_ =	shalt  }
.Lfunc_end0:
.L_simem_size_0:
called_computation.2_lowered:
.L_overlay_start_0:
0x88: {  	s2 =	sld [smem:$0x3FD9]  }
0x89: {  	s3 =	sld [smem:$0x3FFE];
	_ =	sdelay $0x1  }
0x8a: {  	s1 =	srdreg.scid  }
0x8b: {  	s0 =	sand.u32 $0x1, s1  }
0x8c: {  	s16 =	sshll.u32 s0, $0xA;
	s2 =	sadd.s32 s3, s2  }
0x8d: {  	s2 =	sadd.s32 s2, s16  }
0x8e: {  	[smem:$0x3FB9] =	sst s2  }
0x8f: {  	_ = 	snop  }
0x90: {  	(tm) =	ssettm $0x1  }
0x91: {  	s17 =	sld [smem:$0x3FFB];
	_ =	sdelay $0x3  }
0x92: {  	_ =	strace s17  }
0x93: {  	s2 =	sld [smem:$0x3FFC];
	_ =	sdelay $0x3  }
0x94: {  	_ =	strace s2  }
0x95: {  	s2 =	sld [smem:$0x3FFD];
	_ =	sdelay $0x3  }
0x96: {  	_ =	strace s2  }
0x97: {  	_ =	strace $0x8FFFFFFF  }
0x98: {  	s18 =	sld [smem:$0x3FDB];
	_ =	sdelay $0x1  }
0x99: {  	s19 =	simm.s32 $_scs_section_size  }
0x9a: {  	s4 =	simm.s32 $_size__tile_overlayer_lowered;
	s5 =	simm.s32 $_tile_overlayer_lowered  }
0x9b: {  	s22 =	simm.s32 $0x1BFF;
	s21 =	sshll.u32 s5, $0x1;
	s2 =	sadd.s32 s19, s18  }
0x9c: {  	s6 =	simm.s32 $0x0;
	s20 =	sshll.u32 s4, $0x1;
	s4 =	sadd.s32 s21, s2  }
0x9d: {  	[timem:s6], [sflag:s22] =	dma.local [hbm:s4], s20  }
0x9e: {  	_ =	swait.ge [sflag:s22], s20  }
0x9f: {  	s3 =	ssub.s32 $0x0, s20;
	[sflag:s22] =	ssyncset.done $0x0  }
0xa0: {  	[sflag:s22] =	ssyncadd.s32 s3;
	_ =	sdelay $0x1  }
0xa1: {  	s23 =	simm.s32 $0x1B8B  }
0xa2: {  	_ =	swait.ge [sflag:s23], $0x1  }
0xa3: {  	[sflag:s23] =	ssyncset.done $0x0  }
0xa4: {  	s25 =	simm.s32 $0x1B8E;
	s24 =	sld [smem:$0x3FFE];
	[sflag:s23] =	ssyncadd.s32 $0xFFFFFFFF  }
0xa5: {  	s26 =	simm.s32 $execute0_lowered;
	[smem:$0x3FD2] =	sst s25  }
0xa6: {  	s4 =	sshll.u32 s26, $0x1;
	_ =	strace $0x8000004C;
	[dreg:$0x1] =	wrdreg $0xFFFFFFFF  }
0xa7: {  	s28 =	simm.s32 $_size_execute0_lowered;
	s2 =	sadd.s32 s2, s4;
	[dreg:$0x0] =	wrdreg $0x0  }
0xa8: {  	s4 =	sshll.u32 s28, $0x1;
	[dreg:$0x2] =	wrdreg s2  }
0xa9: {  	[dreg:$0x3] =	wrdreg s4  }
0xaa: {  	[dreg:$0x4] =	wrdreg $0xC0  }
0xab: {  	_ =	task [dreg:s6], $0x5FFFF  }
0xac: {  	[dreg:$0x1] =	wrdreg $0xFFFFFFFF  }
0xad: {  	[dreg:$0x0] =	wrdreg $0x60  }
0xae: {  	[dreg:$0x2] =	wrdreg s24  }
0xaf: {  	[dreg:$0x3] =	wrdreg $0x9  }
0xb0: {  	_ =	task.clear_ibuf [dreg:s6], $0x4FFFF;
	_ =	strace $0x9000004C  }
0xb1: {  	s29 =	simm.s32 $0x9;
	_ =	strace $0x8000004E  }
0xb2: {  	_ =	swait.ge [sflag:s29], $0x1  }
0xb3: {  	[sflag:s29] =	ssyncadd.s32 $0xFFFFFFFF  }
0xb4: {  	_ =	strace $0x9000004E  }
0xb5: {  	_ =	sfence  }
0xb6: {  	s30 =	sld [smem:$0x0];
	_ =	sdelay $0x2  }
0xb7: {  	s31 =	sshll.u32 s1, $0xD;
	s1 =	sshrl.u32 s1, $0x2  }
0xb8: {  	s3 =	sand.u32 $0x4000, s31;
	s1 =	sadd.s32 s1, s30  }
0xb9: {  	s0 =	sor.u32 s3, s0;
	s1 =	sshll.u32 s1, $0x11  }
0xba: {  	s0 =	sor.u32 s1, s0  }
0xbb: {  	s0 =	sadd.s32 $0x8F2B, s0  }
0xbc: {  	[sflag:s0] =	ssyncadd.remote.s32 $0x1  }
0xbd: {  	_ =	sfence.sel $0xFFFF  }
0xbe: {  	[dreg:$0x0] =	wrdreg $0xFFFFFFFF;
	(pc) =	sbr.abs _section_cstart, $3  }
0xbf: {  	[dreg:$0x1] =	wrdreg $0xFFFFFFFF  }
0xc0: {  	_ =	task.clear_ibuf [dreg:s6], $0x2FFFF;
	_ =	strace $0x9FFFFFFF  }
0xc1: {  	(tm) =	ssettm $0x7FFFFFFF  }
tec
execute0_lowered:
.L_overlay_start_1:
0x0: {  	(tag) =	ssettag $0x1  }
0x1: {  	s1 =	srdreg.scid;
	s0 =	stileid.u32  }
0x2: {  	s11 =	sand.u32 $0x1, s1;
	s29 =	sshll.u32 s0, $0x1  }
0x3: {  	s9 =	sor.u32 s11, s29  }
0x4: {  	s10 =	rddreg [dreg:$0x0];
	s12 =	smul.u32 $0x1388, s9  }
0x5: {  	s2 =	simm.s32 $0x0;
	s1 =	rddreg [dreg:$0x1]  }
0x6: {  	[smem:$0x7FF] =	sst s2;
	s13 =	sadd.s32 $0x13200, s10;
	s3 =	sshrl.u32 s12, $0x3  }
0x7: {  	_ =	strace $0x8000004D;
	s4 =	sadd.s32 s13, s3;
	s3 =	simm.s32 $0x2  }
0x8: {  	[tilespmem:s2], [sflag:$0x2] =	stream.linear.gather [hbm4b:s4+s2], $0xA00, $0x38;
	[tilespmem:$0x15388] =	vst v63  }
0x9: {  	_ =	swait.ge [sflag:s3], $0xA00  }
0xa: {  	s6 =	simm.s32 $0xA00;
	s7 =	simm.s32 $0x1388;
	[sflag:s3] =	ssyncset.done $0x0  }
0xb: {  	s8 =	simm.s32 $0x1;
	s5 =	sadd.s32 $0x40200, s10;
	[sflag:s3] =	ssyncadd.s32 $0xFFFFF600  }
0xc: {  	[tilespmem:s7], [sflag:$0x1] =	stream.indirect.gather [hbm4b:s5+s6], $0x20, s2, s6, $0xb8;
	[tilespmem:$0x15388] =	vst v63  }
0xd: {  	s9 =	smul.u32 $0x4E20, s9;
	_ =	swait.ge [sflag:s8], $0x14000  }
0xe: {  	s14 =	sadd.s32 $0x4A200, s10;
	[sflag:s8] =	ssyncset.done $0x0  }
0xf: {  	s9 =	sadd.s32 s14, s9;
	[sflag:s8] =	ssyncadd.s32 $0xFFFEC000  }
0x10: {  	[hbm4b:s9+s2] =	stream.linear.scatter [tilespmem:s7], [sflag:$0x2], $0x14000, $0x38;
	[tilespmem:$0x15388] =	vst v63  }
0x11: {  	s12 =	sadd.s32 $0xA00, s12;
	_ =	swait.ge [sflag:s3], $0x14000  }
0x12: {  	s30 =	sshrl.u32 s12, $0x3;
	[sflag:s3] =	ssyncset.done $0x0  }
0x13: {  	s31 =	ssub.s32 $0x2, s11;
	s10 =	sadd.s32 s13, s30;
	[sflag:s3] =	ssyncadd.s32 $0xFFFEC000  }
0x14: {  	[tilespmem:s6], [sflag:$0x2] =	stream.linear.gather [hbm4b:s10+s2], $0x988, $0x38;
	[tilespmem:$0x15388] =	vst v63  }
0x15: {  	s15 =	sshrl.u32 s31, $0x1;
	_ =	swait.ge [sflag:s3], $0x988  }
0x16: {  	s13 =	ssub.s32 s31, s15;
	[sflag:s3] =	ssyncset.done $0x0  }
0x17: {  	s11 =	simm.s32 $0x988;
	s13 =	smax.u32 s13, $0x1;
	[sflag:s3] =	ssyncadd.s32 $0xFFFFF678  }
0x18: {  	[tilespmem:s7], [sflag:$0x1] =	stream.indirect.gather [hbm4b:s5+s11], $0x20, s6, s11, $0xb8;
	[tilespmem:$0x15388] =	vst v63  }
0x19: {  	p0 =	sne.s32 s13, $0x1;
	_ =	swait.ge [sflag:s8], $0x13100  }
.Ltmp0:
0x1a: {  	s12 =	sshll.u32 s12, $0x2;
	[sflag:s8] =	ssyncset.done $0x0;
	(pc) =	sbr.rel @!p0 .LBB2_2-.Ltmp0, $4  }
0x1b: {  	s12 =	sadd.s32 s14, s12;
	[sflag:s8] =	ssyncadd.s32 $0xFFFECF00  }
0x1c: {  	[hbm4b:s12+s2] =	stream.linear.scatter [tilespmem:s7], [sflag:$0x2], $0x13100, $0x38;
	[tilespmem:$0x15388] =	vst v63  }
0x1d: {  	_ =	swait.ge [sflag:s3], $0x13100  }
0x1e: {  	s13 =	sadd.s32 $0xFFFFFFFF, s13;
	[sflag:s3] =	ssyncset.done $0x0  }
.LBB2_1:
0x1f: {  	p0 =	sne.s32 s13, $0x1;
	s13 =	sadd.s32 $0xFFFFFFFF, s13;
	[sflag:s3] =	ssyncadd.s32 $0xFFFECF00  }
0x20: {  	[tilespmem:s2], [sflag:$0x2] =	stream.linear.gather [hbm4b:s4+s2], $0xA00, $0x38;
	[tilespmem:$0x15388] =	vst v63  }
0x21: {  	_ =	swait.ge [sflag:s3], $0xA00  }
0x22: {  	[sflag:s3] =	ssyncset.done $0x0  }
0x23: {  	[sflag:s3] =	ssyncadd.s32 $0xFFFFF600  }
0x24: {  	[tilespmem:s7], [sflag:$0x1] =	stream.indirect.gather [hbm4b:s5+s6], $0x20, s2, s6, $0xb8;
	[tilespmem:$0x15388] =	vst v63  }
0x25: {  	_ =	swait.ge [sflag:s8], $0x14000  }
0x26: {  	[sflag:s8] =	ssyncset.done $0x0  }
0x27: {  	[sflag:s8] =	ssyncadd.s32 $0xFFFEC000  }
0x28: {  	[hbm4b:s9+s2] =	stream.linear.scatter [tilespmem:s7], [sflag:$0x2], $0x14000, $0x38;
	[tilespmem:$0x15388] =	vst v63  }
0x29: {  	_ =	swait.ge [sflag:s3], $0x14000  }
0x2a: {  	[sflag:s3] =	ssyncset.done $0x0  }
0x2b: {  	[sflag:s3] =	ssyncadd.s32 $0xFFFEC000  }
0x2c: {  	[tilespmem:s6], [sflag:$0x2] =	stream.linear.gather [hbm4b:s10+s2], $0x988, $0x38;
	[tilespmem:$0x15388] =	vst v63  }
0x2d: {  	_ =	swait.ge [sflag:s3], $0x988  }
0x2e: {  	[sflag:s3] =	ssyncset.done $0x0  }
0x2f: {  	[sflag:s3] =	ssyncadd.s32 $0xFFFFF678  }
0x30: {  	[tilespmem:s7], [sflag:$0x1] =	stream.indirect.gather [hbm4b:s5+s11], $0x20, s6, s11, $0xb8;
	[tilespmem:$0x15388] =	vst v63  }
0x31: {  	_ =	swait.ge [sflag:s8], $0x13100  }
.Ltmp1:
0x32: {  	[sflag:s8] =	ssyncset.done $0x0;
	(pc) =	sbr.rel @p0 .LBB2_1-.Ltmp1, $4  }
0x33: {  	[sflag:s8] =	ssyncadd.s32 $0xFFFECF00  }
0x34: {  	[hbm4b:s12+s2] =	stream.linear.scatter [tilespmem:s7], [sflag:$0x2], $0x13100, $0x38;
	[tilespmem:$0x15388] =	vst v63  }
0x35: {  	_ =	swait.ge [sflag:s3], $0x13100  }
0x36: {  	[sflag:s3] =	ssyncset.done $0x0  }
.LBB2_2:
0x37: {  	[sflag:s3] =	ssyncadd.s32 $0xFFFECF00  }
0x38: {  	_ =	sfence.sel $0x180000  }
0x39: {  	[bflag:$0x0] =	sbarrier.arrive $0xFFFF  }
0x3a: {  	p0 =	sne.s32 s0, $0x0;
	_ =	strace $0x9000004D  }
0x3b: {  	s0 =	sadd.s32 @!p0 $0x100000, s1;
	[bflag:$0x2] =	sbarrier.arrive $0xFFFF  }
0x3c: {  	[sflag:s0] =	ssyncadd.tile.s32 @!p0 $0x1;
	_ =	shalt  }
.Lfunc_end2:
_tile_overlayer_lowered:
.L_overlay_start_2:
0x3d: {  	(tag) =	ssettag $0x2  }
0x3e: {  	s0 =	rddreg [dreg:$0x0];
	s2 =	stileid.u32  }
0x3f: {  	s1 =	rddreg [dreg:$0x1];
	p0 =	sne.s32 s2, $0x0  }
0x40: {  	s3 =	rddreg [dreg:$0x2];
	[bflag:$0x3] =	sbarrier.arrive $0xFFFF;
	s2 =	simm.s32 @!p0 $0x1C02  }
0x41: {  	[timem:s3], [sflag:s2] =	dma.local @!p0 [hbm:s0], s1  }
0x42: {  	s0 =	simm.s32 @!p0 $0x2  }
0x43: {  	_ =	swait.ge @!p0 [sflag:s0], s1  }
0x44: {  	s1 =	ssub.s32 @!p0 $0x0, s1;
	[sflag:s0] =	ssyncset.done @!p0 $0x0  }
0x45: {  	[sflag:s0] =	ssyncadd.s32 @!p0 s1  }
0x46: {  	[bflag:$0x3] =	sbarrier.arrive $0xFFFF  }
0x47: {  	_ =	shalt  }

// kernel: kernel.21.cloned.1.call-start
scs
__scs_entry_jumppad:
0x0: {  	(pc) =	sbr.rel $0x88, $3  }
0x1: {  	(tag) =	ssettag $0x0;
	lr =	simm.s32 $0x1  }
0x2: {  	[smem:$0x3F92] =	sst lr;
	_ =	strace $0xD0000000  }
0x3: {  	_ = 	snop  }
0x4: {  	_ = 	snop  }
0x5: {  	_ = 	snop  }
0x6: {  	_ = 	snop  }
0x7: {  	_ = 	snop  }
__scs_overlays_trampoline_lowered:
0x8: {  	[smem:$0x3FA1] =	sst s0  }
0x9: {  	[smem:$0x3FA2] =	sst s1  }
0xa: {  	[smem:$0x3FA3] =	sst s2  }
0xb: {  	[smem:$0x3FA4] =	sst s3  }
0xc: {  	[smem:$0x3FA5] =	sst s4  }
0xd: {  	[smem:$0x3FA6] =	sst s5  }
0xe: {  	[smem:$0x3FA7] =	sst s6  }
0xf: {  	[smem:$0x3FA8] =	sst s7  }
0x10: {  	[smem:$0x3FA9] =	sst s8  }
0x11: {  	[smem:$0x3FAA] =	sst s9;
	s0 =	simm.s32 @!p0 $0x0  }
0x12: {  	s1 =	sld [smem:$0x3F90];
	s0 =	simm.s32 @p0 $0x1  }
0x13: {  	[smem:$0x3FAB] =	sst s0;
	s0 =	simm.s32 @!p1 $0x0  }
0x14: {  	s2 =	sld [smem:$0x3F8F];
	s0 =	simm.s32 @p1 $0x1  }
0x15: {  	[smem:$0x3FAC] =	sst s0;
	s0 =	simm.s32 @!p2 $0x0  }
0x16: {  	s3 =	sld [smem:$0x3FDB];
	s0 =	simm.s32 @p2 $0x1  }
0x17: {  	s4 =	simm.s32 $0x1BF5;
	[smem:$0x3FAE] =	sst s0  }
0x18: {  	s0 =	sld [smem:$0x3F91];
	_ =	swait.ge [sflag:s4], $0x0  }
0x19: {  	s7 =	sld [smem:$0x3F92]  }
0x1a: {  	s8 =	sadd.s32 $0xFFFFE003, lr  }
0x1b: {  	s9 =	sadd.s32 $0xFFFFFEF7, lr;
	s5 =	simm.s32 $0xFFFFFFFF;
	p2 =	slt.u32 s8, $0xFFFFF086  }
0x1c: {  	p1 =	slt.u32 s9, $0xF7A;
	s5 =	simm.s32 @!p2 $0x0  }
0x1d: {  	s5 =	simm.s32 @p1 $0x1;
	p0 =	seq.s32 s7, s2  }
0x1e: {  	s7 =	smul.u32 @!p0 $0xF7A, s2;
	p2 =	seq.s32 @!p0 s5, $0x0  }
0x1f: {  	s9 =	smul.u32 $0xF7A, s1;
	s8 =	simm.s32 @!p0 $0x1BF5;
	p2 =	por !p2, p0  }
0x20: {  	[sflag:s8] =	ssyncset.s32 @!p0 $0xFFFFF086;
	s6 =	sadd.s32 @!p0 s3, s7;
	s7 =	simm.s32 @!p0 $0x108  }
0x21: {  	s3 =	sadd.s32 s3, s9;
	s6 =	sadd.s32 @!p0 $0x88, s6;
	s7 =	simm.s32 @p2 $0x1082  }
0x22: {  	[simem:s7], [sflag:s8] =	dma.local @!p0 [hbm:s6], $0xF7A  }
0x23: {  	s9 =	sor.u32 $0xD0000000, s2;
	s6 =	simm.s32 $0x108;
	_ =	swait.ge @!p0 [sflag:s8], $0x0  }
0x24: {  	s3 =	sadd.s32 $0x88, s3;
	s6 =	simm.s32 @!p1 $0x1082;
	[sflag:s4] =	ssyncset.s32 $0xFFFFF086  }
0x25: {  	[simem:s6], [sflag:s4] =	dma.local [hbm:s3], $0xF7A  }
0x26: {  	[smem:$0x3F92] =	sst s1;
	(tag) =	ssettag s2;
	_ =	strace s9  }
0x27: {  	s1 =	sld [smem:$0x3FA2]  }
0x28: {  	s2 =	sld [smem:$0x3FA3]  }
0x29: {  	s4 =	sld [smem:$0x3FA5]  }
0x2a: {  	p0 =	seq.s32 s5, $0x0;
	s5 =	sld [smem:$0x3FA6]  }
0x2b: {  	s6 =	sld [smem:$0x3FA7]  }
0x2c: {  	s7 =	sld [smem:$0x3FA8]  }
0x2d: {  	s3 =	simm.s32 $0x108;
	s8 =	sld [smem:$0x3FA9]  }
0x2e: {  	s3 =	simm.s32 @!p0 $0x1082;
	s9 =	sld [smem:$0x3FAA]  }
0x2f: {  	lr =	sadd.s32 s0, s3;
	s0 =	sld [smem:$0x3FA1]  }
0x30: {  	s3 =	sld [smem:$0x3FA4]  }
0x31: {  	[smem:$0x3FAD] =	sst s10  }
0x32: {  	s10 =	sld [smem:$0x3FAB];
	_ =	sdelay $0x3  }
0x33: {  	p0 =	seq.s32 s10, $0x1;
	s10 =	sld [smem:$0x3FAD];
	_ =	sdelay $0x3  }
0x34: {  	[smem:$0x3FAD] =	sst s10  }
0x35: {  	s10 =	sld [smem:$0x3FAC];
	_ =	sdelay $0x3  }
0x36: {  	p1 =	seq.s32 s10, $0x1;
	s10 =	sld [smem:$0x3FAD];
	_ =	sdelay $0x3  }
0x37: {  	[smem:$0x3FAD] =	sst s10  }
0x38: {  	s10 =	sld [smem:$0x3FAE]  }
0x39: {  	_ = 	snop;
	(pc) =	sbr.ind lr, $3  }
0x3a: {  	_ = 	snop  }
0x3b: {  	_ = 	snop  }
0x3c: {  	p2 =	seq.s32 s10, $0x1;
	s10 =	sld [smem:$0x3FAD]  }
0x3d: {  	_ =	shalt  }
0x3e: {  	_ =	shalt  }
0x3f: {  	_ =	shalt  }
0x40: {  	_ =	shalt  }
0x41: {  	_ =	shalt  }
0x42: {  	_ =	shalt  }
0x43: {  	_ =	shalt  }
0x44: {  	_ =	shalt  }
0x45: {  	_ =	shalt  }
0x46: {  	_ =	shalt  }
0x47: {  	_ =	shalt  }
0x48: {  	_ =	shalt  }
0x49: {  	_ =	shalt  }
0x4a: {  	_ =	shalt  }
0x4b: {  	_ =	shalt  }
0x4c: {  	_ =	shalt  }
0x4d: {  	_ =	shalt  }
0x4e: {  	_ =	shalt  }
0x4f: {  	_ =	shalt  }
0x50: {  	_ =	shalt  }
0x51: {  	_ =	shalt  }
0x52: {  	_ =	shalt  }
0x53: {  	_ =	shalt  }
0x54: {  	_ =	shalt  }
0x55: {  	_ =	shalt  }
0x56: {  	_ =	shalt  }
0x57: {  	_ =	shalt  }
0x58: {  	_ =	shalt  }
0x59: {  	_ =	shalt  }
0x5a: {  	_ =	shalt  }
0x5b: {  	_ =	shalt  }
0x5c: {  	_ =	shalt  }
0x5d: {  	_ =	shalt  }
0x5e: {  	_ =	shalt  }
0x5f: {  	_ =	shalt  }
0x60: {  	_ =	shalt  }
0x61: {  	_ =	shalt  }
0x62: {  	_ =	shalt  }
0x63: {  	_ =	shalt  }
0x64: {  	_ =	shalt  }
0x65: {  	_ =	shalt  }
0x66: {  	_ =	shalt  }
0x67: {  	_ =	shalt  }
0x68: {  	_ =	shalt  }
0x69: {  	_ =	shalt  }
0x6a: {  	_ =	shalt  }
0x6b: {  	_ =	shalt  }
0x6c: {  	_ =	shalt  }
0x6d: {  	_ =	shalt  }
0x6e: {  	_ =	shalt  }
0x6f: {  	_ =	shalt  }
0x70: {  	_ =	shalt  }
0x71: {  	_ =	shalt  }
0x72: {  	_ =	shalt  }
0x73: {  	_ =	shalt  }
0x74: {  	_ =	shalt  }
0x75: {  	_ =	shalt  }
0x76: {  	_ =	shalt  }
0x77: {  	_ =	shalt  }
0x78: {  	_ =	shalt  }
0x79: {  	_ =	shalt  }
0x7a: {  	_ =	shalt  }
0x7b: {  	_ =	shalt  }
0x7c: {  	_ =	shalt  }
0x7d: {  	_ =	shalt  }
0x7e: {  	_ =	shalt  }
0x7f: {  	_ =	shalt  }
0x80: {  	_ =	shalt  }
0x81: {  	_ =	shalt  }
0x82: {  	_ =	shalt  }
0x83: {  	_ =	shalt  }
0x84: {  	_ =	shalt  }
0x85: {  	_ =	shalt  }
0x86: {  	_ =	shalt  }
0x87: {  	_ =	shalt  }
.Lfunc_end0:
.L_simem_size_0:
called_computation.3_lowered:
.L_overlay_start_0:
0x88: {  	s2 =	sld [smem:$0x3FD9]  }
0x89: {  	s3 =	sld [smem:$0x3FFE];
	_ =	sdelay $0x1  }
0x8a: {  	s1 =	srdreg.scid  }
0x8b: {  	s0 =	sand.u32 $0x1, s1  }
0x8c: {  	s16 =	sshll.u32 s0, $0xA;
	s2 =	sadd.s32 s3, s2  }
0x8d: {  	s2 =	sadd.s32 s2, s16  }
0x8e: {  	[smem:$0x3FB9] =	sst s2  }
0x8f: {  	_ = 	snop  }
0x90: {  	(tm) =	ssettm $0x1  }
0x91: {  	s17 =	sld [smem:$0x3FFB];
	_ =	sdelay $0x3  }
0x92: {  	_ =	strace s17  }
0x93: {  	s2 =	sld [smem:$0x3FFC];
	_ =	sdelay $0x3  }
0x94: {  	_ =	strace s2  }
0x95: {  	s2 =	sld [smem:$0x3FFD];
	_ =	sdelay $0x3  }
0x96: {  	_ =	strace s2  }
0x97: {  	_ =	strace $0x8FFFFFFF  }
0x98: {  	s18 =	sld [smem:$0x3FDB];
	_ =	sdelay $0x1  }
0x99: {  	s19 =	simm.s32 $_scs_section_size  }
0x9a: {  	s4 =	simm.s32 $_size__tile_overlayer_lowered;
	s5 =	simm.s32 $_tile_overlayer_lowered  }
0x9b: {  	s22 =	simm.s32 $0x1BFF;
	s21 =	sshll.u32 s5, $0x1;
	s2 =	sadd.s32 s19, s18  }
0x9c: {  	s6 =	simm.s32 $0x0;
	s20 =	sshll.u32 s4, $0x1;
	s4 =	sadd.s32 s21, s2  }
0x9d: {  	[timem:s6], [sflag:s22] =	dma.local [hbm:s4], s20  }
0x9e: {  	_ =	swait.ge [sflag:s22], s20  }
0x9f: {  	s3 =	ssub.s32 $0x0, s20;
	[sflag:s22] =	ssyncset.done $0x0  }
0xa0: {  	[sflag:s22] =	ssyncadd.s32 s3;
	_ =	sdelay $0x1  }
0xa1: {  	s23 =	simm.s32 $0x1B8B  }
0xa2: {  	_ =	swait.ge [sflag:s23], $0x1  }
0xa3: {  	[sflag:s23] =	ssyncset.done $0x0  }
0xa4: {  	s25 =	simm.s32 $0x1B8E;
	s24 =	sld [smem:$0x3FFE];
	[sflag:s23] =	ssyncadd.s32 $0xFFFFFFFF  }
0xa5: {  	s26 =	simm.s32 $execute0_lowered;
	[smem:$0x3FD2] =	sst s25  }
0xa6: {  	s4 =	sshll.u32 s26, $0x1;
	_ =	strace $0x8000004F;
	[dreg:$0x1] =	wrdreg $0xFFFFFFFF  }
0xa7: {  	s28 =	simm.s32 $_size_execute0_lowered;
	s2 =	sadd.s32 s2, s4;
	[dreg:$0x0] =	wrdreg $0x0  }
0xa8: {  	s4 =	sshll.u32 s28, $0x1;
	[dreg:$0x2] =	wrdreg s2  }
0xa9: {  	[dreg:$0x3] =	wrdreg s4  }
0xaa: {  	[dreg:$0x4] =	wrdreg $0xC0  }
0xab: {  	_ =	task [dreg:s6], $0x5FFFF  }
0xac: {  	[dreg:$0x1] =	wrdreg $0xFFFFFFFF  }
0xad: {  	[dreg:$0x0] =	wrdreg $0x60  }
0xae: {  	[dreg:$0x2] =	wrdreg s24  }
0xaf: {  	[dreg:$0x3] =	wrdreg $0x153880  }
0xb0: {  	[dreg:$0x4] =	wrdreg $0x9  }
0xb1: {  	_ =	task.clear_ibuf [dreg:s6], $0x5FFFF;
	_ =	strace $0x9000004F  }
0xb2: {  	s29 =	simm.s32 $0x9;
	_ =	strace $0x80000051  }
0xb3: {  	_ =	swait.ge [sflag:s29], $0x1  }
0xb4: {  	[sflag:s29] =	ssyncadd.s32 $0xFFFFFFFF  }
0xb5: {  	_ =	strace $0x90000051  }
0xb6: {  	_ =	sfence  }
0xb7: {  	s30 =	sld [smem:$0x0];
	_ =	sdelay $0x2  }
0xb8: {  	s31 =	sshll.u32 s1, $0xD;
	s1 =	sshrl.u32 s1, $0x2  }
0xb9: {  	s3 =	sand.u32 $0x4000, s31;
	s1 =	sadd.s32 s1, s30  }
0xba: {  	s0 =	sor.u32 s3, s0;
	s1 =	sshll.u32 s1, $0x11  }
0xbb: {  	s0 =	sor.u32 s1, s0  }
0xbc: {  	s0 =	sadd.s32 $0x8F2B, s0  }
0xbd: {  	[sflag:s0] =	ssyncadd.remote.s32 $0x1  }
0xbe: {  	_ =	sfence.sel $0xFFFF  }
0xbf: {  	[dreg:$0x0] =	wrdreg $0xFFFFFFFF;
	(pc) =	sbr.abs _section_cstart, $3  }
0xc0: {  	[dreg:$0x1] =	wrdreg $0xFFFFFFFF  }
0xc1: {  	_ =	task.clear_ibuf [dreg:s6], $0x2FFFF;
	_ =	strace $0x9FFFFFFF  }
0xc2: {  	(tm) =	ssettm $0x7FFFFFFF  }
0xc3: {  	_ =	shalt  }
tec
execute0_lowered:
.L_overlay_start_1:
0x0: {  	(tag) =	ssettag $0x1  }
0x1: {  	s15 =	rddreg [dreg:$0x0]  }
0x2: {  	s2 =	rddreg [dreg:$0x1];
	s1 =	stileid.u32  }
0x3: {  	s0 =	rddreg [dreg:$0x2];
	s3 =	simm.s32 $0x0;
	s4 =	srdreg.scid  }
0x4: {  	s16 =	smul.u32 $0x5000, s1;
	[smem:$0x7FF] =	sst s3  }
0x5: {  	s17 =	sand.u32 $0x1, s4;
	s25 =	sshll.u32 s1, $0x1;
	s26 =	sshll.u32 s1, $0x6  }
0x6: {  	_ =	strace $0x80000050;
	s5 =	sshrl.u32 s16, $0x3;
	s6 =	sadd.s32 s16, s2  }
0x7: {  	s9 =	sor.u32 s17, s25;
	s5 =	sadd.s32 s5, s15;
	s7 =	sshrl.u32 s6, $0x3  }
0x8: {  	s6 =	simm.s32 $0x1;
	s4 =	sadd.s32 $0x4200, s5;
	s5 =	sor.u32 $0x1C01, s26  }
0x9: {  	[spmem:s7], [sflag:s5] =	dma.local [hbm:s4], $0xA00  }
0xa: {  	s12 =	smul.u32 $0x1388, s9;
	_ =	swait.ge [sflag:s6], $0xA00  }
0xb: {  	[sflag:s6] =	ssyncset.done $0x0  }
0xc: {  	s13 =	sadd.s32 $0xE200, s15;
	s8 =	sshrl.u32 s12, $0x3;
	[sflag:s6] =	ssyncadd.s32 $0xFFFFF600  }
0xd: {  	s8 =	sadd.s32 s13, s8;
	[bflag:$0x0] =	sbarrier.arrive $0xFFFF  }
0xe: {  	[tilespmem:s3], [sflag:$0x1] =	stream.linear.gather [hbm4b:s8+s3], $0xA00, $0x38;
	[tilespmem:$0x1A388] =	vst v63  }
0xf: {  	s9 =	smul.u32 $0x4E20, s9;
	_ =	swait.ge [sflag:s6], $0xA00  }
0x10: {  	s14 =	sadd.s32 $0x40200, s15;
	[sflag:s6] =	ssyncset.done $0x0  }
0x11: {  	s10 =	simm.s32 $0x1388;
	s9 =	sadd.s32 s14, s9;
	[sflag:s6] =	ssyncadd.s32 $0xFFFFF600  }
0x12: {  	[tilespmem:s10], [sflag:$0x1] =	stream.linear.gather [hbm4b:s9+s3], $0x14000, $0x38;
	[tilespmem:$0x1A388] =	vst v63  }
0x13: {  	_ =	swait.ge [sflag:s6], $0x14000  }
0x14: {  	[sflag:s6] =	ssyncset.done $0x0  }
0x15: {  	s11 =	simm.s32 $0xA00;
	[sflag:s6] =	ssyncadd.s32 $0xFFFEC000  }
0x16: {  	[spmem:s2] =	stream.indirect.scatter.add.f32 [tilespmem:s10], [sflag:$0x1], $0x20, s3, s11, $0xb8;
	[tilespmem:$0x1A388] =	vst v63  }
0x17: {  	s18 =	sadd.s32 $0xA00, s12;
	_ =	swait.ge [sflag:s6], $0x14000  }
0x18: {  	s12 =	sshrl.u32 s18, $0x3;
	[sflag:s6] =	ssyncset.done $0x0  }
0x19: {  	s12 =	sadd.s32 s13, s12;
	[sflag:s6] =	ssyncadd.s32 $0xFFFEC000  }
0x1a: {  	[tilespmem:s11], [sflag:$0x1] =	stream.linear.gather [hbm4b:s12+s3], $0x988, $0x38;
	[tilespmem:$0x1A388] =	vst v63  }
0x1b: {  	_ =	swait.ge [sflag:s6], $0x988  }
0x1c: {  	s29 =	smul.u32 $0x50000, s17;
	s28 =	sshll.u32 s18, $0x2;
	[sflag:s6] =	ssyncset.done $0x0  }
0x1d: {  	s17 =	ssub.s32 $0x2, s17;
	s13 =	sadd.s32 s14, s28;
	[sflag:s6] =	ssyncadd.s32 $0xFFFFF678  }
0x1e: {  	[tilespmem:s10], [sflag:$0x1] =	stream.linear.gather [hbm4b:s13+s3], $0x13100, $0x38;
	[tilespmem:$0x1A388] =	vst v63  }
0x1f: {  	s30 =	sshrl.u32 s17, $0x1;
	_ =	swait.ge [sflag:s6], $0x13100  }
0x20: {  	s16 =	sadd.s32 s16, s29;
	s31 =	ssub.s32 s17, s30;
	[sflag:s6] =	ssyncset.done $0x0  }
0x21: {  	s16 =	sshrl.u32 s16, $0x3;
	s14 =	simm.s32 $0x988;
	[sflag:s6] =	ssyncadd.s32 $0xFFFECF00  }
0x22: {  	[spmem:s2] =	stream.indirect.scatter.add.f32 [tilespmem:s10], [sflag:$0x1], $0x20, s11, s14, $0xb8;
	[tilespmem:$0x1A388] =	vst v63  }
0x23: {  	s15 =	sadd.s32 s16, s15;
	s16 =	smax.u32 s31, $0x1;
	_ =	swait.ge [sflag:s6], $0x13100  }
0x24: {  	p0 =	sne.s32 s16, $0x1;
	[sflag:s6] =	ssyncset.done $0x0  }
.Ltmp0:
0x25: {  	[sflag:s6] =	ssyncadd.s32 $0xFFFECF00;
	(pc) =	sbr.rel @!p0 .LBB2_2-.Ltmp0, $4  }
0x26: {  	s15 =	sadd.s32 $0xDC600, s15;
	[bflag:$0x0] =	sbarrier.arrive $0xFFFF  }
0x27: {  	[hbm:s15], [sflag:s5] =	dma.local [spmem:s7], $0xA00  }
0x28: {  	_ =	swait.ge [sflag:s6], $0xA00  }
0x29: {  	s16 =	sadd.s32 $0xFFFFFFFF, s16;
	[sflag:s6] =	ssyncset.done $0x0  }
.LBB2_1:
0x2a: {  	p0 =	sne.s32 s16, $0x1;
	s16 =	sadd.s32 $0xFFFFFFFF, s16;
	[sflag:s6] =	ssyncadd.s32 $0xFFFFF600  }
0x2b: {  	[spmem:s7], [sflag:s5] =	dma.local [hbm:s4], $0xA00  }
0x2c: {  	_ =	swait.ge [sflag:s6], $0xA00  }
0x2d: {  	[sflag:s6] =	ssyncset.done $0x0  }
0x2e: {  	[sflag:s6] =	ssyncadd.s32 $0xFFFFF600  }
0x2f: {  	[bflag:$0x0] =	sbarrier.arrive $0xFFFF  }
0x30: {  	[tilespmem:s3], [sflag:$0x1] =	stream.linear.gather [hbm4b:s8+s3], $0xA00, $0x38;
	[tilespmem:$0x1A388] =	vst v63  }
0x31: {  	_ =	swait.ge [sflag:s6], $0xA00  }
0x32: {  	[sflag:s6] =	ssyncset.done $0x0  }
0x33: {  	[sflag:s6] =	ssyncadd.s32 $0xFFFFF600  }
0x34: {  	[tilespmem:s10], [sflag:$0x1] =	stream.linear.gather [hbm4b:s9+s3], $0x14000, $0x38;
	[tilespmem:$0x1A388] =	vst v63  }
0x35: {  	_ =	swait.ge [sflag:s6], $0x14000  }
0x36: {  	[sflag:s6] =	ssyncset.done $0x0  }
0x37: {  	[sflag:s6] =	ssyncadd.s32 $0xFFFEC000  }
0x38: {  	[spmem:s2] =	stream.indirect.scatter.add.f32 [tilespmem:s10], [sflag:$0x1], $0x20, s3, s11, $0xb8;
	[tilespmem:$0x1A388] =	vst v63  }
0x39: {  	_ =	swait.ge [sflag:s6], $0x14000  }
0x3a: {  	[sflag:s6] =	ssyncset.done $0x0  }
0x3b: {  	[sflag:s6] =	ssyncadd.s32 $0xFFFEC000  }
0x3c: {  	[tilespmem:s11], [sflag:$0x1] =	stream.linear.gather [hbm4b:s12+s3], $0x988, $0x38;
	[tilespmem:$0x1A388] =	vst v63  }
0x3d: {  	_ =	swait.ge [sflag:s6], $0x988  }
0x3e: {  	[sflag:s6] =	ssyncset.done $0x0  }
0x3f: {  	[sflag:s6] =	ssyncadd.s32 $0xFFFFF678  }
0x40: {  	[tilespmem:s10], [sflag:$0x1] =	stream.linear.gather [hbm4b:s13+s3], $0x13100, $0x38;
	[tilespmem:$0x1A388] =	vst v63  }
0x41: {  	_ =	swait.ge [sflag:s6], $0x13100  }
0x42: {  	[sflag:s6] =	ssyncset.done $0x0  }
0x43: {  	[sflag:s6] =	ssyncadd.s32 $0xFFFECF00  }
0x44: {  	[spmem:s2] =	stream.indirect.scatter.add.f32 [tilespmem:s10], [sflag:$0x1], $0x20, s11, s14, $0xb8;
	[tilespmem:$0x1A388] =	vst v63  }
0x45: {  	_ =	swait.ge [sflag:s6], $0x13100  }
0x46: {  	[sflag:s6] =	ssyncset.done $0x0  }
.Ltmp1:
0x47: {  	[sflag:s6] =	ssyncadd.s32 $0xFFFECF00;
	(pc) =	sbr.rel @p0 .LBB2_1-.Ltmp1, $4  }
0x48: {  	[bflag:$0x0] =	sbarrier.arrive $0xFFFF  }
0x49: {  	[hbm:s15], [sflag:s5] =	dma.local [spmem:s7], $0xA00  }
0x4a: {  	_ =	swait.ge [sflag:s6], $0xA00  }
0x4b: {  	[sflag:s6] =	ssyncset.done $0x0  }
.LBB2_2:
0x4c: {  	[sflag:s6] =	ssyncadd.s32 $0xFFFFF600  }
0x4d: {  	_ =	sfence.sel $0x180000  }
0x4e: {  	[bflag:$0x0] =	sbarrier.arrive $0xFFFF  }
0x4f: {  	p0 =	sne.s32 s1, $0x0;
	_ =	strace $0x90000050  }
0x50: {  	s0 =	sadd.s32 @!p0 $0x100000, s0;
	[bflag:$0x2] =	sbarrier.arrive $0xFFFF  }
0x51: {  	[sflag:s0] =	ssyncadd.tile.s32 @!p0 $0x1;
	_ =	shalt  }
.Lfunc_end2:
_tile_overlayer_lowered:
.L_overlay_start_2:
0x52: {  	(tag) =	ssettag $0x2  }
0x53: {  	s0 =	rddreg [dreg:$0x0];
	s2 =	stileid.u32  }
0x54: {  	s1 =	rddreg [dreg:$0x1];
	p0 =	sne.s32 s2, $0x0  }
0x55: {  	s3 =	rddreg [dreg:$0x2];
	[bflag:$0x3] =	sbarrier.arrive $0xFFFF;
	s2 =	simm.s32 @!p0 $0x1C01  }
0x56: {  	[timem:s3], [sflag:s2] =	dma.local @!p0 [hbm:s0], s1  }
0x57: {  	s0 =	simm.s32 @!p0 $0x1  }
0x58: {  	_ =	swait.ge @!p0 [sflag:s0], s1  }
0x59: {  	s1 =	ssub.s32 @!p0 $0x0, s1;
	[sflag:s0] =	ssyncset.done @!p0 $0x0  }
0x5a: {  	[sflag:s0] =	ssyncadd.s32 @!p0 s1  }
0x5b: {  	[bflag:$0x3] =	sbarrier.arrive $0xFFFF  }
0x5c: {  	_ =	shalt  }

// kernel: kernel.24.cloned.1.call-start
scs
__scs_entry_jumppad:
0x0: {  	(pc) =	sbr.rel $0x88, $3  }
0x1: {  	(tag) =	ssettag $0x0;
	lr =	simm.s32 $0x1  }
0x2: {  	[smem:$0x3F92] =	sst lr;
	_ =	strace $0xD0000000  }
0x3: {  	_ = 	snop  }
0x4: {  	_ = 	snop  }
0x5: {  	_ = 	snop  }
0x6: {  	_ = 	snop  }
0x7: {  	_ = 	snop  }
__scs_overlays_trampoline_lowered:
0x8: {  	[smem:$0x3FA1] =	sst s0  }
0x9: {  	[smem:$0x3FA2] =	sst s1  }
0xa: {  	[smem:$0x3FA3] =	sst s2  }
0xb: {  	[smem:$0x3FA4] =	sst s3  }
0xc: {  	[smem:$0x3FA5] =	sst s4  }
0xd: {  	[smem:$0x3FA6] =	sst s5  }
0xe: {  	[smem:$0x3FA7] =	sst s6  }
0xf: {  	[smem:$0x3FA8] =	sst s7  }
0x10: {  	[smem:$0x3FA9] =	sst s8  }
0x11: {  	[smem:$0x3FAA] =	sst s9;
	s0 =	simm.s32 @!p0 $0x0  }
0x12: {  	s1 =	sld [smem:$0x3F90];
	s0 =	simm.s32 @p0 $0x1  }
0x13: {  	[smem:$0x3FAB] =	sst s0;
	s0 =	simm.s32 @!p1 $0x0  }
0x14: {  	s2 =	sld [smem:$0x3F8F];
	s0 =	simm.s32 @p1 $0x1  }
0x15: {  	[smem:$0x3FAC] =	sst s0;
	s0 =	simm.s32 @!p2 $0x0  }
0x16: {  	s3 =	sld [smem:$0x3FDB];
	s0 =	simm.s32 @p2 $0x1  }
0x17: {  	s4 =	simm.s32 $0x1BF5;
	[smem:$0x3FAE] =	sst s0  }
0x18: {  	s0 =	sld [smem:$0x3F91];
	_ =	swait.ge [sflag:s4], $0x0  }
0x19: {  	s7 =	sld [smem:$0x3F92]  }
0x1a: {  	s8 =	sadd.s32 $0xFFFFE003, lr  }
0x1b: {  	s9 =	sadd.s32 $0xFFFFFEF7, lr;
	s5 =	simm.s32 $0xFFFFFFFF;
	p2 =	slt.u32 s8, $0xFFFFF086  }
0x1c: {  	p1 =	slt.u32 s9, $0xF7A;
	s5 =	simm.s32 @!p2 $0x0  }
0x1d: {  	s5 =	simm.s32 @p1 $0x1;
	p0 =	seq.s32 s7, s2  }
0x1e: {  	s7 =	smul.u32 @!p0 $0xF7A, s2;
	p2 =	seq.s32 @!p0 s5, $0x0  }
0x1f: {  	s9 =	smul.u32 $0xF7A, s1;
	s8 =	simm.s32 @!p0 $0x1BF5;
	p2 =	por !p2, p0  }
0x20: {  	[sflag:s8] =	ssyncset.s32 @!p0 $0xFFFFF086;
	s6 =	sadd.s32 @!p0 s3, s7;
	s7 =	simm.s32 @!p0 $0x108  }
0x21: {  	s3 =	sadd.s32 s3, s9;
	s6 =	sadd.s32 @!p0 $0x88, s6;
	s7 =	simm.s32 @p2 $0x1082  }
0x22: {  	[simem:s7], [sflag:s8] =	dma.local @!p0 [hbm:s6], $0xF7A  }
0x23: {  	s9 =	sor.u32 $0xD0000000, s2;
	s6 =	simm.s32 $0x108;
	_ =	swait.ge @!p0 [sflag:s8], $0x0  }
0x24: {  	s3 =	sadd.s32 $0x88, s3;
	s6 =	simm.s32 @!p1 $0x1082;
	[sflag:s4] =	ssyncset.s32 $0xFFFFF086  }
0x25: {  	[simem:s6], [sflag:s4] =	dma.local [hbm:s3], $0xF7A  }
0x26: {  	[smem:$0x3F92] =	sst s1;
	(tag) =	ssettag s2;
	_ =	strace s9  }
0x27: {  	s1 =	sld [smem:$0x3FA2]  }
0x28: {  	s2 =	sld [smem:$0x3FA3]  }
0x29: {  	s4 =	sld [smem:$0x3FA5]  }
0x2a: {  	p0 =	seq.s32 s5, $0x0;
	s5 =	sld [smem:$0x3FA6]  }
0x2b: {  	s6 =	sld [smem:$0x3FA7]  }
0x2c: {  	s7 =	sld [smem:$0x3FA8]  }
0x2d: {  	s3 =	simm.s32 $0x108;
	s8 =	sld [smem:$0x3FA9]  }
0x2e: {  	s3 =	simm.s32 @!p0 $0x1082;
	s9 =	sld [smem:$0x3FAA]  }
0x2f: {  	lr =	sadd.s32 s0, s3;
	s0 =	sld [smem:$0x3FA1]  }
0x30: {  	s3 =	sld [smem:$0x3FA4]  }
0x31: {  	[smem:$0x3FAD] =	sst s10  }
0x32: {  	s10 =	sld [smem:$0x3FAB];
	_ =	sdelay $0x3  }
0x33: {  	p0 =	seq.s32 s10, $0x1;
	s10 =	sld [smem:$0x3FAD];
	_ =	sdelay $0x3  }
0x34: {  	[smem:$0x3FAD] =	sst s10  }
0x35: {  	s10 =	sld [smem:$0x3FAC];
	_ =	sdelay $0x3  }
0x36: {  	p1 =	seq.s32 s10, $0x1;
	s10 =	sld [smem:$0x3FAD];
	_ =	sdelay $0x3  }
0x37: {  	[smem:$0x3FAD] =	sst s10  }
0x38: {  	s10 =	sld [smem:$0x3FAE]  }
0x39: {  	_ = 	snop;
	(pc) =	sbr.ind lr, $3  }
0x3a: {  	_ = 	snop  }
0x3b: {  	_ = 	snop  }
0x3c: {  	p2 =	seq.s32 s10, $0x1;
	s10 =	sld [smem:$0x3FAD]  }
0x3d: {  	_ =	shalt  }
0x3e: {  	_ =	shalt  }
0x3f: {  	_ =	shalt  }
0x40: {  	_ =	shalt  }
0x41: {  	_ =	shalt  }
0x42: {  	_ =	shalt  }
0x43: {  	_ =	shalt  }
0x44: {  	_ =	shalt  }
0x45: {  	_ =	shalt  }
0x46: {  	_ =	shalt  }
0x47: {  	_ =	shalt  }
0x48: {  	_ =	shalt  }
0x49: {  	_ =	shalt  }
0x4a: {  	_ =	shalt  }
0x4b: {  	_ =	shalt  }
0x4c: {  	_ =	shalt  }
0x4d: {  	_ =	shalt  }
0x4e: {  	_ =	shalt  }
0x4f: {  	_ =	shalt  }
0x50: {  	_ =	shalt  }
0x51: {  	_ =	shalt  }
0x52: {  	_ =	shalt  }
0x53: {  	_ =	shalt  }
0x54: {  	_ =	shalt  }
0x55: {  	_ =	shalt  }
0x56: {  	_ =	shalt  }
0x57: {  	_ =	shalt  }
0x58: {  	_ =	shalt  }
0x59: {  	_ =	shalt  }
0x5a: {  	_ =	shalt  }
0x5b: {  	_ =	shalt  }
0x5c: {  	_ =	shalt  }
0x5d: {  	_ =	shalt  }
0x5e: {  	_ =	shalt  }
0x5f: {  	_ =	shalt  }
0x60: {  	_ =	shalt  }
0x61: {  	_ =	shalt  }
0x62: {  	_ =	shalt  }
0x63: {  	_ =	shalt  }
0x64: {  	_ =	shalt  }
0x65: {  	_ =	shalt  }
0x66: {  	_ =	shalt  }
0x67: {  	_ =	shalt  }
0x68: {  	_ =	shalt  }
0x69: {  	_ =	shalt  }
0x6a: {  	_ =	shalt  }
0x6b: {  	_ =	shalt  }
0x6c: {  	_ =	shalt  }
0x6d: {  	_ =	shalt  }
0x6e: {  	_ =	shalt  }
0x6f: {  	_ =	shalt  }
0x70: {  	_ =	shalt  }
0x71: {  	_ =	shalt  }
0x72: {  	_ =	shalt  }
0x73: {  	_ =	shalt  }
0x74: {  	_ =	shalt  }
0x75: {  	_ =	shalt  }
0x76: {  	_ =	shalt  }
0x77: {  	_ =	shalt  }
0x78: {  	_ =	shalt  }
0x79: {  	_ =	shalt  }
0x7a: {  	_ =	shalt  }
0x7b: {  	_ =	shalt  }
0x7c: {  	_ =	shalt  }
0x7d: {  	_ =	shalt  }
0x7e: {  	_ =	shalt  }
0x7f: {  	_ =	shalt  }
0x80: {  	_ =	shalt  }
0x81: {  	_ =	shalt  }
0x82: {  	_ =	shalt  }
0x83: {  	_ =	shalt  }
0x84: {  	_ =	shalt  }
0x85: {  	_ =	shalt  }
0x86: {  	_ =	shalt  }
0x87: {  	_ =	shalt  }
.Lfunc_end0:
.L_simem_size_0:
called_computation.4_lowered:
.L_overlay_start_0:
0x88: {  	s2 =	sld [smem:$0x3FD9]  }
0x89: {  	s3 =	sld [smem:$0x3FFE];
	_ =	sdelay $0x1  }
0x8a: {  	s1 =	srdreg.scid  }
0x8b: {  	s0 =	sand.u32 $0x1, s1  }
0x8c: {  	s16 =	sshll.u32 s0, $0xA;
	s2 =	sadd.s32 s3, s2  }
0x8d: {  	s2 =	sadd.s32 s2, s16  }
0x8e: {  	[smem:$0x3FB9] =	sst s2  }
0x8f: {  	_ = 	snop  }
0x90: {  	(tm) =	ssettm $0x1  }
0x91: {  	s17 =	sld [smem:$0x3FFB];
	_ =	sdelay $0x3  }
0x92: {  	_ =	strace s17  }
0x93: {  	s2 =	sld [smem:$0x3FFC];
	_ =	sdelay $0x3  }
0x94: {  	_ =	strace s2  }
0x95: {  	s2 =	sld [smem:$0x3FFD];
	_ =	sdelay $0x3  }
0x96: {  	_ =	strace s2  }
0x97: {  	_ =	strace $0x8FFFFFFF  }
0x98: {  	s18 =	sld [smem:$0x3FDB];
	_ =	sdelay $0x1  }
0x99: {  	s19 =	simm.s32 $_scs_section_size  }
0x9a: {  	s4 =	simm.s32 $_size__tile_overlayer_lowered;
	s5 =	simm.s32 $_tile_overlayer_lowered  }
0x9b: {  	s22 =	simm.s32 $0x1BFF;
	s21 =	sshll.u32 s5, $0x1;
	s2 =	sadd.s32 s19, s18  }
0x9c: {  	s6 =	simm.s32 $0x0;
	s20 =	sshll.u32 s4, $0x1;
	s4 =	sadd.s32 s21, s2  }
0x9d: {  	[timem:s6], [sflag:s22] =	dma.local [hbm:s4], s20  }
0x9e: {  	_ =	swait.ge [sflag:s22], s20  }
0x9f: {  	s3 =	ssub.s32 $0x0, s20;
	[sflag:s22] =	ssyncset.done $0x0  }
0xa0: {  	[sflag:s22] =	ssyncadd.s32 s3;
	_ =	sdelay $0x1  }
0xa1: {  	s23 =	simm.s32 $0x1B8B  }
0xa2: {  	_ =	swait.ge [sflag:s23], $0x1  }
0xa3: {  	[sflag:s23] =	ssyncset.done $0x0  }
0xa4: {  	s25 =	simm.s32 $0x1B8E;
	s24 =	sld [smem:$0x3FFE];
	[sflag:s23] =	ssyncadd.s32 $0xFFFFFFFF  }
0xa5: {  	s26 =	simm.s32 $execute0_lowered;
	[smem:$0x3FD2] =	sst s25  }
0xa6: {  	s4 =	sshll.u32 s26, $0x1;
	_ =	strace $0x80000052;
	[dreg:$0x1] =	wrdreg $0xFFFFFFFF  }
0xa7: {  	s28 =	simm.s32 $_size_execute0_lowered;
	s2 =	sadd.s32 s2, s4;
	[dreg:$0x0] =	wrdreg $0x0  }
0xa8: {  	s4 =	sshll.u32 s28, $0x1;
	[dreg:$0x2] =	wrdreg s2  }
0xa9: {  	[dreg:$0x3] =	wrdreg s4  }
0xaa: {  	[dreg:$0x4] =	wrdreg $0xC0  }
0xab: {  	_ =	task [dreg:s6], $0x5FFFF  }
0xac: {  	[dreg:$0x1] =	wrdreg $0xFFFFFFFF  }
0xad: {  	[dreg:$0x0] =	wrdreg $0x60  }
0xae: {  	[dreg:$0x2] =	wrdreg s24  }
0xaf: {  	[dreg:$0x3] =	wrdreg $0xC7100  }
0xb0: {  	[dreg:$0x4] =	wrdreg $0x9  }
0xb1: {  	_ =	task.clear_ibuf [dreg:s6], $0x5FFFF;
	_ =	strace $0x90000052  }
0xb2: {  	s29 =	simm.s32 $0x9;
	_ =	strace $0x80000054  }
0xb3: {  	_ =	swait.ge [sflag:s29], $0x1  }
0xb4: {  	[sflag:s29] =	ssyncadd.s32 $0xFFFFFFFF  }
0xb5: {  	_ =	strace $0x90000054  }
0xb6: {  	_ =	sfence  }
0xb7: {  	s30 =	sld [smem:$0x0];
	_ =	sdelay $0x2  }
0xb8: {  	s31 =	sshll.u32 s1, $0xD;
	s1 =	sshrl.u32 s1, $0x2  }
0xb9: {  	s3 =	sand.u32 $0x4000, s31;
	s1 =	sadd.s32 s1, s30  }
0xba: {  	s0 =	sor.u32 s3, s0;
	s1 =	sshll.u32 s1, $0x11  }
0xbb: {  	s0 =	sor.u32 s1, s0  }
0xbc: {  	s0 =	sadd.s32 $0x8F2B, s0  }
0xbd: {  	[sflag:s0] =	ssyncadd.remote.s32 $0x1  }
0xbe: {  	_ =	sfence.sel $0xFFFF  }
0xbf: {  	[dreg:$0x0] =	wrdreg $0xFFFFFFFF;
	(pc) =	sbr.abs _section_cstart, $3  }
0xc0: {  	[dreg:$0x1] =	wrdreg $0xFFFFFFFF  }
0xc1: {  	_ =	task.clear_ibuf [dreg:s6], $0x2FFFF;
	_ =	strace $0x9FFFFFFF  }
0xc2: {  	(tm) =	ssettm $0x7FFFFFFF  }
0xc3: {  	_ =	shalt  }
tec
execute0_lowered:
.L_overlay_start_1:
0x0: {  	(tag) =	ssettag $0x1  }
0x1: {  	s19 =	rddreg [dreg:$0x0]  }
0x2: {  	s0 =	stileid.u32;
	s2 =	rddreg [dreg:$0x1]  }
0x3: {  	s1 =	rddreg [dreg:$0x2];
	s3 =	simm.s32 $0x0;
	s5 =	srdreg.scid  }
0x4: {  	s20 =	smul.u32 $0x2800, s0;
	[smem:$0x7FF] =	sst s3  }
0x5: {  	s21 =	sand.u32 $0x1, s5;
	s28 =	sshll.u32 s0, $0x1;
	s29 =	sshll.u32 s0, $0x6  }
0x6: {  	_ =	strace $0x80000053;
	s8 =	sor.u32 s21, s28;
	s4 =	sshrl.u32 s20, $0x3  }
0x7: {  	s5 =	sor.u32 $0x1C02, s29;
	s6 =	sadd.s32 s20, s2;
	s4 =	sadd.s32 s4, s19  }
0x8: {  	s7 =	sshrl.u32 s6, $0x3;
	s6 =	simm.s32 $0x2;
	s4 =	sadd.s32 $0x9200, s4  }
0x9: {  	[spmem:s7], [sflag:s5] =	dma.local [hbm:s4], $0x500  }
0xa: {  	s8 =	smul.u32 $0x1388, s8;
	_ =	swait.ge [sflag:s6], $0x500  }
0xb: {  	[sflag:s6] =	ssyncset.done $0x0  }
0xc: {  	s15 =	sadd.s32 $0x13200, s19;
	s16 =	sshrl.u32 s8, $0x3;
	[sflag:s6] =	ssyncadd.s32 $0xFFFFFB00  }
0xd: {  	s8 =	sadd.s32 s15, s16;
	[bflag:$0x0] =	sbarrier.arrive $0xFFFF  }
0xe: {  	[tilespmem:s3], [sflag:$0x2] =	stream.linear.gather [hbm4b:s8+s3], $0xA00, $0x38;
	[tilespmem:$0xEF10] =	vst v63  }
0xf: {  	_ =	swait.ge [sflag:s6], $0xA00  }
0x10: {  	s17 =	sadd.s32 $0xE200, s19;
	[sflag:s6] =	ssyncset.done $0x0  }
0x11: {  	s10 =	simm.s32 $0x1388;
	s9 =	sadd.s32 s17, s16;
	[sflag:s6] =	ssyncadd.s32 $0xFFFFF600  }
0x12: {  	[tilespmem:s10], [sflag:$0x2] =	stream.linear.gather [hbm4b:s9+s3], $0xA00, $0x38;
	[tilespmem:$0xEF10] =	vst v63  }
0x13: {  	_ =	swait.ge [sflag:s6], $0xA00  }
0x14: {  	s12 =	simm.s32 $0xA00;
	s13 =	simm.s32 $0x2710;
	[sflag:s6] =	ssyncset.done $0x0  }
0x15: {  	s14 =	simm.s32 $0x1;
	s11 =	sadd.s32 $0x4200, s19;
	[sflag:s6] =	ssyncadd.s32 $0xFFFFF600  }
0x16: {  	[tilespmem:s13], [sflag:$0x1] =	stream.indirect.gather [hbm4b:s11+s12], $0x10, s3, s12, $0xb8;
	[tilespmem:$0xEF10] =	vst v63  }
0x17: {  	_ =	swait.ge [sflag:s14], $0xA000  }
0x18: {  	[sflag:s14] =	ssyncset.done $0x0  }
0x19: {  	[sflag:s14] =	ssyncadd.s32 $0xFFFF6000  }
0x1a: {  	[spmem:s2] =	stream.indirect.scatter.add.f32 [tilespmem:s13], [sflag:$0x2], $0x10, s10, s12, $0xb8;
	[tilespmem:$0xEF10] =	vst v63  }
0x1b: {  	_ =	swait.ge [sflag:s6], $0xA000  }
0x1c: {  	s16 =	sadd.s32 $0x140, s16;
	[sflag:s6] =	ssyncset.done $0x0  }
0x1d: {  	s15 =	sadd.s32 s15, s16;
	[sflag:s6] =	ssyncadd.s32 $0xFFFF6000  }
0x1e: {  	[tilespmem:s12], [sflag:$0x2] =	stream.linear.gather [hbm4b:s15+s3], $0x988, $0x38;
	[tilespmem:$0xEF10] =	vst v63  }
0x1f: {  	_ =	swait.ge [sflag:s6], $0x988  }
0x20: {  	[sflag:s6] =	ssyncset.done $0x0  }
0x21: {  	s16 =	sadd.s32 s17, s16;
	s17 =	simm.s32 $0x1D88;
	[sflag:s6] =	ssyncadd.s32 $0xFFFFF678  }
0x22: {  	[tilespmem:s17], [sflag:$0x2] =	stream.linear.gather [hbm4b:s16+s3], $0x988, $0x38;
	[tilespmem:$0xEF10] =	vst v63  }
0x23: {  	_ =	swait.ge [sflag:s6], $0x988  }
0x24: {  	[sflag:s6] =	ssyncset.done $0x0  }
0x25: {  	s18 =	simm.s32 $0x988;
	s22 =	smul.u32 $0x28000, s21;
	[sflag:s6] =	ssyncadd.s32 $0xFFFFF678  }
0x26: {  	[tilespmem:s13], [sflag:$0x1] =	stream.indirect.gather [hbm4b:s11+s18], $0x10, s12, s18, $0xb8;
	[tilespmem:$0xEF10] =	vst v63  }
0x27: {  	s21 =	ssub.s32 $0x2, s21;
	_ =	swait.ge [sflag:s14], $0x9880  }
0x28: {  	s30 =	sshrl.u32 s21, $0x1;
	s20 =	sadd.s32 s20, s22;
	[sflag:s14] =	ssyncset.done $0x0  }
0x29: {  	s31 =	ssub.s32 s21, s30;
	s20 =	sshrl.u32 s20, $0x3;
	[sflag:s14] =	ssyncadd.s32 $0xFFFF6780  }
0x2a: {  	[spmem:s2] =	stream.indirect.scatter.add.f32 [tilespmem:s13], [sflag:$0x2], $0x10, s17, s18, $0xb8;
	[tilespmem:$0xEF10] =	vst v63  }
0x2b: {  	s19 =	sadd.s32 s20, s19;
	s20 =	smax.u32 s31, $0x1;
	_ =	swait.ge [sflag:s6], $0x9880  }
0x2c: {  	p0 =	sne.s32 s20, $0x1;
	[sflag:s6] =	ssyncset.done $0x0  }
.Ltmp0:
0x2d: {  	[sflag:s6] =	ssyncadd.s32 $0xFFFF6780;
	(pc) =	sbr.rel @!p0 .LBB2_2-.Ltmp0, $4  }
0x2e: {  	s19 =	sadd.s32 $0x18200, s19;
	[bflag:$0x0] =	sbarrier.arrive $0xFFFF  }
0x2f: {  	[hbm:s19], [sflag:s5] =	dma.local [spmem:s7], $0x500  }
0x30: {  	_ =	swait.ge [sflag:s6], $0x500  }
0x31: {  	s20 =	sadd.s32 $0xFFFFFFFF, s20;
	[sflag:s6] =	ssyncset.done $0x0  }
.LBB2_1:
0x32: {  	p0 =	sne.s32 s20, $0x1;
	s20 =	sadd.s32 $0xFFFFFFFF, s20;
	[sflag:s6] =	ssyncadd.s32 $0xFFFFFB00  }
0x33: {  	[spmem:s7], [sflag:s5] =	dma.local [hbm:s4], $0x500  }
0x34: {  	_ =	swait.ge [sflag:s6], $0x500  }
0x35: {  	[sflag:s6] =	ssyncset.done $0x0  }
0x36: {  	[sflag:s6] =	ssyncadd.s32 $0xFFFFFB00  }
0x37: {  	[bflag:$0x0] =	sbarrier.arrive $0xFFFF  }
0x38: {  	[tilespmem:s3], [sflag:$0x2] =	stream.linear.gather [hbm4b:s8+s3], $0xA00, $0x38;
	[tilespmem:$0xEF10] =	vst v63  }
0x39: {  	_ =	swait.ge [sflag:s6], $0xA00  }
0x3a: {  	[sflag:s6] =	ssyncset.done $0x0  }
0x3b: {  	[sflag:s6] =	ssyncadd.s32 $0xFFFFF600  }
0x3c: {  	[tilespmem:s10], [sflag:$0x2] =	stream.linear.gather [hbm4b:s9+s3], $0xA00, $0x38;
	[tilespmem:$0xEF10] =	vst v63  }
0x3d: {  	_ =	swait.ge [sflag:s6], $0xA00  }
0x3e: {  	[sflag:s6] =	ssyncset.done $0x0  }
0x3f: {  	[sflag:s6] =	ssyncadd.s32 $0xFFFFF600  }
0x40: {  	[tilespmem:s13], [sflag:$0x1] =	stream.indirect.gather [hbm4b:s11+s12], $0x10, s3, s12, $0xb8;
	[tilespmem:$0xEF10] =	vst v63  }
0x41: {  	_ =	swait.ge [sflag:s14], $0xA000  }
0x42: {  	[sflag:s14] =	ssyncset.done $0x0  }
0x43: {  	[sflag:s14] =	ssyncadd.s32 $0xFFFF6000  }
0x44: {  	[spmem:s2] =	stream.indirect.scatter.add.f32 [tilespmem:s13], [sflag:$0x2], $0x10, s10, s12, $0xb8;
	[tilespmem:$0xEF10] =	vst v63  }
0x45: {  	_ =	swait.ge [sflag:s6], $0xA000  }
0x46: {  	[sflag:s6] =	ssyncset.done $0x0  }
0x47: {  	[sflag:s6] =	ssyncadd.s32 $0xFFFF6000  }
0x48: {  	[tilespmem:s12], [sflag:$0x2] =	stream.linear.gather [hbm4b:s15+s3], $0x988, $0x38;
	[tilespmem:$0xEF10] =	vst v63  }
0x49: {  	_ =	swait.ge [sflag:s6], $0x988  }
0x4a: {  	[sflag:s6] =	ssyncset.done $0x0  }
0x4b: {  	[sflag:s6] =	ssyncadd.s32 $0xFFFFF678  }
0x4c: {  	[tilespmem:s17], [sflag:$0x2] =	stream.linear.gather [hbm4b:s16+s3], $0x988, $0x38;
	[tilespmem:$0xEF10] =	vst v63  }
0x4d: {  	_ =	swait.ge [sflag:s6], $0x988  }
0x4e: {  	[sflag:s6] =	ssyncset.done $0x0  }
0x4f: {  	[sflag:s6] =	ssyncadd.s32 $0xFFFFF678  }
0x50: {  	[tilespmem:s13], [sflag:$0x1] =	stream.indirect.gather [hbm4b:s11+s18], $0x10, s12, s18, $0xb8;
	[tilespmem:$0xEF10] =	vst v63  }
0x51: {  	_ =	swait.ge [sflag:s14], $0x9880  }
0x52: {  	[sflag:s14] =	ssyncset.done $0x0  }
0x53: {  	[sflag:s14] =	ssyncadd.s32 $0xFFFF6780  }
0x54: {  	[spmem:s2] =	stream.indirect.scatter.add.f32 [tilespmem:s13], [sflag:$0x2], $0x10, s17, s18, $0xb8;
	[tilespmem:$0xEF10] =	vst v63  }
0x55: {  	_ =	swait.ge [sflag:s6], $0x9880  }
0x56: {  	[sflag:s6] =	ssyncset.done $0x0  }
.Ltmp1:
0x57: {  	[sflag:s6] =	ssyncadd.s32 $0xFFFF6780;
	(pc) =	sbr.rel @p0 .LBB2_1-.Ltmp1, $4  }
0x58: {  	[bflag:$0x0] =	sbarrier.arrive $0xFFFF  }
0x59: {  	[hbm:s19], [sflag:s5] =	dma.local [spmem:s7], $0x500  }
0x5a: {  	_ =	swait.ge [sflag:s6], $0x500  }
0x5b: {  	[sflag:s6] =	ssyncset.done $0x0  }
.LBB2_2:
0x5c: {  	[sflag:s6] =	ssyncadd.s32 $0xFFFFFB00  }
0x5d: {  	_ =	sfence.sel $0x180000  }
0x5e: {  	[bflag:$0x0] =	sbarrier.arrive $0xFFFF  }
0x5f: {  	p0 =	sne.s32 s0, $0x0;
	_ =	strace $0x90000053  }
0x60: {  	s0 =	sadd.s32 @!p0 $0x100000, s1;
	[bflag:$0x2] =	sbarrier.arrive $0xFFFF  }
0x61: {  	[sflag:s0] =	ssyncadd.tile.s32 @!p0 $0x1;
	_ =	shalt  }
.Lfunc_end2:
_tile_overlayer_lowered:
.L_overlay_start_2:
0x62: {  	(tag) =	ssettag $0x2  }
0x63: {  	s0 =	rddreg [dreg:$0x0];
	s2 =	stileid.u32  }
0x64: {  	s1 =	rddreg [dreg:$0x1];
	p0 =	sne.s32 s2, $0x0  }
0x65: {  	s3 =	rddreg [dreg:$0x2];
	[bflag:$0x3] =	sbarrier.arrive $0xFFFF;
	s2 =	simm.s32 @!p0 $0x1C02  }
0x66: {  	[timem:s3], [sflag:s2] =	dma.local @!p0 [hbm:s0], s1  }
0x67: {  	s0 =	simm.s32 @!p0 $0x2  }
0x68: {  	_ =	swait.ge @!p0 [sflag:s0], s1  }
0x69: {  	s1 =	ssub.s32 @!p0 $0x0, s1;
	[sflag:s0] =	ssyncset.done @!p0 $0x0  }
0x6a: {  	[sflag:s0] =	ssyncadd.s32 @!p0 s1  }
0x6b: {  	[bflag:$0x3] =	sbarrier.arrive $0xFFFF  }
0x6c: {  	_ =	shalt  }

</sc_bundles>
